<compile_context>
chip_gen: v7x
topology: tpu7x:2x2x1
jax: 0.10.2.dev20260603
libtpu: 0.0.44.dev20260713+nightly
codegen_flags: <defaults>
</compile_context>

<pallas_src>
import jax
import jax.numpy as jnp
from jax import lax
from jax.experimental import pallas as pl
from jax.experimental.pallas import tpu as pltpu
from jax.experimental.pallas import tpu_sc as plsc

_B, _S, _D = 4, 2048, 1024
_NW = 32
_WRPW = _S // _NW
_CR = 32
_NC = _WRPW // _CR
_CE = _CR * _D
_NITEM = _NC * _B


def _sc_body(x_hbm, w_hbm, o_hbm, xb, wb, sem_x, sem_w, sem_o):
    wid = lax.axis_index("s") * 2 + lax.axis_index("c")
    w_base = wid * _WRPW * _D

    def item(k):
        c, b = divmod(k, _B)
        return c, b, b * _S * _D + w_base + c * _CE

    def start_x(k, slot):
        _, _, off = item(k)
        pltpu.make_async_copy(x_hbm.at[pl.ds(off, _CE)], xb.at[slot],
                              sem_x.at[slot]).start()

    pltpu.make_async_copy(w_hbm.at[pl.ds(w_base, _CE)], wb, sem_w).start()
    start_x(0, 0)

    for k in range(_NITEM):
        c, b, off = item(k)
        slot = k % 2
        if k + 1 < _NITEM:
            slot2 = (k + 1) % 2
            if k + 1 >= 2:
                pltpu.make_async_copy(xb.at[slot2], o_hbm.at[pl.ds(0, _CE)],
                                      sem_o.at[slot2]).wait()
            start_x(k + 1, slot2)
        pltpu.make_async_copy(x_hbm.at[pl.ds(0, _CE)], xb.at[slot],
                              sem_x.at[slot]).wait()
        if b == 0:
            pltpu.make_async_copy(w_hbm.at[pl.ds(0, _CE)], wb,
                                  sem_w).wait()

        xr = xb.at[slot]

        def add16(j, _):
            s = pl.ds(j * 16, 16)
            xr[s] = xr[s] + wb[s]
            return 0

        lax.fori_loop(0, _CE // 16, add16, 0, unroll=8)
        if b == _B - 1 and c + 1 < _NC:
            pltpu.make_async_copy(w_hbm.at[pl.ds(w_base + (c + 1) * _CE, _CE)],
                                  wb, sem_w).start()
        pltpu.make_async_copy(xb.at[slot], o_hbm.at[pl.ds(off, _CE)],
                              sem_o.at[slot]).start()

    for slot in (_NITEM % 2, (_NITEM + 1) % 2):
        pltpu.make_async_copy(xb.at[slot], o_hbm.at[pl.ds(0, _CE)],
                              sem_o.at[slot]).wait()


def kernel(x, weight):
    B, S, D = x.shape
    xf = x.reshape(B * S * D)
    wf = weight[:S].reshape(S * D)
    mesh = plsc.VectorSubcoreMesh(core_axis_name="c", subcore_axis_name="s")
    run = pl.kernel(
        _sc_body,
        mesh=mesh,
        out_type=jax.ShapeDtypeStruct((B * S * D,), x.dtype),
        scratch_types=[
            pltpu.VMEM((2, _CE), x.dtype),
            pltpu.VMEM((_CE,), x.dtype),
            pltpu.SemaphoreType.DMA((2,)),
            pltpu.SemaphoreType.DMA,
            pltpu.SemaphoreType.DMA((2,)),
        ],
    )
    out = run(xf, wf)
    return out.reshape(B, S, D)

# --- scband reference (transcript-rebuilt; emitter-appended) ---
"""Pipeline reference for scband-position-embedding-43765716746839 (READ-ONLY COPY).

The authoritative reference and input builder live on the scoring server;
editing this copy changes nothing except your own understanding.
"""

import jax, jax.numpy as jnp
import numpy as np

MAX_LEN = 2048
DIM = 1024

def setup_inputs(seed: int = 0) -> dict:
    key = jax.random.key(seed)
    k1, k2 = jax.random.split(key)
    x = jax.random.normal(k1, (4, 2048, 1024), dtype=jnp.float32)
    # xavier_normal init for weight [max_len, dim]
    fan_in, fan_out = MAX_LEN, DIM
    std = float(np.sqrt(2.0 / (fan_in + fan_out)))
    weight = jax.random.normal(k2, (MAX_LEN, DIM), dtype=jnp.float32) * std
    return {"x": x, "weight": weight}

def reference(x, weight):
    # PositionEmbedding MODE_ADD forward (dropout p=0.0 -> identity)
    batch_size, seq_len = x.shape[0], x.shape[1]
    embeddings = weight[:seq_len, :].reshape(1, seq_len, DIM)
    return x + embeddings

if __name__ == "__main__":
    import jax
    _d = setup_inputs()
    print(jax.jit(kernel)(*tuple(_d.values())))

</pallas_src>

<mosaic_0001>
#map = affine_map<(d0, d1) -> (0)>
module attributes {stable_mosaic.version = 14 : i64} {
  func.func @_sc_body(%arg0: i32, %arg1: i32, %arg2: memref<8388608xf32, #tpu.memory_space<hbm>>, %arg3: memref<2097152xf32, #tpu.memory_space<hbm>>, %arg4: memref<8388608xf32, #tpu.memory_space<hbm>>, %arg5: memref<2x32768xf32, #tpu.memory_space<vmem>>, %arg6: memref<32768xf32, #tpu.memory_space<vmem>>, %arg7: memref<2x!tpu.dma_semaphore, #tpu.memory_space<semaphore_mem>>, %arg8: memref<!tpu.dma_semaphore, #tpu.memory_space<semaphore_mem>>, %arg9: memref<2x!tpu.dma_semaphore, #tpu.memory_space<semaphore_mem>>) attributes {dimension_semantics = [#tpu.dimension_semantics<core_parallel>, #tpu.dimension_semantics<subcore_parallel>], iteration_bounds = array<i64: 2, 16>, scalar_prefetch = 0 : i64, scratch_operands = 5 : i64, tpu.core_type = #tpu.core_type<sc_vector_subcore>, window_params = [{transform_indices = #map}, {transform_indices = #map}, {transform_indices = #map}]} {
    %mul3A = arith.constant 2 : i32
    %mul3A_0 = arith.muli %arg1, %mul3A : i32
    %add3A = arith.addi %mul3A_0, %arg0 : i32
    %mul3A_1 = arith.constant 64 : i32
    %mul3A_2 = arith.muli %add3A, %mul3A_1 : i32
    %mul3A_3 = arith.constant 1024 : i32
    %mul3A_4 = arith.muli %mul3A_2, %mul3A_3 : i32
    %dma_start3A = tpu.memref_slice %arg3[%mul3A_4] : memref<2097152xf32, #tpu.memory_space<hbm>> -> memref<32768xf32, #tpu.memory_space<hbm>>
    %dma_start3A_5 = tpu.memref_slice %arg3[%mul3A_4] : memref<2097152xf32, #tpu.memory_space<hbm>> -> memref<32768xf32, #tpu.memory_space<hbm>>
    tpu.enqueue_dma source(%dma_start3A_5 : memref<32768xf32, #tpu.memory_space<hbm>>) target(%arg6 : memref<32768xf32, #tpu.memory_space<vmem>>) target_semaphore(%arg8 : memref<!tpu.dma_semaphore, #tpu.memory_space<semaphore_mem>>)
    %add3A_6 = arith.constant 0 : i32
    %add3A_7 = arith.addi %add3A_6, %mul3A_4 : i32
    %add3A_8 = arith.constant 0 : i32
    %add3A_9 = arith.addi %add3A_7, %add3A_8 : i32
    %dma_start3A_10 = arith.constant 0 : i32
    %dma_start3A_11 = arith.constant 0 : i32
    %dma_start3A_12 = arith.constant 0 : i32
    %dma_start3A_13 = tpu.memref_slice %arg5[%dma_start3A_10, %dma_start3A_12] : memref<2x32768xf32, #tpu.memory_space<vmem>> -> memref<1x32768xf32, #tpu.memory_space<vmem>>
    %dma_start3A_14 = tpu.memref_squeeze %dma_start3A_13 : memref<1x32768xf32, #tpu.memory_space<vmem>> -> memref<32768xf32, #tpu.memory_space<vmem>>
    %dma_start3A_15 = tpu.memref_slice %arg2[%add3A_9] : memref<8388608xf32, #tpu.memory_space<hbm>> -> memref<32768xf32, #tpu.memory_space<hbm>>
    %dma_start3A_16 = tpu.memref_slice %arg7[%dma_start3A_11] : memref<2x!tpu.dma_semaphore, #tpu.memory_space<semaphore_mem>> -> memref<1x!tpu.dma_semaphore, #tpu.memory_space<semaphore_mem>>
    %dma_start3A_17 = tpu.memref_squeeze %dma_start3A_16 : memref<1x!tpu.dma_semaphore, #tpu.memory_space<semaphore_mem>> -> memref<!tpu.dma_semaphore, #tpu.memory_space<semaphore_mem>>
    %dma_start3A_18 = arith.constant 0 : i32
    %dma_start3A_19 = tpu.memref_slice %arg5[%dma_start3A_10, %dma_start3A_18] : memref<2x32768xf32, #tpu.memory_space<vmem>> -> memref<1x32768xf32, #tpu.memory_space<vmem>>
    %dma_start3A_20 = tpu.memref_squeeze %dma_start3A_19 : memref<1x32768xf32, #tpu.memory_space<vmem>> -> memref<32768xf32, #tpu.memory_space<vmem>>
    %dma_start3A_21 = tpu.memref_slice %arg2[%add3A_9] : memref<8388608xf32, #tpu.memory_space<hbm>> -> memref<32768xf32, #tpu.memory_space<hbm>>
    tpu.enqueue_dma source(%dma_start3A_21 : memref<32768xf32, #tpu.memory_space<hbm>>) target(%dma_start3A_20 : memref<32768xf32, #tpu.memory_space<vmem>>) target_semaphore(%dma_start3A_17 : memref<!tpu.dma_semaphore, #tpu.memory_space<semaphore_mem>>)
    %add3A_22 = arith.constant 0 : i32
    %add3A_23 = arith.addi %add3A_22, %mul3A_4 : i32
    %add3A_24 = arith.constant 0 : i32
    %add3A_25 = arith.addi %add3A_23, %add3A_24 : i32
    %add3A_26 = arith.constant 2097152 : i32
    %add3A_27 = arith.addi %add3A_26, %mul3A_4 : i32
    %add3A_28 = arith.constant 0 : i32
    %add3A_29 = arith.addi %add3A_27, %add3A_28 : i32
    %dma_start3A_30 = arith.constant 1 : i32
    %dma_start3A_31 = arith.constant 1 : i32
    %dma_start3A_32 = arith.constant 0 : i32
    %dma_start3A_33 = tpu.memref_slice %arg5[%dma_start3A_30, %dma_start3A_32] : memref<2x32768xf32, #tpu.memory_space<vmem>> -> memref<1x32768xf32, #tpu.memory_space<vmem>>
    %dma_start3A_34 = tpu.memref_squeeze %dma_start3A_33 : memref<1x32768xf32, #tpu.memory_space<vmem>> -> memref<32768xf32, #tpu.memory_space<vmem>>
    %dma_start3A_35 = tpu.memref_slice %arg2[%add3A_29] : memref<8388608xf32, #tpu.memory_space<hbm>> -> memref<32768xf32, #tpu.memory_space<hbm>>
    %dma_start3A_36 = tpu.memref_slice %arg7[%dma_start3A_31] : memref<2x!tpu.dma_semaphore, #tpu.memory_space<semaphore_mem>> -> memref<1x!tpu.dma_semaphore, #tpu.memory_space<semaphore_mem>>
    %dma_start3A_37 = tpu.memref_squeeze %dma_start3A_36 : memref<1x!tpu.dma_semaphore, #tpu.memory_space<semaphore_mem>> -> memref<!tpu.dma_semaphore, #tpu.memory_space<semaphore_mem>>
    %dma_start3A_38 = arith.constant 0 : i32
    %dma_start3A_39 = tpu.memref_slice %arg5[%dma_start3A_30, %dma_start3A_38] : memref<2x32768xf32, #tpu.memory_space<vmem>> -> memref<1x32768xf32, #tpu.memory_space<vmem>>
    %dma_start3A_40 = tpu.memref_squeeze %dma_start3A_39 : memref<1x32768xf32, #tpu.memory_space<vmem>> -> memref<32768xf32, #tpu.memory_space<vmem>>
    %dma_start3A_41 = tpu.memref_slice %arg2[%add3A_29] : memref<8388608xf32, #tpu.memory_space<hbm>> -> memref<32768xf32, #tpu.memory_space<hbm>>
    tpu.enqueue_dma source(%dma_start3A_41 : memref<32768xf32, #tpu.memory_space<hbm>>) target(%dma_start3A_40 : memref<32768xf32, #tpu.memory_space<vmem>>) target_semaphore(%dma_start3A_37 : memref<!tpu.dma_semaphore, #tpu.memory_space<semaphore_mem>>)
    %dma_wait3A = arith.constant 0 : i32
    %dma_wait3A_42 = arith.constant 0 : i32
    %dma_wait3A_43 = arith.constant 0 : i32
    %dma_wait3A_44 = tpu.memref_slice %arg5[%dma_wait3A, %dma_wait3A_43] : memref<2x32768xf32, #tpu.memory_space<vmem>> -> memref<1x32768xf32, #tpu.memory_space<vmem>>
    %dma_wait3A_45 = tpu.memref_squeeze %dma_wait3A_44 : memref<1x32768xf32, #tpu.memory_space<vmem>> -> memref<32768xf32, #tpu.memory_space<vmem>>
    %dma_wait3A_46 = arith.constant 0 : i32
    %dma_wait3A_47 = tpu.memref_slice %arg2[%dma_wait3A_46] : memref<8388608xf32, #tpu.memory_space<hbm>> -> memref<32768xf32, #tpu.memory_space<hbm>>
    %dma_wait3A_48 = tpu.memref_slice %arg7[%dma_wait3A_42] : memref<2x!tpu.dma_semaphore, #tpu.memory_space<semaphore_mem>> -> memref<1x!tpu.dma_semaphore, #tpu.memory_space<semaphore_mem>>
    %dma_wait3A_49 = tpu.memref_squeeze %dma_wait3A_48 : memref<1x!tpu.dma_semaphore, #tpu.memory_space<semaphore_mem>> -> memref<!tpu.dma_semaphore, #tpu.memory_space<semaphore_mem>>
    %dma_wait3A_50 = arith.constant 0 : i32
    %dma_wait3A_51 = tpu.memref_slice %arg5[%dma_wait3A, %dma_wait3A_50] : memref<2x32768xf32, #tpu.memory_space<vmem>> -> memref<1x32768xf32, #tpu.memory_space<vmem>>
    %dma_wait3A_52 = tpu.memref_squeeze %dma_wait3A_51 : memref<1x32768xf32, #tpu.memory_space<vmem>> -> memref<32768xf32, #tpu.memory_space<vmem>>
    %dma_wait3A_53 = arith.constant 0 : i32
    %dma_wait3A_54 = tpu.memref_slice %arg2[%dma_wait3A_53] : memref<8388608xf32, #tpu.memory_space<hbm>> -> memref<32768xf32, #tpu.memory_space<hbm>>
    tpu.wait_dma2 semaphore(%dma_wait3A_49 : memref<!tpu.dma_semaphore, #tpu.memory_space<semaphore_mem>>) src(%dma_wait3A_54 : memref<32768xf32, #tpu.memory_space<hbm>>) dst(%dma_wait3A_52 : memref<32768xf32, #tpu.memory_space<vmem>>)
    %dma_wait3A_55 = arith.constant 0 : i32
    %dma_wait3A_56 = tpu.memref_slice %arg3[%dma_wait3A_55] : memref<2097152xf32, #tpu.memory_space<hbm>> -> memref<32768xf32, #tpu.memory_space<hbm>>
    %dma_wait3A_57 = arith.constant 0 : i32
    %dma_wait3A_58 = tpu.memref_slice %arg3[%dma_wait3A_57] : memref<2097152xf32, #tpu.memory_space<hbm>> -> memref<32768xf32, #tpu.memory_space<hbm>>
    tpu.wait_dma2 semaphore(%arg8 : memref<!tpu.dma_semaphore, #tpu.memory_space<semaphore_mem>>) src(%dma_wait3A_58 : memref<32768xf32, #tpu.memory_space<hbm>>) dst(%arg6 : memref<32768xf32, #tpu.memory_space<vmem>>)
    %scan3A = arith.constant 0 : i32
    %scan3A_59 = arith.constant 0 : i32
    %scan3A_60 = arith.constant 0 : i32
    %scan3A_61 = arith.constant 2048 : i32
    %scan3A_62 = arith.addi %scan3A_60, %scan3A_61 : i32
    %scan3A_63 = arith.constant 8 : i32
    %scan3A_64 = scf.for %scan3A_560 = %scan3A_60 to %scan3A_62 step %scan3A_63 iter_args(%scan3A_561 = %scan3A_59) -> (i32)  : i32 {
      %mul3A_562 = arith.constant 16 : i32
      %mul3A_563 = arith.muli %scan3A_560, %mul3A_562 : i32
      %get3A = arith.constant 0 : i32
      %get3A_564 = tpu.memref_slice %arg5[%scan3A, %get3A] : memref<2x32768xf32, #tpu.memory_space<vmem>> -> memref<1x32768xf32, #tpu.memory_space<vmem>>
      %get3A_565 = tpu.memref_squeeze %get3A_564 : memref<1x32768xf32, #tpu.memory_space<vmem>> -> memref<32768xf32, #tpu.memory_space<vmem>>
      %get3A_566 = arith.index_cast %mul3A_563 : i32 to index
      %get3A_567 = tpu.vector_load %get3A_565[%get3A_566] {strides = array<i32>} : memref<32768xf32, #tpu.memory_space<vmem>>, vector<16xf32>,
      %get3A_568 = vector.shape_cast %get3A_567 : vector<16xf32> to vector<16xf32>
      %get3A_569 = arith.index_cast %mul3A_563 : i32 to index
      %get3A_570 = tpu.vector_load %arg6[%get3A_569] {strides = array<i32>} : memref<32768xf32, #tpu.memory_space<vmem>>, vector<16xf32>,
      %get3A_571 = vector.shape_cast %get3A_570 : vector<16xf32> to vector<16xf32>
      %add3A_572 = arith.addf %get3A_568, %get3A_571 : vector<16xf32>
      %swap3A = arith.constant 0 : i32
      %swap3A_573 = tpu.memref_slice %arg5[%scan3A, %swap3A] : memref<2x32768xf32, #tpu.memory_space<vmem>> -> memref<1x32768xf32, #tpu.memory_space<vmem>>
      %swap3A_574 = tpu.memref_squeeze %swap3A_573 : memref<1x32768xf32, #tpu.memory_space<vmem>> -> memref<32768xf32, #tpu.memory_space<vmem>>
      %swap3A_575 = arith.index_cast %mul3A_563 : i32 to index
      %swap3A_576 = tpu.vector_load %swap3A_574[%swap3A_575] {strides = array<i32>} : memref<32768xf32, #tpu.memory_space<vmem>>, vector<16xf32>,
      %swap3A_577 = vector.shape_cast %swap3A_576 : vector<16xf32> to vector<16xf32>
      %swap3A_578 = vector.shape_cast %add3A_572 : vector<16xf32> to vector<16xf32>
      tpu.vector_store %swap3A_574[%swap3A_575], %swap3A_578 {strides = array<i32>} : memref<32768xf32, #tpu.memory_space<vmem>>, vector<16xf32>,
      %scan3A_579 = arith.constant 0 : i32
      %scan3A_580 = arith.constant 1 : i32
      %scan3A_581 = arith.addi %scan3A_560, %scan3A_580 : i32
      %mul3A_582 = arith.constant 16 : i32
      %mul3A_583 = arith.muli %scan3A_581, %mul3A_582 : i32
      %get3A_584 = arith.constant 0 : i32
      %get3A_585 = tpu.memref_slice %arg5[%scan3A, %get3A_584] : memref<2x32768xf32, #tpu.memory_space<vmem>> -> memref<1x32768xf32, #tpu.memory_space<vmem>>
      %get3A_586 = tpu.memref_squeeze %get3A_585 : memref<1x32768xf32, #tpu.memory_space<vmem>> -> memref<32768xf32, #tpu.memory_space<vmem>>
      %get3A_587 = arith.index_cast %mul3A_583 : i32 to index
      %get3A_588 = tpu.vector_load %get3A_586[%get3A_587] {strides = array<i32>} : memref<32768xf32, #tpu.memory_space<vmem>>, vector<16xf32>,
      %get3A_589 = vector.shape_cast %get3A_588 : vector<16xf32> to vector<16xf32>
      %get3A_590 = arith.index_cast %mul3A_583 : i32 to index
      %get3A_591 = tpu.vector_load %arg6[%get3A_590] {strides = array<i32>} : memref<32768xf32, #tpu.memory_space<vmem>>, vector<16xf32>,
      %get3A_592 = vector.shape_cast %get3A_591 : vector<16xf32> to vector<16xf32>
      %add3A_593 = arith.addf %get3A_589, %get3A_592 : vector<16xf32>
      %swap3A_594 = arith.constant 0 : i32
      %swap3A_595 = tpu.memref_slice %arg5[%scan3A, %swap3A_594] : memref<2x32768xf32, #tpu.memory_space<vmem>> -> memref<1x32768xf32, #tpu.memory_space<vmem>>
      %swap3A_596 = tpu.memref_squeeze %swap3A_595 : memref<1x32768xf32, #tpu.memory_space<vmem>> -> memref<32768xf32, #tpu.memory_space<vmem>>
      %swap3A_597 = arith.index_cast %mul3A_583 : i32 to index
      %swap3A_598 = tpu.vector_load %swap3A_596[%swap3A_597] {strides = array<i32>} : memref<32768xf32, #tpu.memory_space<vmem>>, vector<16xf32>,
      %swap3A_599 = vector.shape_cast %swap3A_598 : vector<16xf32> to vector<16xf32>
      %swap3A_600 = vector.shape_cast %add3A_593 : vector<16xf32> to vector<16xf32>
      tpu.vector_store %swap3A_596[%swap3A_597], %swap3A_600 {strides = array<i32>} : memref<32768xf32, #tpu.memory_space<vmem>>, vector<16xf32>,
      %scan3A_601 = arith.constant 0 : i32
      %scan3A_602 = arith.constant 2 : i32
      %scan3A_603 = arith.addi %scan3A_560, %scan3A_602 : i32
      %mul3A_604 = arith.constant 16 : i32
      %mul3A_605 = arith.muli %scan3A_603, %mul3A_604 : i32
      %get3A_606 = arith.constant 0 : i32
      %get3A_607 = tpu.memref_slice %arg5[%scan3A, %get3A_606] : memref<2x32768xf32, #tpu.memory_space<vmem>> -> memref<1x32768xf32, #tpu.memory_space<vmem>>
      %get3A_608 = tpu.memref_squeeze %get3A_607 : memref<1x32768xf32, #tpu.memory_space<vmem>> -> memref<32768xf32, #tpu.memory_space<vmem>>
      %get3A_609 = arith.index_cast %mul3A_605 : i32 to index
      %get3A_610 = tpu.vector_load %get3A_608[%get3A_609] {strides = array<i32>} : memref<32768xf32, #tpu.memory_space<vmem>>, vector<16xf32>,
      %get3A_611 = vector.shape_cast %get3A_610 : vector<16xf32> to vector<16xf32>
      %get3A_612 = arith.index_cast %mul3A_605 : i32 to index
      %get3A_613 = tpu.vector_load %arg6[%get3A_612] {strides = array<i32>} : memref<32768xf32, #tpu.memory_space<vmem>>, vector<16xf32>,
      %get3A_614 = vector.shape_cast %get3A_613 : vector<16xf32> to vector<16xf32>
      %add3A_615 = arith.addf %get3A_611, %get3A_614 : vector<16xf32>
      %swap3A_616 = arith.constant 0 : i32
      %swap3A_617 = tpu.memref_slice %arg5[%scan3A, %swap3A_616] : memref<2x32768xf32, #tpu.memory_space<vmem>> -> memref<1x32768xf32, #tpu.memory_space<vmem>>
      %swap3A_618 = tpu.memref_squeeze %swap3A_617 : memref<1x32768xf32, #tpu.memory_space<vmem>> -> memref<32768xf32, #tpu.memory_space<vmem>>
      %swap3A_619 = arith.index_cast %mul3A_605 : i32 to index
      %swap3A_620 = tpu.vector_load %swap3A_618[%swap3A_619] {strides = array<i32>} : memref<32768xf32, #tpu.memory_space<vmem>>, vector<16xf32>,
      %swap3A_621 = vector.shape_cast %swap3A_620 : vector<16xf32> to vector<16xf32>
      %swap3A_622 = vector.shape_cast %add3A_615 : vector<16xf32> to vector<16xf32>
      tpu.vector_store %swap3A_618[%swap3A_619], %swap3A_622 {strides = array<i32>} : memref<32768xf32, #tpu.memory_space<vmem>>, vector<16xf32>,
      %scan3A_623 = arith.constant 0 : i32
      %scan3A_624 = arith.constant 3 : i32
      %scan3A_625 = arith.addi %scan3A_560, %scan3A_624 : i32
      %mul3A_626 = arith.constant 16 : i32
      %mul3A_627 = arith.muli %scan3A_625, %mul3A_626 : i32
      %get3A_628 = arith.constant 0 : i32
      %get3A_629 = tpu.memref_slice %arg5[%scan3A, %get3A_628] : memref<2x32768xf32, #tpu.memory_space<vmem>> -> memref<1x32768xf32, #tpu.memory_space<vmem>>
      %get3A_630 = tpu.memref_squeeze %get3A_629 : memref<1x32768xf32, #tpu.memory_space<vmem>> -> memref<32768xf32, #tpu.memory_space<vmem>>
      %get3A_631 = arith.index_cast %mul3A_627 : i32 to index
      %get3A_632 = tpu.vector_load %get3A_630[%get3A_631] {strides = array<i32>} : memref<32768xf32, #tpu.memory_space<vmem>>, vector<16xf32>,
      %get3A_633 = vector.shape_cast %get3A_632 : vector<16xf32> to vector<16xf32>
      %get3A_634 = arith.index_cast %mul3A_627 : i32 to index
      %get3A_635 = tpu.vector_load %arg6[%get3A_634] {strides = array<i32>} : memref<32768xf32, #tpu.memory_space<vmem>>, vector<16xf32>,
      %get3A_636 = vector.shape_cast %get3A_635 : vector<16xf32> to vector<16xf32>
      %add3A_637 = arith.addf %get3A_633, %get3A_636 : vector<16xf32>
      %swap3A_638 = arith.constant 0 : i32
      %swap3A_639 = tpu.memref_slice %arg5[%scan3A, %swap3A_638] : memref<2x32768xf32, #tpu.memory_space<vmem>> -> memref<1x32768xf32, #tpu.memory_space<vmem>>
      %swap3A_640 = tpu.memref_squeeze %swap3A_639 : memref<1x32768xf32, #tpu.memory_space<vmem>> -> memref<32768xf32, #tpu.memory_space<vmem>>
      %swap3A_641 = arith.index_cast %mul3A_627 : i32 to index
      %swap3A_642 = tpu.vector_load %swap3A_640[%swap3A_641] {strides = array<i32>} : memref<32768xf32, #tpu.memory_space<vmem>>, vector<16xf32>,
      %swap3A_643 = vector.shape_cast %swap3A_642 : vector<16xf32> to vector<16xf32>
      %swap3A_644 = vector.shape_cast %add3A_637 : vector<16xf32> to vector<16xf32>
      tpu.vector_store %swap3A_640[%swap3A_641], %swap3A_644 {strides = array<i32>} : memref<32768xf32, #tpu.memory_space<vmem>>, vector<16xf32>,
      %scan3A_645 = arith.constant 0 : i32
      %scan3A_646 = arith.constant 4 : i32
      %scan3A_647 = arith.addi %scan3A_560, %scan3A_646 : i32
      %mul3A_648 = arith.constant 16 : i32
      %mul3A_649 = arith.muli %scan3A_647, %mul3A_648 : i32
      %get3A_650 = arith.constant 0 : i32
      %get3A_651 = tpu.memref_slice %arg5[%scan3A, %get3A_650] : memref<2x32768xf32, #tpu.memory_space<vmem>> -> memref<1x32768xf32, #tpu.memory_space<vmem>>
      %get3A_652 = tpu.memref_squeeze %get3A_651 : memref<1x32768xf32, #tpu.memory_space<vmem>> -> memref<32768xf32, #tpu.memory_space<vmem>>
      %get3A_653 = arith.index_cast %mul3A_649 : i32 to index
      %get3A_654 = tpu.vector_load %get3A_652[%get3A_653] {strides = array<i32>} : memref<32768xf32, #tpu.memory_space<vmem>>, vector<16xf32>,
      %get3A_655 = vector.shape_cast %get3A_654 : vector<16xf32> to vector<16xf32>
      %get3A_656 = arith.index_cast %mul3A_649 : i32 to index
      %get3A_657 = tpu.vector_load %arg6[%get3A_656] {strides = array<i32>} : memref<32768xf32, #tpu.memory_space<vmem>>, vector<16xf32>,
      %get3A_658 = vector.shape_cast %get3A_657 : vector<16xf32> to vector<16xf32>
      %add3A_659 = arith.addf %get3A_655, %get3A_658 : vector<16xf32>
      %swap3A_660 = arith.constant 0 : i32
      %swap3A_661 = tpu.memref_slice %arg5[%scan3A, %swap3A_660] : memref<2x32768xf32, #tpu.memory_space<vmem>> -> memref<1x32768xf32, #tpu.memory_space<vmem>>
      %swap3A_662 = tpu.memref_squeeze %swap3A_661 : memref<1x32768xf32, #tpu.memory_space<vmem>> -> memref<32768xf32, #tpu.memory_space<vmem>>
      %swap3A_663 = arith.index_cast %mul3A_649 : i32 to index
      %swap3A_664 = tpu.vector_load %swap3A_662[%swap3A_663] {strides = array<i32>} : memref<32768xf32, #tpu.memory_space<vmem>>, vector<16xf32>,
      %swap3A_665 = vector.shape_cast %swap3A_664 : vector<16xf32> to vector<16xf32>
      %swap3A_666 = vector.shape_cast %add3A_659 : vector<16xf32> to vector<16xf32>
      tpu.vector_store %swap3A_662[%swap3A_663], %swap3A_666 {strides = array<i32>} : memref<32768xf32, #tpu.memory_space<vmem>>, vector<16xf32>,
      %scan3A_667 = arith.constant 0 : i32
      %scan3A_668 = arith.constant 5 : i32
      %scan3A_669 = arith.addi %scan3A_560, %scan3A_668 : i32
      %mul3A_670 = arith.constant 16 : i32
      %mul3A_671 = arith.muli %scan3A_669, %mul3A_670 : i32
      %get3A_672 = arith.constant 0 : i32
      %get3A_673 = tpu.memref_slice %arg5[%scan3A, %get3A_672] : memref<2x32768xf32, #tpu.memory_space<vmem>> -> memref<1x32768xf32, #tpu.memory_space<vmem>>
      %get3A_674 = tpu.memref_squeeze %get3A_673 : memref<1x32768xf32, #tpu.memory_space<vmem>> -> memref<32768xf32, #tpu.memory_space<vmem>>
      %get3A_675 = arith.index_cast %mul3A_671 : i32 to index
      %get3A_676 = tpu.vector_load %get3A_674[%get3A_675] {strides = array<i32>} : memref<32768xf32, #tpu.memory_space<vmem>>, vector<16xf32>,
      %get3A_677 = vector.shape_cast %get3A_676 : vector<16xf32> to vector<16xf32>
      %get3A_678 = arith.index_cast %mul3A_671 : i32 to index
      %get3A_679 = tpu.vector_load %arg6[%get3A_678] {strides = array<i32>} : memref<32768xf32, #tpu.memory_space<vmem>>, vector<16xf32>,
      %get3A_680 = vector.shape_cast %get3A_679 : vector<16xf32> to vector<16xf32>
      %add3A_681 = arith.addf %get3A_677, %get3A_680 : vector<16xf32>
      %swap3A_682 = arith.constant 0 : i32
      %swap3A_683 = tpu.memref_slice %arg5[%scan3A, %swap3A_682] : memref<2x32768xf32, #tpu.memory_space<vmem>> -> memref<1x32768xf32, #tpu.memory_space<vmem>>
      %swap3A_684 = tpu.memref_squeeze %swap3A_683 : memref<1x32768xf32, #tpu.memory_space<vmem>> -> memref<32768xf32, #tpu.memory_space<vmem>>
      %swap3A_685 = arith.index_cast %mul3A_671 : i32 to index
      %swap3A_686 = tpu.vector_load %swap3A_684[%swap3A_685] {strides = array<i32>} : memref<32768xf32, #tpu.memory_space<vmem>>, vector<16xf32>,
      %swap3A_687 = vector.shape_cast %swap3A_686 : vector<16xf32> to vector<16xf32>
      %swap3A_688 = vector.shape_cast %add3A_681 : vector<16xf32> to vector<16xf32>
      tpu.vector_store %swap3A_684[%swap3A_685], %swap3A_688 {strides = array<i32>} : memref<32768xf32, #tpu.memory_space<vmem>>, vector<16xf32>,
      %scan3A_689 = arith.constant 0 : i32
      %scan3A_690 = arith.constant 6 : i32
      %scan3A_691 = arith.addi %scan3A_560, %scan3A_690 : i32
      %mul3A_692 = arith.constant 16 : i32
      %mul3A_693 = arith.muli %scan3A_691, %mul3A_692 : i32
      %get3A_694 = arith.constant 0 : i32
      %get3A_695 = tpu.memref_slice %arg5[%scan3A, %get3A_694] : memref<2x32768xf32, #tpu.memory_space<vmem>> -> memref<1x32768xf32, #tpu.memory_space<vmem>>
      %get3A_696 = tpu.memref_squeeze %get3A_695 : memref<1x32768xf32, #tpu.memory_space<vmem>> -> memref<32768xf32, #tpu.memory_space<vmem>>
      %get3A_697 = arith.index_cast %mul3A_693 : i32 to index
      %get3A_698 = tpu.vector_load %get3A_696[%get3A_697] {strides = array<i32>} : memref<32768xf32, #tpu.memory_space<vmem>>, vector<16xf32>,
      %get3A_699 = vector.shape_cast %get3A_698 : vector<16xf32> to vector<16xf32>
      %get3A_700 = arith.index_cast %mul3A_693 : i32 to index
      %get3A_701 = tpu.vector_load %arg6[%get3A_700] {strides = array<i32>} : memref<32768xf32, #tpu.memory_space<vmem>>, vector<16xf32>,
      %get3A_702 = vector.shape_cast %get3A_701 : vector<16xf32> to vector<16xf32>
      %add3A_703 = arith.addf %get3A_699, %get3A_702 : vector<16xf32>
      %swap3A_704 = arith.constant 0 : i32
      %swap3A_705 = tpu.memref_slice %arg5[%scan3A, %swap3A_704] : memref<2x32768xf32, #tpu.memory_space<vmem>> -> memref<1x32768xf32, #tpu.memory_space<vmem>>
      %swap3A_706 = tpu.memref_squeeze %swap3A_705 : memref<1x32768xf32, #tpu.memory_space<vmem>> -> memref<32768xf32, #tpu.memory_space<vmem>>
      %swap3A_707 = arith.index_cast %mul3A_693 : i32 to index
      %swap3A_708 = tpu.vector_load %swap3A_706[%swap3A_707] {strides = array<i32>} : memref<32768xf32, #tpu.memory_space<vmem>>, vector<16xf32>,
      %swap3A_709 = vector.shape_cast %swap3A_708 : vector<16xf32> to vector<16xf32>
      %swap3A_710 = vector.shape_cast %add3A_703 : vector<16xf32> to vector<16xf32>
      tpu.vector_store %swap3A_706[%swap3A_707], %swap3A_710 {strides = array<i32>} : memref<32768xf32, #tpu.memory_space<vmem>>, vector<16xf32>,
      %scan3A_711 = arith.constant 0 : i32
      %scan3A_712 = arith.constant 7 : i32
      %scan3A_713 = arith.addi %scan3A_560, %scan3A_712 : i32
      %mul3A_714 = arith.constant 16 : i32
      %mul3A_715 = arith.muli %scan3A_713, %mul3A_714 : i32
      %get3A_716 = arith.constant 0 : i32
      %get3A_717 = tpu.memref_slice %arg5[%scan3A, %get3A_716] : memref<2x32768xf32, #tpu.memory_space<vmem>> -> memref<1x32768xf32, #tpu.memory_space<vmem>>
      %get3A_718 = tpu.memref_squeeze %get3A_717 : memref<1x32768xf32, #tpu.memory_space<vmem>> -> memref<32768xf32, #tpu.memory_space<vmem>>
      %get3A_719 = arith.index_cast %mul3A_715 : i32 to index
      %get3A_720 = tpu.vector_load %get3A_718[%get3A_719] {strides = array<i32>} : memref<32768xf32, #tpu.memory_space<vmem>>, vector<16xf32>,
      %get3A_721 = vector.shape_cast %get3A_720 : vector<16xf32> to vector<16xf32>
      %get3A_722 = arith.index_cast %mul3A_715 : i32 to index
      %get3A_723 = tpu.vector_load %arg6[%get3A_722] {strides = array<i32>} : memref<32768xf32, #tpu.memory_space<vmem>>, vector<16xf32>,
      %get3A_724 = vector.shape_cast %get3A_723 : vector<16xf32> to vector<16xf32>
      %add3A_725 = arith.addf %get3A_721, %get3A_724 : vector<16xf32>
      %swap3A_726 = arith.constant 0 : i32
      %swap3A_727 = tpu.memref_slice %arg5[%scan3A, %swap3A_726] : memref<2x32768xf32, #tpu.memory_space<vmem>> -> memref<1x32768xf32, #tpu.memory_space<vmem>>
      %swap3A_728 = tpu.memref_squeeze %swap3A_727 : memref<1x32768xf32, #tpu.memory_space<vmem>> -> memref<32768xf32, #tpu.memory_space<vmem>>
      %swap3A_729 = arith.index_cast %mul3A_715 : i32 to index
      %swap3A_730 = tpu.vector_load %swap3A_728[%swap3A_729] {strides = array<i32>} : memref<32768xf32, #tpu.memory_space<vmem>>, vector<16xf32>,
      %swap3A_731 = vector.shape_cast %swap3A_730 : vector<16xf32> to vector<16xf32>
      %swap3A_732 = vector.shape_cast %add3A_725 : vector<16xf32> to vector<16xf32>
      tpu.vector_store %swap3A_728[%swap3A_729], %swap3A_732 {strides = array<i32>} : memref<32768xf32, #tpu.memory_space<vmem>>, vector<16xf32>,
      %scan3A_733 = arith.constant 0 : i32
      scf.yield %scan3A_733 : i32
    }
    %scan3A_65 = arith.constant 2048 : i32
    %dma_start3A_66 = arith.constant 0 : i32
    %dma_start3A_67 = arith.constant 0 : i32
    %dma_start3A_68 = arith.constant 0 : i32
    %dma_start3A_69 = tpu.memref_slice %arg5[%dma_start3A_66, %dma_start3A_68] : memref<2x32768xf32, #tpu.memory_space<vmem>> -> memref<1x32768xf32, #tpu.memory_space<vmem>>
    %dma_start3A_70 = tpu.memref_squeeze %dma_start3A_69 : memref<1x32768xf32, #tpu.memory_space<vmem>> -> memref<32768xf32, #tpu.memory_space<vmem>>
    %dma_start3A_71 = tpu.memref_slice %arg4[%add3A_25] : memref<8388608xf32, #tpu.memory_space<hbm>> -> memref<32768xf32, #tpu.memory_space<hbm>>
    %dma_start3A_72 = tpu.memref_slice %arg9[%dma_start3A_67] : memref<2x!tpu.dma_semaphore, #tpu.memory_space<semaphore_mem>> -> memref<1x!tpu.dma_semaphore, #tpu.memory_space<semaphore_mem>>
    %dma_start3A_73 = tpu.memref_squeeze %dma_start3A_72 : memref<1x!tpu.dma_semaphore, #tpu.memory_space<semaphore_mem>> -> memref<!tpu.dma_semaphore, #tpu.memory_space<semaphore_mem>>
    %dma_start3A_74 = tpu.memref_slice %arg4[%add3A_25] : memref<8388608xf32, #tpu.memory_space<hbm>> -> memref<32768xf32, #tpu.memory_space<hbm>>
    %dma_start3A_75 = arith.constant 0 : i32
    %dma_start3A_76 = tpu.memref_slice %arg5[%dma_start3A_66, %dma_start3A_75] : memref<2x32768xf32, #tpu.memory_space<vmem>> -> memref<1x32768xf32, #tpu.memory_space<vmem>>
    %dma_start3A_77 = tpu.memref_squeeze %dma_start3A_76 : memref<1x32768xf32, #tpu.memory_space<vmem>> -> memref<32768xf32, #tpu.memory_space<vmem>>
    tpu.enqueue_dma source(%dma_start3A_77 : memref<32768xf32, #tpu.memory_space<vmem>>) target(%dma_start3A_74 : memref<32768xf32, #tpu.memory_space<hbm>>) target_semaphore(%dma_start3A_73 : memref<!tpu.dma_semaphore, #tpu.memory_space<semaphore_mem>>)
    %add3A_78 = arith.constant 2097152 : i32
    %add3A_79 = arith.addi %add3A_78, %mul3A_4 : i32
    %add3A_80 = arith.constant 0 : i32
    %add3A_81 = arith.addi %add3A_79, %add3A_80 : i32
    %dma_wait3A_82 = arith.constant 0 : i32
    %dma_wait3A_83 = arith.constant 0 : i32
    %dma_wait3A_84 = arith.constant 0 : i32
    %dma_wait3A_85 = tpu.memref_slice %arg5[%dma_wait3A_82, %dma_wait3A_84] : memref<2x32768xf32, #tpu.memory_space<vmem>> -> memref<1x32768xf32, #tpu.memory_space<vmem>>
    %dma_wait3A_86 = tpu.memref_squeeze %dma_wait3A_85 : memref<1x32768xf32, #tpu.memory_space<vmem>> -> memref<32768xf32, #tpu.memory_space<vmem>>
    %dma_wait3A_87 = arith.constant 0 : i32
    %dma_wait3A_88 = tpu.memref_slice %arg4[%dma_wait3A_87] : memref<8388608xf32, #tpu.memory_space<hbm>> -> memref<32768xf32, #tpu.memory_space<hbm>>
    %dma_wait3A_89 = tpu.memref_slice %arg9[%dma_wait3A_83] : memref<2x!tpu.dma_semaphore, #tpu.memory_space<semaphore_mem>> -> memref<1x!tpu.dma_semaphore, #tpu.memory_space<semaphore_mem>>
    %dma_wait3A_90 = tpu.memref_squeeze %dma_wait3A_89 : memref<1x!tpu.dma_semaphore, #tpu.memory_space<semaphore_mem>> -> memref<!tpu.dma_semaphore, #tpu.memory_space<semaphore_mem>>
    %dma_wait3A_91 = arith.constant 0 : i32
    %dma_wait3A_92 = tpu.memref_slice %arg4[%dma_wait3A_91] : memref<8388608xf32, #tpu.memory_space<hbm>> -> memref<32768xf32, #tpu.memory_space<hbm>>
    %dma_wait3A_93 = arith.constant 0 : i32
    %dma_wait3A_94 = tpu.memref_slice %arg5[%dma_wait3A_82, %dma_wait3A_93] : memref<2x32768xf32, #tpu.memory_space<vmem>> -> memref<1x32768xf32, #tpu.memory_space<vmem>>
    %dma_wait3A_95 = tpu.memref_squeeze %dma_wait3A_94 : memref<1x32768xf32, #tpu.memory_space<vmem>> -> memref<32768xf32, #tpu.memory_space<vmem>>
    tpu.wait_dma2 semaphore(%dma_wait3A_90 : memref<!tpu.dma_semaphore, #tpu.memory_space<semaphore_mem>>) src(%dma_wait3A_95 : memref<32768xf32, #tpu.memory_space<vmem>>) dst(%dma_wait3A_92 : memref<32768xf32, #tpu.memory_space<hbm>>)
    %add3A_96 = arith.constant 4194304 : i32
    %add3A_97 = arith.addi %add3A_96, %mul3A_4 : i32
    %add3A_98 = arith.constant 0 : i32
    %add3A_99 = arith.addi %add3A_97, %add3A_98 : i32
    %dma_start3A_100 = arith.constant 0 : i32
    %dma_start3A_101 = arith.constant 0 : i32
    %dma_start3A_102 = arith.constant 0 : i32
    %dma_start3A_103 = tpu.memref_slice %arg5[%dma_start3A_100, %dma_start3A_102] : memref<2x32768xf32, #tpu.memory_space<vmem>> -> memref<1x32768xf32, #tpu.memory_space<vmem>>
    %dma_start3A_104 = tpu.memref_squeeze %dma_start3A_103 : memref<1x32768xf32, #tpu.memory_space<vmem>> -> memref<32768xf32, #tpu.memory_space<vmem>>
    %dma_start3A_105 = tpu.memref_slice %arg2[%add3A_99] : memref<8388608xf32, #tpu.memory_space<hbm>> -> memref<32768xf32, #tpu.memory_space<hbm>>
    %dma_start3A_106 = tpu.memref_slice %arg7[%dma_start3A_101] : memref<2x!tpu.dma_semaphore, #tpu.memory_space<semaphore_mem>> -> memref<1x!tpu.dma_semaphore, #tpu.memory_space<semaphore_mem>>
    %dma_start3A_107 = tpu.memref_squeeze %dma_start3A_106 : memref<1x!tpu.dma_semaphore, #tpu.memory_space<semaphore_mem>> -> memref<!tpu.dma_semaphore, #tpu.memory_space<semaphore_mem>>
    %dma_start3A_108 = arith.constant 0 : i32
    %dma_start3A_109 = tpu.memref_slice %arg5[%dma_start3A_100, %dma_start3A_108] : memref<2x32768xf32, #tpu.memory_space<vmem>> -> memref<1x32768xf32, #tpu.memory_space<vmem>>
    %dma_start3A_110 = tpu.memref_squeeze %dma_start3A_109 : memref<1x32768xf32, #tpu.memory_space<vmem>> -> memref<32768xf32, #tpu.memory_space<vmem>>
    %dma_start3A_111 = tpu.memref_slice %arg2[%add3A_99] : memref<8388608xf32, #tpu.memory_space<hbm>> -> memref<32768xf32, #tpu.memory_space<hbm>>
    tpu.enqueue_dma source(%dma_start3A_111 : memref<32768xf32, #tpu.memory_space<hbm>>) target(%dma_start3A_110 : memref<32768xf32, #tpu.memory_space<vmem>>) target_semaphore(%dma_start3A_107 : memref<!tpu.dma_semaphore, #tpu.memory_space<semaphore_mem>>)
    %dma_wait3A_112 = arith.constant 1 : i32
    %dma_wait3A_113 = arith.constant 1 : i32
    %dma_wait3A_114 = arith.constant 0 : i32
    %dma_wait3A_115 = tpu.memref_slice %arg5[%dma_wait3A_112, %dma_wait3A_114] : memref<2x32768xf32, #tpu.memory_space<vmem>> -> memref<1x32768xf32, #tpu.memory_space<vmem>>
    %dma_wait3A_116 = tpu.memref_squeeze %dma_wait3A_115 : memref<1x32768xf32, #tpu.memory_space<vmem>> -> memref<32768xf32, #tpu.memory_space<vmem>>
    %dma_wait3A_117 = arith.constant 0 : i32
    %dma_wait3A_118 = tpu.memref_slice %arg2[%dma_wait3A_117] : memref<8388608xf32, #tpu.memory_space<hbm>> -> memref<32768xf32, #tpu.memory_space<hbm>>
    %dma_wait3A_119 = tpu.memref_slice %arg7[%dma_wait3A_113] : memref<2x!tpu.dma_semaphore, #tpu.memory_space<semaphore_mem>> -> memref<1x!tpu.dma_semaphore, #tpu.memory_space<semaphore_mem>>
    %dma_wait3A_120 = tpu.memref_squeeze %dma_wait3A_119 : memref<1x!tpu.dma_semaphore, #tpu.memory_space<semaphore_mem>> -> memref<!tpu.dma_semaphore, #tpu.memory_space<semaphore_mem>>
    %dma_wait3A_121 = arith.constant 0 : i32
    %dma_wait3A_122 = tpu.memref_slice %arg5[%dma_wait3A_112, %dma_wait3A_121] : memref<2x32768xf32, #tpu.memory_space<vmem>> -> memref<1x32768xf32, #tpu.memory_space<vmem>>
    %dma_wait3A_123 = tpu.memref_squeeze %dma_wait3A_122 : memref<1x32768xf32, #tpu.memory_space<vmem>> -> memref<32768xf32, #tpu.memory_space<vmem>>
    %dma_wait3A_124 = arith.constant 0 : i32
    %dma_wait3A_125 = tpu.memref_slice %arg2[%dma_wait3A_124] : memref<8388608xf32, #tpu.memory_space<hbm>> -> memref<32768xf32, #tpu.memory_space<hbm>>
    tpu.wait_dma2 semaphore(%dma_wait3A_120 : memref<!tpu.dma_semaphore, #tpu.memory_space<semaphore_mem>>) src(%dma_wait3A_125 : memref<32768xf32, #tpu.memory_space<hbm>>) dst(%dma_wait3A_123 : memref<32768xf32, #tpu.memory_space<vmem>>)
    %scan3A_126 = arith.constant 1 : i32
    %scan3A_127 = arith.constant 0 : i32
    %scan3A_128 = arith.constant 0 : i32
    %scan3A_129 = arith.constant 2048 : i32
    %scan3A_130 = arith.addi %scan3A_128, %scan3A_129 : i32
    %scan3A_131 = arith.constant 8 : i32
    %scan3A_132 = scf.for %scan3A_560 = %scan3A_128 to %scan3A_130 step %scan3A_131 iter_args(%scan3A_561 = %scan3A_127) -> (i32)  : i32 {
      %mul3A_562 = arith.constant 16 : i32
      %mul3A_563 = arith.muli %scan3A_560, %mul3A_562 : i32
      %get3A = arith.constant 0 : i32
      %get3A_564 = tpu.memref_slice %arg5[%scan3A_126, %get3A] : memref<2x32768xf32, #tpu.memory_space<vmem>> -> memref<1x32768xf32, #tpu.memory_space<vmem>>
      %get3A_565 = tpu.memref_squeeze %get3A_564 : memref<1x32768xf32, #tpu.memory_space<vmem>> -> memref<32768xf32, #tpu.memory_space<vmem>>
      %get3A_566 = arith.index_cast %mul3A_563 : i32 to index
      %get3A_567 = tpu.vector_load %get3A_565[%get3A_566] {strides = array<i32>} : memref<32768xf32, #tpu.memory_space<vmem>>, vector<16xf32>,
      %get3A_568 = vector.shape_cast %get3A_567 : vector<16xf32> to vector<16xf32>
      %get3A_569 = arith.index_cast %mul3A_563 : i32 to index
      %get3A_570 = tpu.vector_load %arg6[%get3A_569] {strides = array<i32>} : memref<32768xf32, #tpu.memory_space<vmem>>, vector<16xf32>,
      %get3A_571 = vector.shape_cast %get3A_570 : vector<16xf32> to vector<16xf32>
      %add3A_572 = arith.addf %get3A_568, %get3A_571 : vector<16xf32>
      %swap3A = arith.constant 0 : i32
      %swap3A_573 = tpu.memref_slice %arg5[%scan3A_126, %swap3A] : memref<2x32768xf32, #tpu.memory_space<vmem>> -> memref<1x32768xf32, #tpu.memory_space<vmem>>
      %swap3A_574 = tpu.memref_squeeze %swap3A_573 : memref<1x32768xf32, #tpu.memory_space<vmem>> -> memref<32768xf32, #tpu.memory_space<vmem>>
      %swap3A_575 = arith.index_cast %mul3A_563 : i32 to index
      %swap3A_576 = tpu.vector_load %swap3A_574[%swap3A_575] {strides = array<i32>} : memref<32768xf32, #tpu.memory_space<vmem>>, vector<16xf32>,
      %swap3A_577 = vector.shape_cast %swap3A_576 : vector<16xf32> to vector<16xf32>
      %swap3A_578 = vector.shape_cast %add3A_572 : vector<16xf32> to vector<16xf32>
      tpu.vector_store %swap3A_574[%swap3A_575], %swap3A_578 {strides = array<i32>} : memref<32768xf32, #tpu.memory_space<vmem>>, vector<16xf32>,
      %scan3A_579 = arith.constant 0 : i32
      %scan3A_580 = arith.constant 1 : i32
      %scan3A_581 = arith.addi %scan3A_560, %scan3A_580 : i32
      %mul3A_582 = arith.constant 16 : i32
      %mul3A_583 = arith.muli %scan3A_581, %mul3A_582 : i32
      %get3A_584 = arith.constant 0 : i32
      %get3A_585 = tpu.memref_slice %arg5[%scan3A_126, %get3A_584] : memref<2x32768xf32, #tpu.memory_space<vmem>> -> memref<1x32768xf32, #tpu.memory_space<vmem>>
      %get3A_586 = tpu.memref_squeeze %get3A_585 : memref<1x32768xf32, #tpu.memory_space<vmem>> -> memref<32768xf32, #tpu.memory_space<vmem>>
      %get3A_587 = arith.index_cast %mul3A_583 : i32 to index
      %get3A_588 = tpu.vector_load %get3A_586[%get3A_587] {strides = array<i32>} : memref<32768xf32, #tpu.memory_space<vmem>>, vector<16xf32>,
      %get3A_589 = vector.shape_cast %get3A_588 : vector<16xf32> to vector<16xf32>
      %get3A_590 = arith.index_cast %mul3A_583 : i32 to index
      %get3A_591 = tpu.vector_load %arg6[%get3A_590] {strides = array<i32>} : memref<32768xf32, #tpu.memory_space<vmem>>, vector<16xf32>,
      %get3A_592 = vector.shape_cast %get3A_591 : vector<16xf32> to vector<16xf32>
      %add3A_593 = arith.addf %get3A_589, %get3A_592 : vector<16xf32>
      %swap3A_594 = arith.constant 0 : i32
      %swap3A_595 = tpu.memref_slice %arg5[%scan3A_126, %swap3A_594] : memref<2x32768xf32, #tpu.memory_space<vmem>> -> memref<1x32768xf32, #tpu.memory_space<vmem>>
      %swap3A_596 = tpu.memref_squeeze %swap3A_595 : memref<1x32768xf32, #tpu.memory_space<vmem>> -> memref<32768xf32, #tpu.memory_space<vmem>>
      %swap3A_597 = arith.index_cast %mul3A_583 : i32 to index
      %swap3A_598 = tpu.vector_load %swap3A_596[%swap3A_597] {strides = array<i32>} : memref<32768xf32, #tpu.memory_space<vmem>>, vector<16xf32>,
      %swap3A_599 = vector.shape_cast %swap3A_598 : vector<16xf32> to vector<16xf32>
      %swap3A_600 = vector.shape_cast %add3A_593 : vector<16xf32> to vector<16xf32>
      tpu.vector_store %swap3A_596[%swap3A_597], %swap3A_600 {strides = array<i32>} : memref<32768xf32, #tpu.memory_space<vmem>>, vector<16xf32>,
      %scan3A_601 = arith.constant 0 : i32
      %scan3A_602 = arith.constant 2 : i32
      %scan3A_603 = arith.addi %scan3A_560, %scan3A_602 : i32
      %mul3A_604 = arith.constant 16 : i32
      %mul3A_605 = arith.muli %scan3A_603, %mul3A_604 : i32
      %get3A_606 = arith.constant 0 : i32
      %get3A_607 = tpu.memref_slice %arg5[%scan3A_126, %get3A_606] : memref<2x32768xf32, #tpu.memory_space<vmem>> -> memref<1x32768xf32, #tpu.memory_space<vmem>>
      %get3A_608 = tpu.memref_squeeze %get3A_607 : memref<1x32768xf32, #tpu.memory_space<vmem>> -> memref<32768xf32, #tpu.memory_space<vmem>>
      %get3A_609 = arith.index_cast %mul3A_605 : i32 to index
      %get3A_610 = tpu.vector_load %get3A_608[%get3A_609] {strides = array<i32>} : memref<32768xf32, #tpu.memory_space<vmem>>, vector<16xf32>,
      %get3A_611 = vector.shape_cast %get3A_610 : vector<16xf32> to vector<16xf32>
      %get3A_612 = arith.index_cast %mul3A_605 : i32 to index
      %get3A_613 = tpu.vector_load %arg6[%get3A_612] {strides = array<i32>} : memref<32768xf32, #tpu.memory_space<vmem>>, vector<16xf32>,
      %get3A_614 = vector.shape_cast %get3A_613 : vector<16xf32> to vector<16xf32>
      %add3A_615 = arith.addf %get3A_611, %get3A_614 : vector<16xf32>
      %swap3A_616 = arith.constant 0 : i32
      %swap3A_617 = tpu.memref_slice %arg5[%scan3A_126, %swap3A_616] : memref<2x32768xf32, #tpu.memory_space<vmem>> -> memref<1x32768xf32, #tpu.memory_space<vmem>>
      %swap3A_618 = tpu.memref_squeeze %swap3A_617 : memref<1x32768xf32, #tpu.memory_space<vmem>> -> memref<32768xf32, #tpu.memory_space<vmem>>
      %swap3A_619 = arith.index_cast %mul3A_605 : i32 to index
      %swap3A_620 = tpu.vector_load %swap3A_618[%swap3A_619] {strides = array<i32>} : memref<32768xf32, #tpu.memory_space<vmem>>, vector<16xf32>,
      %swap3A_621 = vector.shape_cast %swap3A_620 : vector<16xf32> to vector<16xf32>
      %swap3A_622 = vector.shape_cast %add3A_615 : vector<16xf32> to vector<16xf32>
      tpu.vector_store %swap3A_618[%swap3A_619], %swap3A_622 {strides = array<i32>} : memref<32768xf32, #tpu.memory_space<vmem>>, vector<16xf32>,
      %scan3A_623 = arith.constant 0 : i32
      %scan3A_624 = arith.constant 3 : i32
      %scan3A_625 = arith.addi %scan3A_560, %scan3A_624 : i32
      %mul3A_626 = arith.constant 16 : i32
      %mul3A_627 = arith.muli %scan3A_625, %mul3A_626 : i32
      %get3A_628 = arith.constant 0 : i32
      %get3A_629 = tpu.memref_slice %arg5[%scan3A_126, %get3A_628] : memref<2x32768xf32, #tpu.memory_space<vmem>> -> memref<1x32768xf32, #tpu.memory_space<vmem>>
      %get3A_630 = tpu.memref_squeeze %get3A_629 : memref<1x32768xf32, #tpu.memory_space<vmem>> -> memref<32768xf32, #tpu.memory_space<vmem>>
      %get3A_631 = arith.index_cast %mul3A_627 : i32 to index
      %get3A_632 = tpu.vector_load %get3A_630[%get3A_631] {strides = array<i32>} : memref<32768xf32, #tpu.memory_space<vmem>>, vector<16xf32>,
      %get3A_633 = vector.shape_cast %get3A_632 : vector<16xf32> to vector<16xf32>
      %get3A_634 = arith.index_cast %mul3A_627 : i32 to index
      %get3A_635 = tpu.vector_load %arg6[%get3A_634] {strides = array<i32>} : memref<32768xf32, #tpu.memory_space<vmem>>, vector<16xf32>,
      %get3A_636 = vector.shape_cast %get3A_635 : vector<16xf32> to vector<16xf32>
      %add3A_637 = arith.addf %get3A_633, %get3A_636 : vector<16xf32>
      %swap3A_638 = arith.constant 0 : i32
      %swap3A_639 = tpu.memref_slice %arg5[%scan3A_126, %swap3A_638] : memref<2x32768xf32, #tpu.memory_space<vmem>> -> memref<1x32768xf32, #tpu.memory_space<vmem>>
      %swap3A_640 = tpu.memref_squeeze %swap3A_639 : memref<1x32768xf32, #tpu.memory_space<vmem>> -> memref<32768xf32, #tpu.memory_space<vmem>>
      %swap3A_641 = arith.index_cast %mul3A_627 : i32 to index
      %swap3A_642 = tpu.vector_load %swap3A_640[%swap3A_641] {strides = array<i32>} : memref<32768xf32, #tpu.memory_space<vmem>>, vector<16xf32>,
      %swap3A_643 = vector.shape_cast %swap3A_642 : vector<16xf32> to vector<16xf32>
      %swap3A_644 = vector.shape_cast %add3A_637 : vector<16xf32> to vector<16xf32>
      tpu.vector_store %swap3A_640[%swap3A_641], %swap3A_644 {strides = array<i32>} : memref<32768xf32, #tpu.memory_space<vmem>>, vector<16xf32>,
      %scan3A_645 = arith.constant 0 : i32
      %scan3A_646 = arith.constant 4 : i32
      %scan3A_647 = arith.addi %scan3A_560, %scan3A_646 : i32
      %mul3A_648 = arith.constant 16 : i32
      %mul3A_649 = arith.muli %scan3A_647, %mul3A_648 : i32
      %get3A_650 = arith.constant 0 : i32
      %get3A_651 = tpu.memref_slice %arg5[%scan3A_126, %get3A_650] : memref<2x32768xf32, #tpu.memory_space<vmem>> -> memref<1x32768xf32, #tpu.memory_space<vmem>>
      %get3A_652 = tpu.memref_squeeze %get3A_651 : memref<1x32768xf32, #tpu.memory_space<vmem>> -> memref<32768xf32, #tpu.memory_space<vmem>>
      %get3A_653 = arith.index_cast %mul3A_649 : i32 to index
      %get3A_654 = tpu.vector_load %get3A_652[%get3A_653] {strides = array<i32>} : memref<32768xf32, #tpu.memory_space<vmem>>, vector<16xf32>,
      %get3A_655 = vector.shape_cast %get3A_654 : vector<16xf32> to vector<16xf32>
      %get3A_656 = arith.index_cast %mul3A_649 : i32 to index
      %get3A_657 = tpu.vector_load %arg6[%get3A_656] {strides = array<i32>} : memref<32768xf32, #tpu.memory_space<vmem>>, vector<16xf32>,
      %get3A_658 = vector.shape_cast %get3A_657 : vector<16xf32> to vector<16xf32>
      %add3A_659 = arith.addf %get3A_655, %get3A_658 : vector<16xf32>
      %swap3A_660 = arith.constant 0 : i32
      %swap3A_661 = tpu.memref_slice %arg5[%scan3A_126, %swap3A_660] : memref<2x32768xf32, #tpu.memory_space<vmem>> -> memref<1x32768xf32, #tpu.memory_space<vmem>>
      %swap3A_662 = tpu.memref_squeeze %swap3A_661 : memref<1x32768xf32, #tpu.memory_space<vmem>> -> memref<32768xf32, #tpu.memory_space<vmem>>
      %swap3A_663 = arith.index_cast %mul3A_649 : i32 to index
      %swap3A_664 = tpu.vector_load %swap3A_662[%swap3A_663] {strides = array<i32>} : memref<32768xf32, #tpu.memory_space<vmem>>, vector<16xf32>,
      %swap3A_665 = vector.shape_cast %swap3A_664 : vector<16xf32> to vector<16xf32>
      %swap3A_666 = vector.shape_cast %add3A_659 : vector<16xf32> to vector<16xf32>
      tpu.vector_store %swap3A_662[%swap3A_663], %swap3A_666 {strides = array<i32>} : memref<32768xf32, #tpu.memory_space<vmem>>, vector<16xf32>,
      %scan3A_667 = arith.constant 0 : i32
      %scan3A_668 = arith.constant 5 : i32
      %scan3A_669 = arith.addi %scan3A_560, %scan3A_668 : i32
      %mul3A_670 = arith.constant 16 : i32
      %mul3A_671 = arith.muli %scan3A_669, %mul3A_670 : i32
      %get3A_672 = arith.constant 0 : i32
      %get3A_673 = tpu.memref_slice %arg5[%scan3A_126, %get3A_672] : memref<2x32768xf32, #tpu.memory_space<vmem>> -> memref<1x32768xf32, #tpu.memory_space<vmem>>
      %get3A_674 = tpu.memref_squeeze %get3A_673 : memref<1x32768xf32, #tpu.memory_space<vmem>> -> memref<32768xf32, #tpu.memory_space<vmem>>
      %get3A_675 = arith.index_cast %mul3A_671 : i32 to index
      %get3A_676 = tpu.vector_load %get3A_674[%get3A_675] {strides = array<i32>} : memref<32768xf32, #tpu.memory_space<vmem>>, vector<16xf32>,
      %get3A_677 = vector.shape_cast %get3A_676 : vector<16xf32> to vector<16xf32>
      %get3A_678 = arith.index_cast %mul3A_671 : i32 to index
      %get3A_679 = tpu.vector_load %arg6[%get3A_678] {strides = array<i32>} : memref<32768xf32, #tpu.memory_space<vmem>>, vector<16xf32>,
      %get3A_680 = vector.shape_cast %get3A_679 : vector<16xf32> to vector<16xf32>
      %add3A_681 = arith.addf %get3A_677, %get3A_680 : vector<16xf32>
      %swap3A_682 = arith.constant 0 : i32
      %swap3A_683 = tpu.memref_slice %arg5[%scan3A_126, %swap3A_682] : memref<2x32768xf32, #tpu.memory_space<vmem>> -> memref<1x32768xf32, #tpu.memory_space<vmem>>
      %swap3A_684 = tpu.memref_squeeze %swap3A_683 : memref<1x32768xf32, #tpu.memory_space<vmem>> -> memref<32768xf32, #tpu.memory_space<vmem>>
      %swap3A_685 = arith.index_cast %mul3A_671 : i32 to index
      %swap3A_686 = tpu.vector_load %swap3A_684[%swap3A_685] {strides = array<i32>} : memref<32768xf32, #tpu.memory_space<vmem>>, vector<16xf32>,
      %swap3A_687 = vector.shape_cast %swap3A_686 : vector<16xf32> to vector<16xf32>
      %swap3A_688 = vector.shape_cast %add3A_681 : vector<16xf32> to vector<16xf32>
      tpu.vector_store %swap3A_684[%swap3A_685], %swap3A_688 {strides = array<i32>} : memref<32768xf32, #tpu.memory_space<vmem>>, vector<16xf32>,
      %scan3A_689 = arith.constant 0 : i32
      %scan3A_690 = arith.constant 6 : i32
      %scan3A_691 = arith.addi %scan3A_560, %scan3A_690 : i32
      %mul3A_692 = arith.constant 16 : i32
      %mul3A_693 = arith.muli %scan3A_691, %mul3A_692 : i32
      %get3A_694 = arith.constant 0 : i32
      %get3A_695 = tpu.memref_slice %arg5[%scan3A_126, %get3A_694] : memref<2x32768xf32, #tpu.memory_space<vmem>> -> memref<1x32768xf32, #tpu.memory_space<vmem>>
      %get3A_696 = tpu.memref_squeeze %get3A_695 : memref<1x32768xf32, #tpu.memory_space<vmem>> -> memref<32768xf32, #tpu.memory_space<vmem>>
      %get3A_697 = arith.index_cast %mul3A_693 : i32 to index
      %get3A_698 = tpu.vector_load %get3A_696[%get3A_697] {strides = array<i32>} : memref<32768xf32, #tpu.memory_space<vmem>>, vector<16xf32>,
      %get3A_699 = vector.shape_cast %get3A_698 : vector<16xf32> to vector<16xf32>
      %get3A_700 = arith.index_cast %mul3A_693 : i32 to index
      %get3A_701 = tpu.vector_load %arg6[%get3A_700] {strides = array<i32>} : memref<32768xf32, #tpu.memory_space<vmem>>, vector<16xf32>,
      %get3A_702 = vector.shape_cast %get3A_701 : vector<16xf32> to vector<16xf32>
      %add3A_703 = arith.addf %get3A_699, %get3A_702 : vector<16xf32>
      %swap3A_704 = arith.constant 0 : i32
      %swap3A_705 = tpu.memref_slice %arg5[%scan3A_126, %swap3A_704] : memref<2x32768xf32, #tpu.memory_space<vmem>> -> memref<1x32768xf32, #tpu.memory_space<vmem>>
      %swap3A_706 = tpu.memref_squeeze %swap3A_705 : memref<1x32768xf32, #tpu.memory_space<vmem>> -> memref<32768xf32, #tpu.memory_space<vmem>>
      %swap3A_707 = arith.index_cast %mul3A_693 : i32 to index
      %swap3A_708 = tpu.vector_load %swap3A_706[%swap3A_707] {strides = array<i32>} : memref<32768xf32, #tpu.memory_space<vmem>>, vector<16xf32>,
      %swap3A_709 = vector.shape_cast %swap3A_708 : vector<16xf32> to vector<16xf32>
      %swap3A_710 = vector.shape_cast %add3A_703 : vector<16xf32> to vector<16xf32>
      tpu.vector_store %swap3A_706[%swap3A_707], %swap3A_710 {strides = array<i32>} : memref<32768xf32, #tpu.memory_space<vmem>>, vector<16xf32>,
      %scan3A_711 = arith.constant 0 : i32
      %scan3A_712 = arith.constant 7 : i32
      %scan3A_713 = arith.addi %scan3A_560, %scan3A_712 : i32
      %mul3A_714 = arith.constant 16 : i32
      %mul3A_715 = arith.muli %scan3A_713, %mul3A_714 : i32
      %get3A_716 = arith.constant 0 : i32
      %get3A_717 = tpu.memref_slice %arg5[%scan3A_126, %get3A_716] : memref<2x32768xf32, #tpu.memory_space<vmem>> -> memref<1x32768xf32, #tpu.memory_space<vmem>>
      %get3A_718 = tpu.memref_squeeze %get3A_717 : memref<1x32768xf32, #tpu.memory_space<vmem>> -> memref<32768xf32, #tpu.memory_space<vmem>>
      %get3A_719 = arith.index_cast %mul3A_715 : i32 to index
      %get3A_720 = tpu.vector_load %get3A_718[%get3A_719] {strides = array<i32>} : memref<32768xf32, #tpu.memory_space<vmem>>, vector<16xf32>,
      %get3A_721 = vector.shape_cast %get3A_720 : vector<16xf32> to vector<16xf32>
      %get3A_722 = arith.index_cast %mul3A_715 : i32 to index
      %get3A_723 = tpu.vector_load %arg6[%get3A_722] {strides = array<i32>} : memref<32768xf32, #tpu.memory_space<vmem>>, vector<16xf32>,
      %get3A_724 = vector.shape_cast %get3A_723 : vector<16xf32> to vector<16xf32>
      %add3A_725 = arith.addf %get3A_721, %get3A_724 : vector<16xf32>
      %swap3A_726 = arith.constant 0 : i32
      %swap3A_727 = tpu.memref_slice %arg5[%scan3A_126, %swap3A_726] : memref<2x32768xf32, #tpu.memory_space<vmem>> -> memref<1x32768xf32, #tpu.memory_space<vmem>>
      %swap3A_728 = tpu.memref_squeeze %swap3A_727 : memref<1x32768xf32, #tpu.memory_space<vmem>> -> memref<32768xf32, #tpu.memory_space<vmem>>
      %swap3A_729 = arith.index_cast %mul3A_715 : i32 to index
      %swap3A_730 = tpu.vector_load %swap3A_728[%swap3A_729] {strides = array<i32>} : memref<32768xf32, #tpu.memory_space<vmem>>, vector<16xf32>,
      %swap3A_731 = vector.shape_cast %swap3A_730 : vector<16xf32> to vector<16xf32>
      %swap3A_732 = vector.shape_cast %add3A_725 : vector<16xf32> to vector<16xf32>
      tpu.vector_store %swap3A_728[%swap3A_729], %swap3A_732 {strides = array<i32>} : memref<32768xf32, #tpu.memory_space<vmem>>, vector<16xf32>,
      %scan3A_733 = arith.constant 0 : i32
      scf.yield %scan3A_733 : i32
    }
    %scan3A_133 = arith.constant 2048 : i32
    %dma_start3A_134 = arith.constant 1 : i32
    %dma_start3A_135 = arith.constant 1 : i32
    %dma_start3A_136 = arith.constant 0 : i32
    %dma_start3A_137 = tpu.memref_slice %arg5[%dma_start3A_134, %dma_start3A_136] : memref<2x32768xf32, #tpu.memory_space<vmem>> -> memref<1x32768xf32, #tpu.memory_space<vmem>>
    %dma_start3A_138 = tpu.memref_squeeze %dma_start3A_137 : memref<1x32768xf32, #tpu.memory_space<vmem>> -> memref<32768xf32, #tpu.memory_space<vmem>>
    %dma_start3A_139 = tpu.memref_slice %arg4[%add3A_81] : memref<8388608xf32, #tpu.memory_space<hbm>> -> memref<32768xf32, #tpu.memory_space<hbm>>
    %dma_start3A_140 = tpu.memref_slice %arg9[%dma_start3A_135] : memref<2x!tpu.dma_semaphore, #tpu.memory_space<semaphore_mem>> -> memref<1x!tpu.dma_semaphore, #tpu.memory_space<semaphore_mem>>
    %dma_start3A_141 = tpu.memref_squeeze %dma_start3A_140 : memref<1x!tpu.dma_semaphore, #tpu.memory_space<semaphore_mem>> -> memref<!tpu.dma_semaphore, #tpu.memory_space<semaphore_mem>>
    %dma_start3A_142 = tpu.memref_slice %arg4[%add3A_81] : memref<8388608xf32, #tpu.memory_space<hbm>> -> memref<32768xf32, #tpu.memory_space<hbm>>
    %dma_start3A_143 = arith.constant 0 : i32
    %dma_start3A_144 = tpu.memref_slice %arg5[%dma_start3A_134, %dma_start3A_143] : memref<2x32768xf32, #tpu.memory_space<vmem>> -> memref<1x32768xf32, #tpu.memory_space<vmem>>
    %dma_start3A_145 = tpu.memref_squeeze %dma_start3A_144 : memref<1x32768xf32, #tpu.memory_space<vmem>> -> memref<32768xf32, #tpu.memory_space<vmem>>
    tpu.enqueue_dma source(%dma_start3A_145 : memref<32768xf32, #tpu.memory_space<vmem>>) target(%dma_start3A_142 : memref<32768xf32, #tpu.memory_space<hbm>>) target_semaphore(%dma_start3A_141 : memref<!tpu.dma_semaphore, #tpu.memory_space<semaphore_mem>>)
    %add3A_146 = arith.constant 4194304 : i32
    %add3A_147 = arith.addi %add3A_146, %mul3A_4 : i32
    %add3A_148 = arith.constant 0 : i32
    %add3A_149 = arith.addi %add3A_147, %add3A_148 : i32
    %dma_wait3A_150 = arith.constant 1 : i32
    %dma_wait3A_151 = arith.constant 1 : i32
    %dma_wait3A_152 = arith.constant 0 : i32
    %dma_wait3A_153 = tpu.memref_slice %arg5[%dma_wait3A_150, %dma_wait3A_152] : memref<2x32768xf32, #tpu.memory_space<vmem>> -> memref<1x32768xf32, #tpu.memory_space<vmem>>
    %dma_wait3A_154 = tpu.memref_squeeze %dma_wait3A_153 : memref<1x32768xf32, #tpu.memory_space<vmem>> -> memref<32768xf32, #tpu.memory_space<vmem>>
    %dma_wait3A_155 = arith.constant 0 : i32
    %dma_wait3A_156 = tpu.memref_slice %arg4[%dma_wait3A_155] : memref<8388608xf32, #tpu.memory_space<hbm>> -> memref<32768xf32, #tpu.memory_space<hbm>>
    %dma_wait3A_157 = tpu.memref_slice %arg9[%dma_wait3A_151] : memref<2x!tpu.dma_semaphore, #tpu.memory_space<semaphore_mem>> -> memref<1x!tpu.dma_semaphore, #tpu.memory_space<semaphore_mem>>
    %dma_wait3A_158 = tpu.memref_squeeze %dma_wait3A_157 : memref<1x!tpu.dma_semaphore, #tpu.memory_space<semaphore_mem>> -> memref<!tpu.dma_semaphore, #tpu.memory_space<semaphore_mem>>
    %dma_wait3A_159 = arith.constant 0 : i32
    %dma_wait3A_160 = tpu.memref_slice %arg4[%dma_wait3A_159] : memref<8388608xf32, #tpu.memory_space<hbm>> -> memref<32768xf32, #tpu.memory_space<hbm>>
    %dma_wait3A_161 = arith.constant 0 : i32
    %dma_wait3A_162 = tpu.memref_slice %arg5[%dma_wait3A_150, %dma_wait3A_161] : memref<2x32768xf32, #tpu.memory_space<vmem>> -> memref<1x32768xf32, #tpu.memory_space<vmem>>
    %dma_wait3A_163 = tpu.memref_squeeze %dma_wait3A_162 : memref<1x32768xf32, #tpu.memory_space<vmem>> -> memref<32768xf32, #tpu.memory_space<vmem>>
    tpu.wait_dma2 semaphore(%dma_wait3A_158 : memref<!tpu.dma_semaphore, #tpu.memory_space<semaphore_mem>>) src(%dma_wait3A_163 : memref<32768xf32, #tpu.memory_space<vmem>>) dst(%dma_wait3A_160 : memref<32768xf32, #tpu.memory_space<hbm>>)
    %add3A_164 = arith.constant 6291456 : i32
    %add3A_165 = arith.addi %add3A_164, %mul3A_4 : i32
    %add3A_166 = arith.constant 0 : i32
    %add3A_167 = arith.addi %add3A_165, %add3A_166 : i32
    %dma_start3A_168 = arith.constant 1 : i32
    %dma_start3A_169 = arith.constant 1 : i32
    %dma_start3A_170 = arith.constant 0 : i32
    %dma_start3A_171 = tpu.memref_slice %arg5[%dma_start3A_168, %dma_start3A_170] : memref<2x32768xf32, #tpu.memory_space<vmem>> -> memref<1x32768xf32, #tpu.memory_space<vmem>>
    %dma_start3A_172 = tpu.memref_squeeze %dma_start3A_171 : memref<1x32768xf32, #tpu.memory_space<vmem>> -> memref<32768xf32, #tpu.memory_space<vmem>>
    %dma_start3A_173 = tpu.memref_slice %arg2[%add3A_167] : memref<8388608xf32, #tpu.memory_space<hbm>> -> memref<32768xf32, #tpu.memory_space<hbm>>
    %dma_start3A_174 = tpu.memref_slice %arg7[%dma_start3A_169] : memref<2x!tpu.dma_semaphore, #tpu.memory_space<semaphore_mem>> -> memref<1x!tpu.dma_semaphore, #tpu.memory_space<semaphore_mem>>
    %dma_start3A_175 = tpu.memref_squeeze %dma_start3A_174 : memref<1x!tpu.dma_semaphore, #tpu.memory_space<semaphore_mem>> -> memref<!tpu.dma_semaphore, #tpu.memory_space<semaphore_mem>>
    %dma_start3A_176 = arith.constant 0 : i32
    %dma_start3A_177 = tpu.memref_slice %arg5[%dma_start3A_168, %dma_start3A_176] : memref<2x32768xf32, #tpu.memory_space<vmem>> -> memref<1x32768xf32, #tpu.memory_space<vmem>>
    %dma_start3A_178 = tpu.memref_squeeze %dma_start3A_177 : memref<1x32768xf32, #tpu.memory_space<vmem>> -> memref<32768xf32, #tpu.memory_space<vmem>>
    %dma_start3A_179 = tpu.memref_slice %arg2[%add3A_167] : memref<8388608xf32, #tpu.memory_space<hbm>> -> memref<32768xf32, #tpu.memory_space<hbm>>
    tpu.enqueue_dma source(%dma_start3A_179 : memref<32768xf32, #tpu.memory_space<hbm>>) target(%dma_start3A_178 : memref<32768xf32, #tpu.memory_space<vmem>>) target_semaphore(%dma_start3A_175 : memref<!tpu.dma_semaphore, #tpu.memory_space<semaphore_mem>>)
    %dma_wait3A_180 = arith.constant 0 : i32
    %dma_wait3A_181 = arith.constant 0 : i32
    %dma_wait3A_182 = arith.constant 0 : i32
    %dma_wait3A_183 = tpu.memref_slice %arg5[%dma_wait3A_180, %dma_wait3A_182] : memref<2x32768xf32, #tpu.memory_space<vmem>> -> memref<1x32768xf32, #tpu.memory_space<vmem>>
    %dma_wait3A_184 = tpu.memref_squeeze %dma_wait3A_183 : memref<1x32768xf32, #tpu.memory_space<vmem>> -> memref<32768xf32, #tpu.memory_space<vmem>>
    %dma_wait3A_185 = arith.constant 0 : i32
    %dma_wait3A_186 = tpu.memref_slice %arg2[%dma_wait3A_185] : memref<8388608xf32, #tpu.memory_space<hbm>> -> memref<32768xf32, #tpu.memory_space<hbm>>
    %dma_wait3A_187 = tpu.memref_slice %arg7[%dma_wait3A_181] : memref<2x!tpu.dma_semaphore, #tpu.memory_space<semaphore_mem>> -> memref<1x!tpu.dma_semaphore, #tpu.memory_space<semaphore_mem>>
    %dma_wait3A_188 = tpu.memref_squeeze %dma_wait3A_187 : memref<1x!tpu.dma_semaphore, #tpu.memory_space<semaphore_mem>> -> memref<!tpu.dma_semaphore, #tpu.memory_space<semaphore_mem>>
    %dma_wait3A_189 = arith.constant 0 : i32
    %dma_wait3A_190 = tpu.memref_slice %arg5[%dma_wait3A_180, %dma_wait3A_189] : memref<2x32768xf32, #tpu.memory_space<vmem>> -> memref<1x32768xf32, #tpu.memory_space<vmem>>
    %dma_wait3A_191 = tpu.memref_squeeze %dma_wait3A_190 : memref<1x32768xf32, #tpu.memory_space<vmem>> -> memref<32768xf32, #tpu.memory_space<vmem>>
    %dma_wait3A_192 = arith.constant 0 : i32
    %dma_wait3A_193 = tpu.memref_slice %arg2[%dma_wait3A_192] : memref<8388608xf32, #tpu.memory_space<hbm>> -> memref<32768xf32, #tpu.memory_space<hbm>>
    tpu.wait_dma2 semaphore(%dma_wait3A_188 : memref<!tpu.dma_semaphore, #tpu.memory_space<semaphore_mem>>) src(%dma_wait3A_193 : memref<32768xf32, #tpu.memory_space<hbm>>) dst(%dma_wait3A_191 : memref<32768xf32, #tpu.memory_space<vmem>>)
    %scan3A_194 = arith.constant 0 : i32
    %scan3A_195 = arith.constant 0 : i32
    %scan3A_196 = arith.constant 0 : i32
    %scan3A_197 = arith.constant 2048 : i32
    %scan3A_198 = arith.addi %scan3A_196, %scan3A_197 : i32
    %scan3A_199 = arith.constant 8 : i32
    %scan3A_200 = scf.for %scan3A_560 = %scan3A_196 to %scan3A_198 step %scan3A_199 iter_args(%scan3A_561 = %scan3A_195) -> (i32)  : i32 {
      %mul3A_562 = arith.constant 16 : i32
      %mul3A_563 = arith.muli %scan3A_560, %mul3A_562 : i32
      %get3A = arith.constant 0 : i32
      %get3A_564 = tpu.memref_slice %arg5[%scan3A_194, %get3A] : memref<2x32768xf32, #tpu.memory_space<vmem>> -> memref<1x32768xf32, #tpu.memory_space<vmem>>
      %get3A_565 = tpu.memref_squeeze %get3A_564 : memref<1x32768xf32, #tpu.memory_space<vmem>> -> memref<32768xf32, #tpu.memory_space<vmem>>
      %get3A_566 = arith.index_cast %mul3A_563 : i32 to index
      %get3A_567 = tpu.vector_load %get3A_565[%get3A_566] {strides = array<i32>} : memref<32768xf32, #tpu.memory_space<vmem>>, vector<16xf32>,
      %get3A_568 = vector.shape_cast %get3A_567 : vector<16xf32> to vector<16xf32>
      %get3A_569 = arith.index_cast %mul3A_563 : i32 to index
      %get3A_570 = tpu.vector_load %arg6[%get3A_569] {strides = array<i32>} : memref<32768xf32, #tpu.memory_space<vmem>>, vector<16xf32>,
      %get3A_571 = vector.shape_cast %get3A_570 : vector<16xf32> to vector<16xf32>
      %add3A_572 = arith.addf %get3A_568, %get3A_571 : vector<16xf32>
      %swap3A = arith.constant 0 : i32
      %swap3A_573 = tpu.memref_slice %arg5[%scan3A_194, %swap3A] : memref<2x32768xf32, #tpu.memory_space<vmem>> -> memref<1x32768xf32, #tpu.memory_space<vmem>>
      %swap3A_574 = tpu.memref_squeeze %swap3A_573 : memref<1x32768xf32, #tpu.memory_space<vmem>> -> memref<32768xf32, #tpu.memory_space<vmem>>
      %swap3A_575 = arith.index_cast %mul3A_563 : i32 to index
      %swap3A_576 = tpu.vector_load %swap3A_574[%swap3A_575] {strides = array<i32>} : memref<32768xf32, #tpu.memory_space<vmem>>, vector<16xf32>,
      %swap3A_577 = vector.shape_cast %swap3A_576 : vector<16xf32> to vector<16xf32>
      %swap3A_578 = vector.shape_cast %add3A_572 : vector<16xf32> to vector<16xf32>
      tpu.vector_store %swap3A_574[%swap3A_575], %swap3A_578 {strides = array<i32>} : memref<32768xf32, #tpu.memory_space<vmem>>, vector<16xf32>,
      %scan3A_579 = arith.constant 0 : i32
      %scan3A_580 = arith.constant 1 : i32
      %scan3A_581 = arith.addi %scan3A_560, %scan3A_580 : i32
      %mul3A_582 = arith.constant 16 : i32
      %mul3A_583 = arith.muli %scan3A_581, %mul3A_582 : i32
      %get3A_584 = arith.constant 0 : i32
      %get3A_585 = tpu.memref_slice %arg5[%scan3A_194, %get3A_584] : memref<2x32768xf32, #tpu.memory_space<vmem>> -> memref<1x32768xf32, #tpu.memory_space<vmem>>
      %get3A_586 = tpu.memref_squeeze %get3A_585 : memref<1x32768xf32, #tpu.memory_space<vmem>> -> memref<32768xf32, #tpu.memory_space<vmem>>
      %get3A_587 = arith.index_cast %mul3A_583 : i32 to index
      %get3A_588 = tpu.vector_load %get3A_586[%get3A_587] {strides = array<i32>} : memref<32768xf32, #tpu.memory_space<vmem>>, vector<16xf32>,
      %get3A_589 = vector.shape_cast %get3A_588 : vector<16xf32> to vector<16xf32>
      %get3A_590 = arith.index_cast %mul3A_583 : i32 to index
      %get3A_591 = tpu.vector_load %arg6[%get3A_590] {strides = array<i32>} : memref<32768xf32, #tpu.memory_space<vmem>>, vector<16xf32>,
      %get3A_592 = vector.shape_cast %get3A_591 : vector<16xf32> to vector<16xf32>
      %add3A_593 = arith.addf %get3A_589, %get3A_592 : vector<16xf32>
      %swap3A_594 = arith.constant 0 : i32
      %swap3A_595 = tpu.memref_slice %arg5[%scan3A_194, %swap3A_594] : memref<2x32768xf32, #tpu.memory_space<vmem>> -> memref<1x32768xf32, #tpu.memory_space<vmem>>
      %swap3A_596 = tpu.memref_squeeze %swap3A_595 : memref<1x32768xf32, #tpu.memory_space<vmem>> -> memref<32768xf32, #tpu.memory_space<vmem>>
      %swap3A_597 = arith.index_cast %mul3A_583 : i32 to index
      %swap3A_598 = tpu.vector_load %swap3A_596[%swap3A_597] {strides = array<i32>} : memref<32768xf32, #tpu.memory_space<vmem>>, vector<16xf32>,
      %swap3A_599 = vector.shape_cast %swap3A_598 : vector<16xf32> to vector<16xf32>
      %swap3A_600 = vector.shape_cast %add3A_593 : vector<16xf32> to vector<16xf32>
      tpu.vector_store %swap3A_596[%swap3A_597], %swap3A_600 {strides = array<i32>} : memref<32768xf32, #tpu.memory_space<vmem>>, vector<16xf32>,
      %scan3A_601 = arith.constant 0 : i32
      %scan3A_602 = arith.constant 2 : i32
      %scan3A_603 = arith.addi %scan3A_560, %scan3A_602 : i32
      %mul3A_604 = arith.constant 16 : i32
      %mul3A_605 = arith.muli %scan3A_603, %mul3A_604 : i32
      %get3A_606 = arith.constant 0 : i32
      %get3A_607 = tpu.memref_slice %arg5[%scan3A_194, %get3A_606] : memref<2x32768xf32, #tpu.memory_space<vmem>> -> memref<1x32768xf32, #tpu.memory_space<vmem>>
      %get3A_608 = tpu.memref_squeeze %get3A_607 : memref<1x32768xf32, #tpu.memory_space<vmem>> -> memref<32768xf32, #tpu.memory_space<vmem>>
      %get3A_609 = arith.index_cast %mul3A_605 : i32 to index
      %get3A_610 = tpu.vector_load %get3A_608[%get3A_609] {strides = array<i32>} : memref<32768xf32, #tpu.memory_space<vmem>>, vector<16xf32>,
      %get3A_611 = vector.shape_cast %get3A_610 : vector<16xf32> to vector<16xf32>
      %get3A_612 = arith.index_cast %mul3A_605 : i32 to index
      %get3A_613 = tpu.vector_load %arg6[%get3A_612] {strides = array<i32>} : memref<32768xf32, #tpu.memory_space<vmem>>, vector<16xf32>,
      %get3A_614 = vector.shape_cast %get3A_613 : vector<16xf32> to vector<16xf32>
      %add3A_615 = arith.addf %get3A_611, %get3A_614 : vector<16xf32>
      %swap3A_616 = arith.constant 0 : i32
      %swap3A_617 = tpu.memref_slice %arg5[%scan3A_194, %swap3A_616] : memref<2x32768xf32, #tpu.memory_space<vmem>> -> memref<1x32768xf32, #tpu.memory_space<vmem>>
      %swap3A_618 = tpu.memref_squeeze %swap3A_617 : memref<1x32768xf32, #tpu.memory_space<vmem>> -> memref<32768xf32, #tpu.memory_space<vmem>>
      %swap3A_619 = arith.index_cast %mul3A_605 : i32 to index
      %swap3A_620 = tpu.vector_load %swap3A_618[%swap3A_619] {strides = array<i32>} : memref<32768xf32, #tpu.memory_space<vmem>>, vector<16xf32>,
      %swap3A_621 = vector.shape_cast %swap3A_620 : vector<16xf32> to vector<16xf32>
      %swap3A_622 = vector.shape_cast %add3A_615 : vector<16xf32> to vector<16xf32>
      tpu.vector_store %swap3A_618[%swap3A_619], %swap3A_622 {strides = array<i32>} : memref<32768xf32, #tpu.memory_space<vmem>>, vector<16xf32>,
      %scan3A_623 = arith.constant 0 : i32
      %scan3A_624 = arith.constant 3 : i32
      %scan3A_625 = arith.addi %scan3A_560, %scan3A_624 : i32
      %mul3A_626 = arith.constant 16 : i32
      %mul3A_627 = arith.muli %scan3A_625, %mul3A_626 : i32
      %get3A_628 = arith.constant 0 : i32
      %get3A_629 = tpu.memref_slice %arg5[%scan3A_194, %get3A_628] : memref<2x32768xf32, #tpu.memory_space<vmem>> -> memref<1x32768xf32, #tpu.memory_space<vmem>>
      %get3A_630 = tpu.memref_squeeze %get3A_629 : memref<1x32768xf32, #tpu.memory_space<vmem>> -> memref<32768xf32, #tpu.memory_space<vmem>>
      %get3A_631 = arith.index_cast %mul3A_627 : i32 to index
      %get3A_632 = tpu.vector_load %get3A_630[%get3A_631] {strides = array<i32>} : memref<32768xf32, #tpu.memory_space<vmem>>, vector<16xf32>,
      %get3A_633 = vector.shape_cast %get3A_632 : vector<16xf32> to vector<16xf32>
      %get3A_634 = arith.index_cast %mul3A_627 : i32 to index
      %get3A_635 = tpu.vector_load %arg6[%get3A_634] {strides = array<i32>} : memref<32768xf32, #tpu.memory_space<vmem>>, vector<16xf32>,
      %get3A_636 = vector.shape_cast %get3A_635 : vector<16xf32> to vector<16xf32>
      %add3A_637 = arith.addf %get3A_633, %get3A_636 : vector<16xf32>
      %swap3A_638 = arith.constant 0 : i32
      %swap3A_639 = tpu.memref_slice %arg5[%scan3A_194, %swap3A_638] : memref<2x32768xf32, #tpu.memory_space<vmem>> -> memref<1x32768xf32, #tpu.memory_space<vmem>>
      %swap3A_640 = tpu.memref_squeeze %swap3A_639 : memref<1x32768xf32, #tpu.memory_space<vmem>> -> memref<32768xf32, #tpu.memory_space<vmem>>
      %swap3A_641 = arith.index_cast %mul3A_627 : i32 to index
      %swap3A_642 = tpu.vector_load %swap3A_640[%swap3A_641] {strides = array<i32>} : memref<32768xf32, #tpu.memory_space<vmem>>, vector<16xf32>,
      %swap3A_643 = vector.shape_cast %swap3A_642 : vector<16xf32> to vector<16xf32>
      %swap3A_644 = vector.shape_cast %add3A_637 : vector<16xf32> to vector<16xf32>
      tpu.vector_store %swap3A_640[%swap3A_641], %swap3A_644 {strides = array<i32>} : memref<32768xf32, #tpu.memory_space<vmem>>, vector<16xf32>,
      %scan3A_645 = arith.constant 0 : i32
      %scan3A_646 = arith.constant 4 : i32
      %scan3A_647 = arith.addi %scan3A_560, %scan3A_646 : i32
      %mul3A_648 = arith.constant 16 : i32
      %mul3A_649 = arith.muli %scan3A_647, %mul3A_648 : i32
      %get3A_650 = arith.constant 0 : i32
      %get3A_651 = tpu.memref_slice %arg5[%scan3A_194, %get3A_650] : memref<2x32768xf32, #tpu.memory_space<vmem>> -> memref<1x32768xf32, #tpu.memory_space<vmem>>
      %get3A_652 = tpu.memref_squeeze %get3A_651 : memref<1x32768xf32, #tpu.memory_space<vmem>> -> memref<32768xf32, #tpu.memory_space<vmem>>
      %get3A_653 = arith.index_cast %mul3A_649 : i32 to index
      %get3A_654 = tpu.vector_load %get3A_652[%get3A_653] {strides = array<i32>} : memref<32768xf32, #tpu.memory_space<vmem>>, vector<16xf32>,
      %get3A_655 = vector.shape_cast %get3A_654 : vector<16xf32> to vector<16xf32>
      %get3A_656 = arith.index_cast %mul3A_649 : i32 to index
      %get3A_657 = tpu.vector_load %arg6[%get3A_656] {strides = array<i32>} : memref<32768xf32, #tpu.memory_space<vmem>>, vector<16xf32>,
      %get3A_658 = vector.shape_cast %get3A_657 : vector<16xf32> to vector<16xf32>
      %add3A_659 = arith.addf %get3A_655, %get3A_658 : vector<16xf32>
      %swap3A_660 = arith.constant 0 : i32
      %swap3A_661 = tpu.memref_slice %arg5[%scan3A_194, %swap3A_660] : memref<2x32768xf32, #tpu.memory_space<vmem>> -> memref<1x32768xf32, #tpu.memory_space<vmem>>
      %swap3A_662 = tpu.memref_squeeze %swap3A_661 : memref<1x32768xf32, #tpu.memory_space<vmem>> -> memref<32768xf32, #tpu.memory_space<vmem>>
      %swap3A_663 = arith.index_cast %mul3A_649 : i32 to index
      %swap3A_664 = tpu.vector_load %swap3A_662[%swap3A_663] {strides = array<i32>} : memref<32768xf32, #tpu.memory_space<vmem>>, vector<16xf32>,
      %swap3A_665 = vector.shape_cast %swap3A_664 : vector<16xf32> to vector<16xf32>
      %swap3A_666 = vector.shape_cast %add3A_659 : vector<16xf32> to vector<16xf32>
      tpu.vector_store %swap3A_662[%swap3A_663], %swap3A_666 {strides = array<i32>} : memref<32768xf32, #tpu.memory_space<vmem>>, vector<16xf32>,
      %scan3A_667 = arith.constant 0 : i32
      %scan3A_668 = arith.constant 5 : i32
      %scan3A_669 = arith.addi %scan3A_560, %scan3A_668 : i32
      %mul3A_670 = arith.constant 16 : i32
      %mul3A_671 = arith.muli %scan3A_669, %mul3A_670 : i32
      %get3A_672 = arith.constant 0 : i32
      %get3A_673 = tpu.memref_slice %arg5[%scan3A_194, %get3A_672] : memref<2x32768xf32, #tpu.memory_space<vmem>> -> memref<1x32768xf32, #tpu.memory_space<vmem>>
      %get3A_674 = tpu.memref_squeeze %get3A_673 : memref<1x32768xf32, #tpu.memory_space<vmem>> -> memref<32768xf32, #tpu.memory_space<vmem>>
      %get3A_675 = arith.index_cast %mul3A_671 : i32 to index
      %get3A_676 = tpu.vector_load %get3A_674[%get3A_675] {strides = array<i32>} : memref<32768xf32, #tpu.memory_space<vmem>>, vector<16xf32>,
      %get3A_677 = vector.shape_cast %get3A_676 : vector<16xf32> to vector<16xf32>
      %get3A_678 = arith.index_cast %mul3A_671 : i32 to index
      %get3A_679 = tpu.vector_load %arg6[%get3A_678] {strides = array<i32>} : memref<32768xf32, #tpu.memory_space<vmem>>, vector<16xf32>,
      %get3A_680 = vector.shape_cast %get3A_679 : vector<16xf32> to vector<16xf32>
      %add3A_681 = arith.addf %get3A_677, %get3A_680 : vector<16xf32>
      %swap3A_682 = arith.constant 0 : i32
      %swap3A_683 = tpu.memref_slice %arg5[%scan3A_194, %swap3A_682] : memref<2x32768xf32, #tpu.memory_space<vmem>> -> memref<1x32768xf32, #tpu.memory_space<vmem>>
      %swap3A_684 = tpu.memref_squeeze %swap3A_683 : memref<1x32768xf32, #tpu.memory_space<vmem>> -> memref<32768xf32, #tpu.memory_space<vmem>>
      %swap3A_685 = arith.index_cast %mul3A_671 : i32 to index
      %swap3A_686 = tpu.vector_load %swap3A_684[%swap3A_685] {strides = array<i32>} : memref<32768xf32, #tpu.memory_space<vmem>>, vector<16xf32>,
      %swap3A_687 = vector.shape_cast %swap3A_686 : vector<16xf32> to vector<16xf32>
      %swap3A_688 = vector.shape_cast %add3A_681 : vector<16xf32> to vector<16xf32>
      tpu.vector_store %swap3A_684[%swap3A_685], %swap3A_688 {strides = array<i32>} : memref<32768xf32, #tpu.memory_space<vmem>>, vector<16xf32>,
      %scan3A_689 = arith.constant 0 : i32
      %scan3A_690 = arith.constant 6 : i32
      %scan3A_691 = arith.addi %scan3A_560, %scan3A_690 : i32
      %mul3A_692 = arith.constant 16 : i32
      %mul3A_693 = arith.muli %scan3A_691, %mul3A_692 : i32
      %get3A_694 = arith.constant 0 : i32
      %get3A_695 = tpu.memref_slice %arg5[%scan3A_194, %get3A_694] : memref<2x32768xf32, #tpu.memory_space<vmem>> -> memref<1x32768xf32, #tpu.memory_space<vmem>>
      %get3A_696 = tpu.memref_squeeze %get3A_695 : memref<1x32768xf32, #tpu.memory_space<vmem>> -> memref<32768xf32, #tpu.memory_space<vmem>>
      %get3A_697 = arith.index_cast %mul3A_693 : i32 to index
      %get3A_698 = tpu.vector_load %get3A_696[%get3A_697] {strides = array<i32>} : memref<32768xf32, #tpu.memory_space<vmem>>, vector<16xf32>,
      %get3A_699 = vector.shape_cast %get3A_698 : vector<16xf32> to vector<16xf32>
      %get3A_700 = arith.index_cast %mul3A_693 : i32 to index
      %get3A_701 = tpu.vector_load %arg6[%get3A_700] {strides = array<i32>} : memref<32768xf32, #tpu.memory_space<vmem>>, vector<16xf32>,
      %get3A_702 = vector.shape_cast %get3A_701 : vector<16xf32> to vector<16xf32>
      %add3A_703 = arith.addf %get3A_699, %get3A_702 : vector<16xf32>
      %swap3A_704 = arith.constant 0 : i32
      %swap3A_705 = tpu.memref_slice %arg5[%scan3A_194, %swap3A_704] : memref<2x32768xf32, #tpu.memory_space<vmem>> -> memref<1x32768xf32, #tpu.memory_space<vmem>>
      %swap3A_706 = tpu.memref_squeeze %swap3A_705 : memref<1x32768xf32, #tpu.memory_space<vmem>> -> memref<32768xf32, #tpu.memory_space<vmem>>
      %swap3A_707 = arith.index_cast %mul3A_693 : i32 to index
      %swap3A_708 = tpu.vector_load %swap3A_706[%swap3A_707] {strides = array<i32>} : memref<32768xf32, #tpu.memory_space<vmem>>, vector<16xf32>,
      %swap3A_709 = vector.shape_cast %swap3A_708 : vector<16xf32> to vector<16xf32>
      %swap3A_710 = vector.shape_cast %add3A_703 : vector<16xf32> to vector<16xf32>
      tpu.vector_store %swap3A_706[%swap3A_707], %swap3A_710 {strides = array<i32>} : memref<32768xf32, #tpu.memory_space<vmem>>, vector<16xf32>,
      %scan3A_711 = arith.constant 0 : i32
      %scan3A_712 = arith.constant 7 : i32
      %scan3A_713 = arith.addi %scan3A_560, %scan3A_712 : i32
      %mul3A_714 = arith.constant 16 : i32
      %mul3A_715 = arith.muli %scan3A_713, %mul3A_714 : i32
      %get3A_716 = arith.constant 0 : i32
      %get3A_717 = tpu.memref_slice %arg5[%scan3A_194, %get3A_716] : memref<2x32768xf32, #tpu.memory_space<vmem>> -> memref<1x32768xf32, #tpu.memory_space<vmem>>
      %get3A_718 = tpu.memref_squeeze %get3A_717 : memref<1x32768xf32, #tpu.memory_space<vmem>> -> memref<32768xf32, #tpu.memory_space<vmem>>
      %get3A_719 = arith.index_cast %mul3A_715 : i32 to index
      %get3A_720 = tpu.vector_load %get3A_718[%get3A_719] {strides = array<i32>} : memref<32768xf32, #tpu.memory_space<vmem>>, vector<16xf32>,
      %get3A_721 = vector.shape_cast %get3A_720 : vector<16xf32> to vector<16xf32>
      %get3A_722 = arith.index_cast %mul3A_715 : i32 to index
      %get3A_723 = tpu.vector_load %arg6[%get3A_722] {strides = array<i32>} : memref<32768xf32, #tpu.memory_space<vmem>>, vector<16xf32>,
      %get3A_724 = vector.shape_cast %get3A_723 : vector<16xf32> to vector<16xf32>
      %add3A_725 = arith.addf %get3A_721, %get3A_724 : vector<16xf32>
      %swap3A_726 = arith.constant 0 : i32
      %swap3A_727 = tpu.memref_slice %arg5[%scan3A_194, %swap3A_726] : memref<2x32768xf32, #tpu.memory_space<vmem>> -> memref<1x32768xf32, #tpu.memory_space<vmem>>
      %swap3A_728 = tpu.memref_squeeze %swap3A_727 : memref<1x32768xf32, #tpu.memory_space<vmem>> -> memref<32768xf32, #tpu.memory_space<vmem>>
      %swap3A_729 = arith.index_cast %mul3A_715 : i32 to index
      %swap3A_730 = tpu.vector_load %swap3A_728[%swap3A_729] {strides = array<i32>} : memref<32768xf32, #tpu.memory_space<vmem>>, vector<16xf32>,
      %swap3A_731 = vector.shape_cast %swap3A_730 : vector<16xf32> to vector<16xf32>
      %swap3A_732 = vector.shape_cast %add3A_725 : vector<16xf32> to vector<16xf32>
      tpu.vector_store %swap3A_728[%swap3A_729], %swap3A_732 {strides = array<i32>} : memref<32768xf32, #tpu.memory_space<vmem>>, vector<16xf32>,
      %scan3A_733 = arith.constant 0 : i32
      scf.yield %scan3A_733 : i32
    }
    %scan3A_201 = arith.constant 2048 : i32
    %dma_start3A_202 = arith.constant 0 : i32
    %dma_start3A_203 = arith.constant 0 : i32
    %dma_start3A_204 = arith.constant 0 : i32
    %dma_start3A_205 = tpu.memref_slice %arg5[%dma_start3A_202, %dma_start3A_204] : memref<2x32768xf32, #tpu.memory_space<vmem>> -> memref<1x32768xf32, #tpu.memory_space<vmem>>
    %dma_start3A_206 = tpu.memref_squeeze %dma_start3A_205 : memref<1x32768xf32, #tpu.memory_space<vmem>> -> memref<32768xf32, #tpu.memory_space<vmem>>
    %dma_start3A_207 = tpu.memref_slice %arg4[%add3A_149] : memref<8388608xf32, #tpu.memory_space<hbm>> -> memref<32768xf32, #tpu.memory_space<hbm>>
    %dma_start3A_208 = tpu.memref_slice %arg9[%dma_start3A_203] : memref<2x!tpu.dma_semaphore, #tpu.memory_space<semaphore_mem>> -> memref<1x!tpu.dma_semaphore, #tpu.memory_space<semaphore_mem>>
    %dma_start3A_209 = tpu.memref_squeeze %dma_start3A_208 : memref<1x!tpu.dma_semaphore, #tpu.memory_space<semaphore_mem>> -> memref<!tpu.dma_semaphore, #tpu.memory_space<semaphore_mem>>
    %dma_start3A_210 = tpu.memref_slice %arg4[%add3A_149] : memref<8388608xf32, #tpu.memory_space<hbm>> -> memref<32768xf32, #tpu.memory_space<hbm>>
    %dma_start3A_211 = arith.constant 0 : i32
    %dma_start3A_212 = tpu.memref_slice %arg5[%dma_start3A_202, %dma_start3A_211] : memref<2x32768xf32, #tpu.memory_space<vmem>> -> memref<1x32768xf32, #tpu.memory_space<vmem>>
    %dma_start3A_213 = tpu.memref_squeeze %dma_start3A_212 : memref<1x32768xf32, #tpu.memory_space<vmem>> -> memref<32768xf32, #tpu.memory_space<vmem>>
    tpu.enqueue_dma source(%dma_start3A_213 : memref<32768xf32, #tpu.memory_space<vmem>>) target(%dma_start3A_210 : memref<32768xf32, #tpu.memory_space<hbm>>) target_semaphore(%dma_start3A_209 : memref<!tpu.dma_semaphore, #tpu.memory_space<semaphore_mem>>)
    %add3A_214 = arith.constant 6291456 : i32
    %add3A_215 = arith.addi %add3A_214, %mul3A_4 : i32
    %add3A_216 = arith.constant 0 : i32
    %add3A_217 = arith.addi %add3A_215, %add3A_216 : i32
    %dma_wait3A_218 = arith.constant 0 : i32
    %dma_wait3A_219 = arith.constant 0 : i32
    %dma_wait3A_220 = arith.constant 0 : i32
    %dma_wait3A_221 = tpu.memref_slice %arg5[%dma_wait3A_218, %dma_wait3A_220] : memref<2x32768xf32, #tpu.memory_space<vmem>> -> memref<1x32768xf32, #tpu.memory_space<vmem>>
    %dma_wait3A_222 = tpu.memref_squeeze %dma_wait3A_221 : memref<1x32768xf32, #tpu.memory_space<vmem>> -> memref<32768xf32, #tpu.memory_space<vmem>>
    %dma_wait3A_223 = arith.constant 0 : i32
    %dma_wait3A_224 = tpu.memref_slice %arg4[%dma_wait3A_223] : memref<8388608xf32, #tpu.memory_space<hbm>> -> memref<32768xf32, #tpu.memory_space<hbm>>
    %dma_wait3A_225 = tpu.memref_slice %arg9[%dma_wait3A_219] : memref<2x!tpu.dma_semaphore, #tpu.memory_space<semaphore_mem>> -> memref<1x!tpu.dma_semaphore, #tpu.memory_space<semaphore_mem>>
    %dma_wait3A_226 = tpu.memref_squeeze %dma_wait3A_225 : memref<1x!tpu.dma_semaphore, #tpu.memory_space<semaphore_mem>> -> memref<!tpu.dma_semaphore, #tpu.memory_space<semaphore_mem>>
    %dma_wait3A_227 = arith.constant 0 : i32
    %dma_wait3A_228 = tpu.memref_slice %arg4[%dma_wait3A_227] : memref<8388608xf32, #tpu.memory_space<hbm>> -> memref<32768xf32, #tpu.memory_space<hbm>>
    %dma_wait3A_229 = arith.constant 0 : i32
    %dma_wait3A_230 = tpu.memref_slice %arg5[%dma_wait3A_218, %dma_wait3A_229] : memref<2x32768xf32, #tpu.memory_space<vmem>> -> memref<1x32768xf32, #tpu.memory_space<vmem>>
    %dma_wait3A_231 = tpu.memref_squeeze %dma_wait3A_230 : memref<1x32768xf32, #tpu.memory_space<vmem>> -> memref<32768xf32, #tpu.memory_space<vmem>>
    tpu.wait_dma2 semaphore(%dma_wait3A_226 : memref<!tpu.dma_semaphore, #tpu.memory_space<semaphore_mem>>) src(%dma_wait3A_231 : memref<32768xf32, #tpu.memory_space<vmem>>) dst(%dma_wait3A_228 : memref<32768xf32, #tpu.memory_space<hbm>>)
    %add3A_232 = arith.constant 0 : i32
    %add3A_233 = arith.addi %add3A_232, %mul3A_4 : i32
    %add3A_234 = arith.constant 32768 : i32
    %add3A_235 = arith.addi %add3A_233, %add3A_234 : i32
    %dma_start3A_236 = arith.constant 0 : i32
    %dma_start3A_237 = arith.constant 0 : i32
    %dma_start3A_238 = arith.constant 0 : i32
    %dma_start3A_239 = tpu.memref_slice %arg5[%dma_start3A_236, %dma_start3A_238] : memref<2x32768xf32, #tpu.memory_space<vmem>> -> memref<1x32768xf32, #tpu.memory_space<vmem>>
    %dma_start3A_240 = tpu.memref_squeeze %dma_start3A_239 : memref<1x32768xf32, #tpu.memory_space<vmem>> -> memref<32768xf32, #tpu.memory_space<vmem>>
    %dma_start3A_241 = tpu.memref_slice %arg2[%add3A_235] : memref<8388608xf32, #tpu.memory_space<hbm>> -> memref<32768xf32, #tpu.memory_space<hbm>>
    %dma_start3A_242 = tpu.memref_slice %arg7[%dma_start3A_237] : memref<2x!tpu.dma_semaphore, #tpu.memory_space<semaphore_mem>> -> memref<1x!tpu.dma_semaphore, #tpu.memory_space<semaphore_mem>>
    %dma_start3A_243 = tpu.memref_squeeze %dma_start3A_242 : memref<1x!tpu.dma_semaphore, #tpu.memory_space<semaphore_mem>> -> memref<!tpu.dma_semaphore, #tpu.memory_space<semaphore_mem>>
    %dma_start3A_244 = arith.constant 0 : i32
    %dma_start3A_245 = tpu.memref_slice %arg5[%dma_start3A_236, %dma_start3A_244] : memref<2x32768xf32, #tpu.memory_space<vmem>> -> memref<1x32768xf32, #tpu.memory_space<vmem>>
    %dma_start3A_246 = tpu.memref_squeeze %dma_start3A_245 : memref<1x32768xf32, #tpu.memory_space<vmem>> -> memref<32768xf32, #tpu.memory_space<vmem>>
    %dma_start3A_247 = tpu.memref_slice %arg2[%add3A_235] : memref<8388608xf32, #tpu.memory_space<hbm>> -> memref<32768xf32, #tpu.memory_space<hbm>>
    tpu.enqueue_dma source(%dma_start3A_247 : memref<32768xf32, #tpu.memory_space<hbm>>) target(%dma_start3A_246 : memref<32768xf32, #tpu.memory_space<vmem>>) target_semaphore(%dma_start3A_243 : memref<!tpu.dma_semaphore, #tpu.memory_space<semaphore_mem>>)
    %dma_wait3A_248 = arith.constant 1 : i32
    %dma_wait3A_249 = arith.constant 1 : i32
    %dma_wait3A_250 = arith.constant 0 : i32
    %dma_wait3A_251 = tpu.memref_slice %arg5[%dma_wait3A_248, %dma_wait3A_250] : memref<2x32768xf32, #tpu.memory_space<vmem>> -> memref<1x32768xf32, #tpu.memory_space<vmem>>
    %dma_wait3A_252 = tpu.memref_squeeze %dma_wait3A_251 : memref<1x32768xf32, #tpu.memory_space<vmem>> -> memref<32768xf32, #tpu.memory_space<vmem>>
    %dma_wait3A_253 = arith.constant 0 : i32
    %dma_wait3A_254 = tpu.memref_slice %arg2[%dma_wait3A_253] : memref<8388608xf32, #tpu.memory_space<hbm>> -> memref<32768xf32, #tpu.memory_space<hbm>>
    %dma_wait3A_255 = tpu.memref_slice %arg7[%dma_wait3A_249] : memref<2x!tpu.dma_semaphore, #tpu.memory_space<semaphore_mem>> -> memref<1x!tpu.dma_semaphore, #tpu.memory_space<semaphore_mem>>
    %dma_wait3A_256 = tpu.memref_squeeze %dma_wait3A_255 : memref<1x!tpu.dma_semaphore, #tpu.memory_space<semaphore_mem>> -> memref<!tpu.dma_semaphore, #tpu.memory_space<semaphore_mem>>
    %dma_wait3A_257 = arith.constant 0 : i32
    %dma_wait3A_258 = tpu.memref_slice %arg5[%dma_wait3A_248, %dma_wait3A_257] : memref<2x32768xf32, #tpu.memory_space<vmem>> -> memref<1x32768xf32, #tpu.memory_space<vmem>>
    %dma_wait3A_259 = tpu.memref_squeeze %dma_wait3A_258 : memref<1x32768xf32, #tpu.memory_space<vmem>> -> memref<32768xf32, #tpu.memory_space<vmem>>
    %dma_wait3A_260 = arith.constant 0 : i32
    %dma_wait3A_261 = tpu.memref_slice %arg2[%dma_wait3A_260] : memref<8388608xf32, #tpu.memory_space<hbm>> -> memref<32768xf32, #tpu.memory_space<hbm>>
    tpu.wait_dma2 semaphore(%dma_wait3A_256 : memref<!tpu.dma_semaphore, #tpu.memory_space<semaphore_mem>>) src(%dma_wait3A_261 : memref<32768xf32, #tpu.memory_space<hbm>>) dst(%dma_wait3A_259 : memref<32768xf32, #tpu.memory_space<vmem>>)
    %scan3A_262 = arith.constant 1 : i32
    %scan3A_263 = arith.constant 0 : i32
    %scan3A_264 = arith.constant 0 : i32
    %scan3A_265 = arith.constant 2048 : i32
    %scan3A_266 = arith.addi %scan3A_264, %scan3A_265 : i32
    %scan3A_267 = arith.constant 8 : i32
    %scan3A_268 = scf.for %scan3A_560 = %scan3A_264 to %scan3A_266 step %scan3A_267 iter_args(%scan3A_561 = %scan3A_263) -> (i32)  : i32 {
      %mul3A_562 = arith.constant 16 : i32
      %mul3A_563 = arith.muli %scan3A_560, %mul3A_562 : i32
      %get3A = arith.constant 0 : i32
      %get3A_564 = tpu.memref_slice %arg5[%scan3A_262, %get3A] : memref<2x32768xf32, #tpu.memory_space<vmem>> -> memref<1x32768xf32, #tpu.memory_space<vmem>>
      %get3A_565 = tpu.memref_squeeze %get3A_564 : memref<1x32768xf32, #tpu.memory_space<vmem>> -> memref<32768xf32, #tpu.memory_space<vmem>>
      %get3A_566 = arith.index_cast %mul3A_563 : i32 to index
      %get3A_567 = tpu.vector_load %get3A_565[%get3A_566] {strides = array<i32>} : memref<32768xf32, #tpu.memory_space<vmem>>, vector<16xf32>,
      %get3A_568 = vector.shape_cast %get3A_567 : vector<16xf32> to vector<16xf32>
      %get3A_569 = arith.index_cast %mul3A_563 : i32 to index
      %get3A_570 = tpu.vector_load %arg6[%get3A_569] {strides = array<i32>} : memref<32768xf32, #tpu.memory_space<vmem>>, vector<16xf32>,
      %get3A_571 = vector.shape_cast %get3A_570 : vector<16xf32> to vector<16xf32>
      %add3A_572 = arith.addf %get3A_568, %get3A_571 : vector<16xf32>
      %swap3A = arith.constant 0 : i32
      %swap3A_573 = tpu.memref_slice %arg5[%scan3A_262, %swap3A] : memref<2x32768xf32, #tpu.memory_space<vmem>> -> memref<1x32768xf32, #tpu.memory_space<vmem>>
      %swap3A_574 = tpu.memref_squeeze %swap3A_573 : memref<1x32768xf32, #tpu.memory_space<vmem>> -> memref<32768xf32, #tpu.memory_space<vmem>>
      %swap3A_575 = arith.index_cast %mul3A_563 : i32 to index
      %swap3A_576 = tpu.vector_load %swap3A_574[%swap3A_575] {strides = array<i32>} : memref<32768xf32, #tpu.memory_space<vmem>>, vector<16xf32>,
      %swap3A_577 = vector.shape_cast %swap3A_576 : vector<16xf32> to vector<16xf32>
      %swap3A_578 = vector.shape_cast %add3A_572 : vector<16xf32> to vector<16xf32>
      tpu.vector_store %swap3A_574[%swap3A_575], %swap3A_578 {strides = array<i32>} : memref<32768xf32, #tpu.memory_space<vmem>>, vector<16xf32>,
      %scan3A_579 = arith.constant 0 : i32
      %scan3A_580 = arith.constant 1 : i32
      %scan3A_581 = arith.addi %scan3A_560, %scan3A_580 : i32
      %mul3A_582 = arith.constant 16 : i32
      %mul3A_583 = arith.muli %scan3A_581, %mul3A_582 : i32
      %get3A_584 = arith.constant 0 : i32
      %get3A_585 = tpu.memref_slice %arg5[%scan3A_262, %get3A_584] : memref<2x32768xf32, #tpu.memory_space<vmem>> -> memref<1x32768xf32, #tpu.memory_space<vmem>>
      %get3A_586 = tpu.memref_squeeze %get3A_585 : memref<1x32768xf32, #tpu.memory_space<vmem>> -> memref<32768xf32, #tpu.memory_space<vmem>>
      %get3A_587 = arith.index_cast %mul3A_583 : i32 to index
      %get3A_588 = tpu.vector_load %get3A_586[%get3A_587] {strides = array<i32>} : memref<32768xf32, #tpu.memory_space<vmem>>, vector<16xf32>,
      %get3A_589 = vector.shape_cast %get3A_588 : vector<16xf32> to vector<16xf32>
      %get3A_590 = arith.index_cast %mul3A_583 : i32 to index
      %get3A_591 = tpu.vector_load %arg6[%get3A_590] {strides = array<i32>} : memref<32768xf32, #tpu.memory_space<vmem>>, vector<16xf32>,
      %get3A_592 = vector.shape_cast %get3A_591 : vector<16xf32> to vector<16xf32>
      %add3A_593 = arith.addf %get3A_589, %get3A_592 : vector<16xf32>
      %swap3A_594 = arith.constant 0 : i32
      %swap3A_595 = tpu.memref_slice %arg5[%scan3A_262, %swap3A_594] : memref<2x32768xf32, #tpu.memory_space<vmem>> -> memref<1x32768xf32, #tpu.memory_space<vmem>>
      %swap3A_596 = tpu.memref_squeeze %swap3A_595 : memref<1x32768xf32, #tpu.memory_space<vmem>> -> memref<32768xf32, #tpu.memory_space<vmem>>
      %swap3A_597 = arith.index_cast %mul3A_583 : i32 to index
      %swap3A_598 = tpu.vector_load %swap3A_596[%swap3A_597] {strides = array<i32>} : memref<32768xf32, #tpu.memory_space<vmem>>, vector<16xf32>,
      %swap3A_599 = vector.shape_cast %swap3A_598 : vector<16xf32> to vector<16xf32>
      %swap3A_600 = vector.shape_cast %add3A_593 : vector<16xf32> to vector<16xf32>
      tpu.vector_store %swap3A_596[%swap3A_597], %swap3A_600 {strides = array<i32>} : memref<32768xf32, #tpu.memory_space<vmem>>, vector<16xf32>,
      %scan3A_601 = arith.constant 0 : i32
      %scan3A_602 = arith.constant 2 : i32
      %scan3A_603 = arith.addi %scan3A_560, %scan3A_602 : i32
      %mul3A_604 = arith.constant 16 : i32
      %mul3A_605 = arith.muli %scan3A_603, %mul3A_604 : i32
      %get3A_606 = arith.constant 0 : i32
      %get3A_607 = tpu.memref_slice %arg5[%scan3A_262, %get3A_606] : memref<2x32768xf32, #tpu.memory_space<vmem>> -> memref<1x32768xf32, #tpu.memory_space<vmem>>
      %get3A_608 = tpu.memref_squeeze %get3A_607 : memref<1x32768xf32, #tpu.memory_space<vmem>> -> memref<32768xf32, #tpu.memory_space<vmem>>
      %get3A_609 = arith.index_cast %mul3A_605 : i32 to index
      %get3A_610 = tpu.vector_load %get3A_608[%get3A_609] {strides = array<i32>} : memref<32768xf32, #tpu.memory_space<vmem>>, vector<16xf32>,
      %get3A_611 = vector.shape_cast %get3A_610 : vector<16xf32> to vector<16xf32>
      %get3A_612 = arith.index_cast %mul3A_605 : i32 to index
      %get3A_613 = tpu.vector_load %arg6[%get3A_612] {strides = array<i32>} : memref<32768xf32, #tpu.memory_space<vmem>>, vector<16xf32>,
      %get3A_614 = vector.shape_cast %get3A_613 : vector<16xf32> to vector<16xf32>
      %add3A_615 = arith.addf %get3A_611, %get3A_614 : vector<16xf32>
      %swap3A_616 = arith.constant 0 : i32
      %swap3A_617 = tpu.memref_slice %arg5[%scan3A_262, %swap3A_616] : memref<2x32768xf32, #tpu.memory_space<vmem>> -> memref<1x32768xf32, #tpu.memory_space<vmem>>
      %swap3A_618 = tpu.memref_squeeze %swap3A_617 : memref<1x32768xf32, #tpu.memory_space<vmem>> -> memref<32768xf32, #tpu.memory_space<vmem>>
      %swap3A_619 = arith.index_cast %mul3A_605 : i32 to index
      %swap3A_620 = tpu.vector_load %swap3A_618[%swap3A_619] {strides = array<i32>} : memref<32768xf32, #tpu.memory_space<vmem>>, vector<16xf32>,
      %swap3A_621 = vector.shape_cast %swap3A_620 : vector<16xf32> to vector<16xf32>
      %swap3A_622 = vector.shape_cast %add3A_615 : vector<16xf32> to vector<16xf32>
      tpu.vector_store %swap3A_618[%swap3A_619], %swap3A_622 {strides = array<i32>} : memref<32768xf32, #tpu.memory_space<vmem>>, vector<16xf32>,
      %scan3A_623 = arith.constant 0 : i32
      %scan3A_624 = arith.constant 3 : i32
      %scan3A_625 = arith.addi %scan3A_560, %scan3A_624 : i32
      %mul3A_626 = arith.constant 16 : i32
      %mul3A_627 = arith.muli %scan3A_625, %mul3A_626 : i32
      %get3A_628 = arith.constant 0 : i32
      %get3A_629 = tpu.memref_slice %arg5[%scan3A_262, %get3A_628] : memref<2x32768xf32, #tpu.memory_space<vmem>> -> memref<1x32768xf32, #tpu.memory_space<vmem>>
      %get3A_630 = tpu.memref_squeeze %get3A_629 : memref<1x32768xf32, #tpu.memory_space<vmem>> -> memref<32768xf32, #tpu.memory_space<vmem>>
      %get3A_631 = arith.index_cast %mul3A_627 : i32 to index
      %get3A_632 = tpu.vector_load %get3A_630[%get3A_631] {strides = array<i32>} : memref<32768xf32, #tpu.memory_space<vmem>>, vector<16xf32>,
      %get3A_633 = vector.shape_cast %get3A_632 : vector<16xf32> to vector<16xf32>
      %get3A_634 = arith.index_cast %mul3A_627 : i32 to index
      %get3A_635 = tpu.vector_load %arg6[%get3A_634] {strides = array<i32>} : memref<32768xf32, #tpu.memory_space<vmem>>, vector<16xf32>,
      %get3A_636 = vector.shape_cast %get3A_635 : vector<16xf32> to vector<16xf32>
      %add3A_637 = arith.addf %get3A_633, %get3A_636 : vector<16xf32>
      %swap3A_638 = arith.constant 0 : i32
      %swap3A_639 = tpu.memref_slice %arg5[%scan3A_262, %swap3A_638] : memref<2x32768xf32, #tpu.memory_space<vmem>> -> memref<1x32768xf32, #tpu.memory_space<vmem>>
      %swap3A_640 = tpu.memref_squeeze %swap3A_639 : memref<1x32768xf32, #tpu.memory_space<vmem>> -> memref<32768xf32, #tpu.memory_space<vmem>>
      %swap3A_641 = arith.index_cast %mul3A_627 : i32 to index
      %swap3A_642 = tpu.vector_load %swap3A_640[%swap3A_641] {strides = array<i32>} : memref<32768xf32, #tpu.memory_space<vmem>>, vector<16xf32>,
      %swap3A_643 = vector.shape_cast %swap3A_642 : vector<16xf32> to vector<16xf32>
      %swap3A_644 = vector.shape_cast %add3A_637 : vector<16xf32> to vector<16xf32>
      tpu.vector_store %swap3A_640[%swap3A_641], %swap3A_644 {strides = array<i32>} : memref<32768xf32, #tpu.memory_space<vmem>>, vector<16xf32>,
      %scan3A_645 = arith.constant 0 : i32
      %scan3A_646 = arith.constant 4 : i32
      %scan3A_647 = arith.addi %scan3A_560, %scan3A_646 : i32
      %mul3A_648 = arith.constant 16 : i32
      %mul3A_649 = arith.muli %scan3A_647, %mul3A_648 : i32
      %get3A_650 = arith.constant 0 : i32
      %get3A_651 = tpu.memref_slice %arg5[%scan3A_262, %get3A_650] : memref<2x32768xf32, #tpu.memory_space<vmem>> -> memref<1x32768xf32, #tpu.memory_space<vmem>>
      %get3A_652 = tpu.memref_squeeze %get3A_651 : memref<1x32768xf32, #tpu.memory_space<vmem>> -> memref<32768xf32, #tpu.memory_space<vmem>>
      %get3A_653 = arith.index_cast %mul3A_649 : i32 to index
      %get3A_654 = tpu.vector_load %get3A_652[%get3A_653] {strides = array<i32>} : memref<32768xf32, #tpu.memory_space<vmem>>, vector<16xf32>,
      %get3A_655 = vector.shape_cast %get3A_654 : vector<16xf32> to vector<16xf32>
      %get3A_656 = arith.index_cast %mul3A_649 : i32 to index
      %get3A_657 = tpu.vector_load %arg6[%get3A_656] {strides = array<i32>} : memref<32768xf32, #tpu.memory_space<vmem>>, vector<16xf32>,
      %get3A_658 = vector.shape_cast %get3A_657 : vector<16xf32> to vector<16xf32>
      %add3A_659 = arith.addf %get3A_655, %get3A_658 : vector<16xf32>
      %swap3A_660 = arith.constant 0 : i32
      %swap3A_661 = tpu.memref_slice %arg5[%scan3A_262, %swap3A_660] : memref<2x32768xf32, #tpu.memory_space<vmem>> -> memref<1x32768xf32, #tpu.memory_space<vmem>>
      %swap3A_662 = tpu.memref_squeeze %swap3A_661 : memref<1x32768xf32, #tpu.memory_space<vmem>> -> memref<32768xf32, #tpu.memory_space<vmem>>
      %swap3A_663 = arith.index_cast %mul3A_649 : i32 to index
      %swap3A_664 = tpu.vector_load %swap3A_662[%swap3A_663] {strides = array<i32>} : memref<32768xf32, #tpu.memory_space<vmem>>, vector<16xf32>,
      %swap3A_665 = vector.shape_cast %swap3A_664 : vector<16xf32> to vector<16xf32>
      %swap3A_666 = vector.shape_cast %add3A_659 : vector<16xf32> to vector<16xf32>
      tpu.vector_store %swap3A_662[%swap3A_663], %swap3A_666 {strides = array<i32>} : memref<32768xf32, #tpu.memory_space<vmem>>, vector<16xf32>,
      %scan3A_667 = arith.constant 0 : i32
      %scan3A_668 = arith.constant 5 : i32
      %scan3A_669 = arith.addi %scan3A_560, %scan3A_668 : i32
      %mul3A_670 = arith.constant 16 : i32
      %mul3A_671 = arith.muli %scan3A_669, %mul3A_670 : i32
      %get3A_672 = arith.constant 0 : i32
      %get3A_673 = tpu.memref_slice %arg5[%scan3A_262, %get3A_672] : memref<2x32768xf32, #tpu.memory_space<vmem>> -> memref<1x32768xf32, #tpu.memory_space<vmem>>
      %get3A_674 = tpu.memref_squeeze %get3A_673 : memref<1x32768xf32, #tpu.memory_space<vmem>> -> memref<32768xf32, #tpu.memory_space<vmem>>
      %get3A_675 = arith.index_cast %mul3A_671 : i32 to index
      %get3A_676 = tpu.vector_load %get3A_674[%get3A_675] {strides = array<i32>} : memref<32768xf32, #tpu.memory_space<vmem>>, vector<16xf32>,
      %get3A_677 = vector.shape_cast %get3A_676 : vector<16xf32> to vector<16xf32>
      %get3A_678 = arith.index_cast %mul3A_671 : i32 to index
      %get3A_679 = tpu.vector_load %arg6[%get3A_678] {strides = array<i32>} : memref<32768xf32, #tpu.memory_space<vmem>>, vector<16xf32>,
      %get3A_680 = vector.shape_cast %get3A_679 : vector<16xf32> to vector<16xf32>
      %add3A_681 = arith.addf %get3A_677, %get3A_680 : vector<16xf32>
      %swap3A_682 = arith.constant 0 : i32
      %swap3A_683 = tpu.memref_slice %arg5[%scan3A_262, %swap3A_682] : memref<2x32768xf32, #tpu.memory_space<vmem>> -> memref<1x32768xf32, #tpu.memory_space<vmem>>
      %swap3A_684 = tpu.memref_squeeze %swap3A_683 : memref<1x32768xf32, #tpu.memory_space<vmem>> -> memref<32768xf32, #tpu.memory_space<vmem>>
      %swap3A_685 = arith.index_cast %mul3A_671 : i32 to index
      %swap3A_686 = tpu.vector_load %swap3A_684[%swap3A_685] {strides = array<i32>} : memref<32768xf32, #tpu.memory_space<vmem>>, vector<16xf32>,
      %swap3A_687 = vector.shape_cast %swap3A_686 : vector<16xf32> to vector<16xf32>
      %swap3A_688 = vector.shape_cast %add3A_681 : vector<16xf32> to vector<16xf32>
      tpu.vector_store %swap3A_684[%swap3A_685], %swap3A_688 {strides = array<i32>} : memref<32768xf32, #tpu.memory_space<vmem>>, vector<16xf32>,
      %scan3A_689 = arith.constant 0 : i32
      %scan3A_690 = arith.constant 6 : i32
      %scan3A_691 = arith.addi %scan3A_560, %scan3A_690 : i32
      %mul3A_692 = arith.constant 16 : i32
      %mul3A_693 = arith.muli %scan3A_691, %mul3A_692 : i32
      %get3A_694 = arith.constant 0 : i32
      %get3A_695 = tpu.memref_slice %arg5[%scan3A_262, %get3A_694] : memref<2x32768xf32, #tpu.memory_space<vmem>> -> memref<1x32768xf32, #tpu.memory_space<vmem>>
      %get3A_696 = tpu.memref_squeeze %get3A_695 : memref<1x32768xf32, #tpu.memory_space<vmem>> -> memref<32768xf32, #tpu.memory_space<vmem>>
      %get3A_697 = arith.index_cast %mul3A_693 : i32 to index
      %get3A_698 = tpu.vector_load %get3A_696[%get3A_697] {strides = array<i32>} : memref<32768xf32, #tpu.memory_space<vmem>>, vector<16xf32>,
      %get3A_699 = vector.shape_cast %get3A_698 : vector<16xf32> to vector<16xf32>
      %get3A_700 = arith.index_cast %mul3A_693 : i32 to index
      %get3A_701 = tpu.vector_load %arg6[%get3A_700] {strides = array<i32>} : memref<32768xf32, #tpu.memory_space<vmem>>, vector<16xf32>,
      %get3A_702 = vector.shape_cast %get3A_701 : vector<16xf32> to vector<16xf32>
      %add3A_703 = arith.addf %get3A_699, %get3A_702 : vector<16xf32>
      %swap3A_704 = arith.constant 0 : i32
      %swap3A_705 = tpu.memref_slice %arg5[%scan3A_262, %swap3A_704] : memref<2x32768xf32, #tpu.memory_space<vmem>> -> memref<1x32768xf32, #tpu.memory_space<vmem>>
      %swap3A_706 = tpu.memref_squeeze %swap3A_705 : memref<1x32768xf32, #tpu.memory_space<vmem>> -> memref<32768xf32, #tpu.memory_space<vmem>>
      %swap3A_707 = arith.index_cast %mul3A_693 : i32 to index
      %swap3A_708 = tpu.vector_load %swap3A_706[%swap3A_707] {strides = array<i32>} : memref<32768xf32, #tpu.memory_space<vmem>>, vector<16xf32>,
      %swap3A_709 = vector.shape_cast %swap3A_708 : vector<16xf32> to vector<16xf32>
      %swap3A_710 = vector.shape_cast %add3A_703 : vector<16xf32> to vector<16xf32>
      tpu.vector_store %swap3A_706[%swap3A_707], %swap3A_710 {strides = array<i32>} : memref<32768xf32, #tpu.memory_space<vmem>>, vector<16xf32>,
      %scan3A_711 = arith.constant 0 : i32
      %scan3A_712 = arith.constant 7 : i32
      %scan3A_713 = arith.addi %scan3A_560, %scan3A_712 : i32
      %mul3A_714 = arith.constant 16 : i32
      %mul3A_715 = arith.muli %scan3A_713, %mul3A_714 : i32
      %get3A_716 = arith.constant 0 : i32
      %get3A_717 = tpu.memref_slice %arg5[%scan3A_262, %get3A_716] : memref<2x32768xf32, #tpu.memory_space<vmem>> -> memref<1x32768xf32, #tpu.memory_space<vmem>>
      %get3A_718 = tpu.memref_squeeze %get3A_717 : memref<1x32768xf32, #tpu.memory_space<vmem>> -> memref<32768xf32, #tpu.memory_space<vmem>>
      %get3A_719 = arith.index_cast %mul3A_715 : i32 to index
      %get3A_720 = tpu.vector_load %get3A_718[%get3A_719] {strides = array<i32>} : memref<32768xf32, #tpu.memory_space<vmem>>, vector<16xf32>,
      %get3A_721 = vector.shape_cast %get3A_720 : vector<16xf32> to vector<16xf32>
      %get3A_722 = arith.index_cast %mul3A_715 : i32 to index
      %get3A_723 = tpu.vector_load %arg6[%get3A_722] {strides = array<i32>} : memref<32768xf32, #tpu.memory_space<vmem>>, vector<16xf32>,
      %get3A_724 = vector.shape_cast %get3A_723 : vector<16xf32> to vector<16xf32>
      %add3A_725 = arith.addf %get3A_721, %get3A_724 : vector<16xf32>
      %swap3A_726 = arith.constant 0 : i32
      %swap3A_727 = tpu.memref_slice %arg5[%scan3A_262, %swap3A_726] : memref<2x32768xf32, #tpu.memory_space<vmem>> -> memref<1x32768xf32, #tpu.memory_space<vmem>>
      %swap3A_728 = tpu.memref_squeeze %swap3A_727 : memref<1x32768xf32, #tpu.memory_space<vmem>> -> memref<32768xf32, #tpu.memory_space<vmem>>
      %swap3A_729 = arith.index_cast %mul3A_715 : i32 to index
      %swap3A_730 = tpu.vector_load %swap3A_728[%swap3A_729] {strides = array<i32>} : memref<32768xf32, #tpu.memory_space<vmem>>, vector<16xf32>,
      %swap3A_731 = vector.shape_cast %swap3A_730 : vector<16xf32> to vector<16xf32>
      %swap3A_732 = vector.shape_cast %add3A_725 : vector<16xf32> to vector<16xf32>
      tpu.vector_store %swap3A_728[%swap3A_729], %swap3A_732 {strides = array<i32>} : memref<32768xf32, #tpu.memory_space<vmem>>, vector<16xf32>,
      %scan3A_733 = arith.constant 0 : i32
      scf.yield %scan3A_733 : i32
    }
    %scan3A_269 = arith.constant 2048 : i32
    %add3A_270 = arith.constant 32768 : i32
    %add3A_271 = arith.addi %mul3A_4, %add3A_270 : i32
    %dma_start3A_272 = tpu.memref_slice %arg3[%add3A_271] : memref<2097152xf32, #tpu.memory_space<hbm>> -> memref<32768xf32, #tpu.memory_space<hbm>>
    %dma_start3A_273 = tpu.memref_slice %arg3[%add3A_271] : memref<2097152xf32, #tpu.memory_space<hbm>> -> memref<32768xf32, #tpu.memory_space<hbm>>
    tpu.enqueue_dma source(%dma_start3A_273 : memref<32768xf32, #tpu.memory_space<hbm>>) target(%arg6 : memref<32768xf32, #tpu.memory_space<vmem>>) target_semaphore(%arg8 : memref<!tpu.dma_semaphore, #tpu.memory_space<semaphore_mem>>)
    %dma_start3A_274 = arith.constant 1 : i32
    %dma_start3A_275 = arith.constant 1 : i32
    %dma_start3A_276 = arith.constant 0 : i32
    %dma_start3A_277 = tpu.memref_slice %arg5[%dma_start3A_274, %dma_start3A_276] : memref<2x32768xf32, #tpu.memory_space<vmem>> -> memref<1x32768xf32, #tpu.memory_space<vmem>>
    %dma_start3A_278 = tpu.memref_squeeze %dma_start3A_277 : memref<1x32768xf32, #tpu.memory_space<vmem>> -> memref<32768xf32, #tpu.memory_space<vmem>>
    %dma_start3A_279 = tpu.memref_slice %arg4[%add3A_217] : memref<8388608xf32, #tpu.memory_space<hbm>> -> memref<32768xf32, #tpu.memory_space<hbm>>
    %dma_start3A_280 = tpu.memref_slice %arg9[%dma_start3A_275] : memref<2x!tpu.dma_semaphore, #tpu.memory_space<semaphore_mem>> -> memref<1x!tpu.dma_semaphore, #tpu.memory_space<semaphore_mem>>
    %dma_start3A_281 = tpu.memref_squeeze %dma_start3A_280 : memref<1x!tpu.dma_semaphore, #tpu.memory_space<semaphore_mem>> -> memref<!tpu.dma_semaphore, #tpu.memory_space<semaphore_mem>>
    %dma_start3A_282 = tpu.memref_slice %arg4[%add3A_217] : memref<8388608xf32, #tpu.memory_space<hbm>> -> memref<32768xf32, #tpu.memory_space<hbm>>
    %dma_start3A_283 = arith.constant 0 : i32
    %dma_start3A_284 = tpu.memref_slice %arg5[%dma_start3A_274, %dma_start3A_283] : memref<2x32768xf32, #tpu.memory_space<vmem>> -> memref<1x32768xf32, #tpu.memory_space<vmem>>
    %dma_start3A_285 = tpu.memref_squeeze %dma_start3A_284 : memref<1x32768xf32, #tpu.memory_space<vmem>> -> memref<32768xf32, #tpu.memory_space<vmem>>
    tpu.enqueue_dma source(%dma_start3A_285 : memref<32768xf32, #tpu.memory_space<vmem>>) target(%dma_start3A_282 : memref<32768xf32, #tpu.memory_space<hbm>>) target_semaphore(%dma_start3A_281 : memref<!tpu.dma_semaphore, #tpu.memory_space<semaphore_mem>>)
    %add3A_286 = arith.constant 0 : i32
    %add3A_287 = arith.addi %add3A_286, %mul3A_4 : i32
    %add3A_288 = arith.constant 32768 : i32
    %add3A_289 = arith.addi %add3A_287, %add3A_288 : i32
    %dma_wait3A_290 = arith.constant 1 : i32
    %dma_wait3A_291 = arith.constant 1 : i32
    %dma_wait3A_292 = arith.constant 0 : i32
    %dma_wait3A_293 = tpu.memref_slice %arg5[%dma_wait3A_290, %dma_wait3A_292] : memref<2x32768xf32, #tpu.memory_space<vmem>> -> memref<1x32768xf32, #tpu.memory_space<vmem>>
    %dma_wait3A_294 = tpu.memref_squeeze %dma_wait3A_293 : memref<1x32768xf32, #tpu.memory_space<vmem>> -> memref<32768xf32, #tpu.memory_space<vmem>>
    %dma_wait3A_295 = arith.constant 0 : i32
    %dma_wait3A_296 = tpu.memref_slice %arg4[%dma_wait3A_295] : memref<8388608xf32, #tpu.memory_space<hbm>> -> memref<32768xf32, #tpu.memory_space<hbm>>
    %dma_wait3A_297 = tpu.memref_slice %arg9[%dma_wait3A_291] : memref<2x!tpu.dma_semaphore, #tpu.memory_space<semaphore_mem>> -> memref<1x!tpu.dma_semaphore, #tpu.memory_space<semaphore_mem>>
    %dma_wait3A_298 = tpu.memref_squeeze %dma_wait3A_297 : memref<1x!tpu.dma_semaphore, #tpu.memory_space<semaphore_mem>> -> memref<!tpu.dma_semaphore, #tpu.memory_space<semaphore_mem>>
    %dma_wait3A_299 = arith.constant 0 : i32
    %dma_wait3A_300 = tpu.memref_slice %arg4[%dma_wait3A_299] : memref<8388608xf32, #tpu.memory_space<hbm>> -> memref<32768xf32, #tpu.memory_space<hbm>>
    %dma_wait3A_301 = arith.constant 0 : i32
    %dma_wait3A_302 = tpu.memref_slice %arg5[%dma_wait3A_290, %dma_wait3A_301] : memref<2x32768xf32, #tpu.memory_space<vmem>> -> memref<1x32768xf32, #tpu.memory_space<vmem>>
    %dma_wait3A_303 = tpu.memref_squeeze %dma_wait3A_302 : memref<1x32768xf32, #tpu.memory_space<vmem>> -> memref<32768xf32, #tpu.memory_space<vmem>>
    tpu.wait_dma2 semaphore(%dma_wait3A_298 : memref<!tpu.dma_semaphore, #tpu.memory_space<semaphore_mem>>) src(%dma_wait3A_303 : memref<32768xf32, #tpu.memory_space<vmem>>) dst(%dma_wait3A_300 : memref<32768xf32, #tpu.memory_space<hbm>>)
    %add3A_304 = arith.constant 2097152 : i32
    %add3A_305 = arith.addi %add3A_304, %mul3A_4 : i32
    %add3A_306 = arith.constant 32768 : i32
    %add3A_307 = arith.addi %add3A_305, %add3A_306 : i32
    %dma_start3A_308 = arith.constant 1 : i32
    %dma_start3A_309 = arith.constant 1 : i32
    %dma_start3A_310 = arith.constant 0 : i32
    %dma_start3A_311 = tpu.memref_slice %arg5[%dma_start3A_308, %dma_start3A_310] : memref<2x32768xf32, #tpu.memory_space<vmem>> -> memref<1x32768xf32, #tpu.memory_space<vmem>>
    %dma_start3A_312 = tpu.memref_squeeze %dma_start3A_311 : memref<1x32768xf32, #tpu.memory_space<vmem>> -> memref<32768xf32, #tpu.memory_space<vmem>>
    %dma_start3A_313 = tpu.memref_slice %arg2[%add3A_307] : memref<8388608xf32, #tpu.memory_space<hbm>> -> memref<32768xf32, #tpu.memory_space<hbm>>
    %dma_start3A_314 = tpu.memref_slice %arg7[%dma_start3A_309] : memref<2x!tpu.dma_semaphore, #tpu.memory_space<semaphore_mem>> -> memref<1x!tpu.dma_semaphore, #tpu.memory_space<semaphore_mem>>
    %dma_start3A_315 = tpu.memref_squeeze %dma_start3A_314 : memref<1x!tpu.dma_semaphore, #tpu.memory_space<semaphore_mem>> -> memref<!tpu.dma_semaphore, #tpu.memory_space<semaphore_mem>>
    %dma_start3A_316 = arith.constant 0 : i32
    %dma_start3A_317 = tpu.memref_slice %arg5[%dma_start3A_308, %dma_start3A_316] : memref<2x32768xf32, #tpu.memory_space<vmem>> -> memref<1x32768xf32, #tpu.memory_space<vmem>>
    %dma_start3A_318 = tpu.memref_squeeze %dma_start3A_317 : memref<1x32768xf32, #tpu.memory_space<vmem>> -> memref<32768xf32, #tpu.memory_space<vmem>>
    %dma_start3A_319 = tpu.memref_slice %arg2[%add3A_307] : memref<8388608xf32, #tpu.memory_space<hbm>> -> memref<32768xf32, #tpu.memory_space<hbm>>
    tpu.enqueue_dma source(%dma_start3A_319 : memref<32768xf32, #tpu.memory_space<hbm>>) target(%dma_start3A_318 : memref<32768xf32, #tpu.memory_space<vmem>>) target_semaphore(%dma_start3A_315 : memref<!tpu.dma_semaphore, #tpu.memory_space<semaphore_mem>>)
    %dma_wait3A_320 = arith.constant 0 : i32
    %dma_wait3A_321 = arith.constant 0 : i32
    %dma_wait3A_322 = arith.constant 0 : i32
    %dma_wait3A_323 = tpu.memref_slice %arg5[%dma_wait3A_320, %dma_wait3A_322] : memref<2x32768xf32, #tpu.memory_space<vmem>> -> memref<1x32768xf32, #tpu.memory_space<vmem>>
    %dma_wait3A_324 = tpu.memref_squeeze %dma_wait3A_323 : memref<1x32768xf32, #tpu.memory_space<vmem>> -> memref<32768xf32, #tpu.memory_space<vmem>>
    %dma_wait3A_325 = arith.constant 0 : i32
    %dma_wait3A_326 = tpu.memref_slice %arg2[%dma_wait3A_325] : memref<8388608xf32, #tpu.memory_space<hbm>> -> memref<32768xf32, #tpu.memory_space<hbm>>
    %dma_wait3A_327 = tpu.memref_slice %arg7[%dma_wait3A_321] : memref<2x!tpu.dma_semaphore, #tpu.memory_space<semaphore_mem>> -> memref<1x!tpu.dma_semaphore, #tpu.memory_space<semaphore_mem>>
    %dma_wait3A_328 = tpu.memref_squeeze %dma_wait3A_327 : memref<1x!tpu.dma_semaphore, #tpu.memory_space<semaphore_mem>> -> memref<!tpu.dma_semaphore, #tpu.memory_space<semaphore_mem>>
    %dma_wait3A_329 = arith.constant 0 : i32
    %dma_wait3A_330 = tpu.memref_slice %arg5[%dma_wait3A_320, %dma_wait3A_329] : memref<2x32768xf32, #tpu.memory_space<vmem>> -> memref<1x32768xf32, #tpu.memory_space<vmem>>
    %dma_wait3A_331 = tpu.memref_squeeze %dma_wait3A_330 : memref<1x32768xf32, #tpu.memory_space<vmem>> -> memref<32768xf32, #tpu.memory_space<vmem>>
    %dma_wait3A_332 = arith.constant 0 : i32
    %dma_wait3A_333 = tpu.memref_slice %arg2[%dma_wait3A_332] : memref<8388608xf32, #tpu.memory_space<hbm>> -> memref<32768xf32, #tpu.memory_space<hbm>>
    tpu.wait_dma2 semaphore(%dma_wait3A_328 : memref<!tpu.dma_semaphore, #tpu.memory_space<semaphore_mem>>) src(%dma_wait3A_333 : memref<32768xf32, #tpu.memory_space<hbm>>) dst(%dma_wait3A_331 : memref<32768xf32, #tpu.memory_space<vmem>>)
    %dma_wait3A_334 = arith.constant 0 : i32
    %dma_wait3A_335 = tpu.memref_slice %arg3[%dma_wait3A_334] : memref<2097152xf32, #tpu.memory_space<hbm>> -> memref<32768xf32, #tpu.memory_space<hbm>>
    %dma_wait3A_336 = arith.constant 0 : i32
    %dma_wait3A_337 = tpu.memref_slice %arg3[%dma_wait3A_336] : memref<2097152xf32, #tpu.memory_space<hbm>> -> memref<32768xf32, #tpu.memory_space<hbm>>
    tpu.wait_dma2 semaphore(%arg8 : memref<!tpu.dma_semaphore, #tpu.memory_space<semaphore_mem>>) src(%dma_wait3A_337 : memref<32768xf32, #tpu.memory_space<hbm>>) dst(%arg6 : memref<32768xf32, #tpu.memory_space<vmem>>)
    %scan3A_338 = arith.constant 0 : i32
    %scan3A_339 = arith.constant 0 : i32
    %scan3A_340 = arith.constant 0 : i32
    %scan3A_341 = arith.constant 2048 : i32
    %scan3A_342 = arith.addi %scan3A_340, %scan3A_341 : i32
    %scan3A_343 = arith.constant 8 : i32
    %scan3A_344 = scf.for %scan3A_560 = %scan3A_340 to %scan3A_342 step %scan3A_343 iter_args(%scan3A_561 = %scan3A_339) -> (i32)  : i32 {
      %mul3A_562 = arith.constant 16 : i32
      %mul3A_563 = arith.muli %scan3A_560, %mul3A_562 : i32
      %get3A = arith.constant 0 : i32
      %get3A_564 = tpu.memref_slice %arg5[%scan3A_338, %get3A] : memref<2x32768xf32, #tpu.memory_space<vmem>> -> memref<1x32768xf32, #tpu.memory_space<vmem>>
      %get3A_565 = tpu.memref_squeeze %get3A_564 : memref<1x32768xf32, #tpu.memory_space<vmem>> -> memref<32768xf32, #tpu.memory_space<vmem>>
      %get3A_566 = arith.index_cast %mul3A_563 : i32 to index
      %get3A_567 = tpu.vector_load %get3A_565[%get3A_566] {strides = array<i32>} : memref<32768xf32, #tpu.memory_space<vmem>>, vector<16xf32>,
      %get3A_568 = vector.shape_cast %get3A_567 : vector<16xf32> to vector<16xf32>
      %get3A_569 = arith.index_cast %mul3A_563 : i32 to index
      %get3A_570 = tpu.vector_load %arg6[%get3A_569] {strides = array<i32>} : memref<32768xf32, #tpu.memory_space<vmem>>, vector<16xf32>,
      %get3A_571 = vector.shape_cast %get3A_570 : vector<16xf32> to vector<16xf32>
      %add3A_572 = arith.addf %get3A_568, %get3A_571 : vector<16xf32>
      %swap3A = arith.constant 0 : i32
      %swap3A_573 = tpu.memref_slice %arg5[%scan3A_338, %swap3A] : memref<2x32768xf32, #tpu.memory_space<vmem>> -> memref<1x32768xf32, #tpu.memory_space<vmem>>
      %swap3A_574 = tpu.memref_squeeze %swap3A_573 : memref<1x32768xf32, #tpu.memory_space<vmem>> -> memref<32768xf32, #tpu.memory_space<vmem>>
      %swap3A_575 = arith.index_cast %mul3A_563 : i32 to index
      %swap3A_576 = tpu.vector_load %swap3A_574[%swap3A_575] {strides = array<i32>} : memref<32768xf32, #tpu.memory_space<vmem>>, vector<16xf32>,
      %swap3A_577 = vector.shape_cast %swap3A_576 : vector<16xf32> to vector<16xf32>
      %swap3A_578 = vector.shape_cast %add3A_572 : vector<16xf32> to vector<16xf32>
      tpu.vector_store %swap3A_574[%swap3A_575], %swap3A_578 {strides = array<i32>} : memref<32768xf32, #tpu.memory_space<vmem>>, vector<16xf32>,
      %scan3A_579 = arith.constant 0 : i32
      %scan3A_580 = arith.constant 1 : i32
      %scan3A_581 = arith.addi %scan3A_560, %scan3A_580 : i32
      %mul3A_582 = arith.constant 16 : i32
      %mul3A_583 = arith.muli %scan3A_581, %mul3A_582 : i32
      %get3A_584 = arith.constant 0 : i32
      %get3A_585 = tpu.memref_slice %arg5[%scan3A_338, %get3A_584] : memref<2x32768xf32, #tpu.memory_space<vmem>> -> memref<1x32768xf32, #tpu.memory_space<vmem>>
      %get3A_586 = tpu.memref_squeeze %get3A_585 : memref<1x32768xf32, #tpu.memory_space<vmem>> -> memref<32768xf32, #tpu.memory_space<vmem>>
      %get3A_587 = arith.index_cast %mul3A_583 : i32 to index
      %get3A_588 = tpu.vector_load %get3A_586[%get3A_587] {strides = array<i32>} : memref<32768xf32, #tpu.memory_space<vmem>>, vector<16xf32>,
      %get3A_589 = vector.shape_cast %get3A_588 : vector<16xf32> to vector<16xf32>
      %get3A_590 = arith.index_cast %mul3A_583 : i32 to index
      %get3A_591 = tpu.vector_load %arg6[%get3A_590] {strides = array<i32>} : memref<32768xf32, #tpu.memory_space<vmem>>, vector<16xf32>,
      %get3A_592 = vector.shape_cast %get3A_591 : vector<16xf32> to vector<16xf32>
      %add3A_593 = arith.addf %get3A_589, %get3A_592 : vector<16xf32>
      %swap3A_594 = arith.constant 0 : i32
      %swap3A_595 = tpu.memref_slice %arg5[%scan3A_338, %swap3A_594] : memref<2x32768xf32, #tpu.memory_space<vmem>> -> memref<1x32768xf32, #tpu.memory_space<vmem>>
      %swap3A_596 = tpu.memref_squeeze %swap3A_595 : memref<1x32768xf32, #tpu.memory_space<vmem>> -> memref<32768xf32, #tpu.memory_space<vmem>>
      %swap3A_597 = arith.index_cast %mul3A_583 : i32 to index
      %swap3A_598 = tpu.vector_load %swap3A_596[%swap3A_597] {strides = array<i32>} : memref<32768xf32, #tpu.memory_space<vmem>>, vector<16xf32>,
      %swap3A_599 = vector.shape_cast %swap3A_598 : vector<16xf32> to vector<16xf32>
      %swap3A_600 = vector.shape_cast %add3A_593 : vector<16xf32> to vector<16xf32>
      tpu.vector_store %swap3A_596[%swap3A_597], %swap3A_600 {strides = array<i32>} : memref<32768xf32, #tpu.memory_space<vmem>>, vector<16xf32>,
      %scan3A_601 = arith.constant 0 : i32
      %scan3A_602 = arith.constant 2 : i32
      %scan3A_603 = arith.addi %scan3A_560, %scan3A_602 : i32
      %mul3A_604 = arith.constant 16 : i32
      %mul3A_605 = arith.muli %scan3A_603, %mul3A_604 : i32
      %get3A_606 = arith.constant 0 : i32
      %get3A_607 = tpu.memref_slice %arg5[%scan3A_338, %get3A_606] : memref<2x32768xf32, #tpu.memory_space<vmem>> -> memref<1x32768xf32, #tpu.memory_space<vmem>>
      %get3A_608 = tpu.memref_squeeze %get3A_607 : memref<1x32768xf32, #tpu.memory_space<vmem>> -> memref<32768xf32, #tpu.memory_space<vmem>>
      %get3A_609 = arith.index_cast %mul3A_605 : i32 to index
      %get3A_610 = tpu.vector_load %get3A_608[%get3A_609] {strides = array<i32>} : memref<32768xf32, #tpu.memory_space<vmem>>, vector<16xf32>,
      %get3A_611 = vector.shape_cast %get3A_610 : vector<16xf32> to vector<16xf32>
      %get3A_612 = arith.index_cast %mul3A_605 : i32 to index
      %get3A_613 = tpu.vector_load %arg6[%get3A_612] {strides = array<i32>} : memref<32768xf32, #tpu.memory_space<vmem>>, vector<16xf32>,
      %get3A_614 = vector.shape_cast %get3A_613 : vector<16xf32> to vector<16xf32>
      %add3A_615 = arith.addf %get3A_611, %get3A_614 : vector<16xf32>
      %swap3A_616 = arith.constant 0 : i32
      %swap3A_617 = tpu.memref_slice %arg5[%scan3A_338, %swap3A_616] : memref<2x32768xf32, #tpu.memory_space<vmem>> -> memref<1x32768xf32, #tpu.memory_space<vmem>>
      %swap3A_618 = tpu.memref_squeeze %swap3A_617 : memref<1x32768xf32, #tpu.memory_space<vmem>> -> memref<32768xf32, #tpu.memory_space<vmem>>
      %swap3A_619 = arith.index_cast %mul3A_605 : i32 to index
      %swap3A_620 = tpu.vector_load %swap3A_618[%swap3A_619] {strides = array<i32>} : memref<32768xf32, #tpu.memory_space<vmem>>, vector<16xf32>,
      %swap3A_621 = vector.shape_cast %swap3A_620 : vector<16xf32> to vector<16xf32>
      %swap3A_622 = vector.shape_cast %add3A_615 : vector<16xf32> to vector<16xf32>
      tpu.vector_store %swap3A_618[%swap3A_619], %swap3A_622 {strides = array<i32>} : memref<32768xf32, #tpu.memory_space<vmem>>, vector<16xf32>,
      %scan3A_623 = arith.constant 0 : i32
      %scan3A_624 = arith.constant 3 : i32
      %scan3A_625 = arith.addi %scan3A_560, %scan3A_624 : i32
      %mul3A_626 = arith.constant 16 : i32
      %mul3A_627 = arith.muli %scan3A_625, %mul3A_626 : i32
      %get3A_628 = arith.constant 0 : i32
      %get3A_629 = tpu.memref_slice %arg5[%scan3A_338, %get3A_628] : memref<2x32768xf32, #tpu.memory_space<vmem>> -> memref<1x32768xf32, #tpu.memory_space<vmem>>
      %get3A_630 = tpu.memref_squeeze %get3A_629 : memref<1x32768xf32, #tpu.memory_space<vmem>> -> memref<32768xf32, #tpu.memory_space<vmem>>
      %get3A_631 = arith.index_cast %mul3A_627 : i32 to index
      %get3A_632 = tpu.vector_load %get3A_630[%get3A_631] {strides = array<i32>} : memref<32768xf32, #tpu.memory_space<vmem>>, vector<16xf32>,
      %get3A_633 = vector.shape_cast %get3A_632 : vector<16xf32> to vector<16xf32>
      %get3A_634 = arith.index_cast %mul3A_627 : i32 to index
      %get3A_635 = tpu.vector_load %arg6[%get3A_634] {strides = array<i32>} : memref<32768xf32, #tpu.memory_space<vmem>>, vector<16xf32>,
      %get3A_636 = vector.shape_cast %get3A_635 : vector<16xf32> to vector<16xf32>
      %add3A_637 = arith.addf %get3A_633, %get3A_636 : vector<16xf32>
      %swap3A_638 = arith.constant 0 : i32
      %swap3A_639 = tpu.memref_slice %arg5[%scan3A_338, %swap3A_638] : memref<2x32768xf32, #tpu.memory_space<vmem>> -> memref<1x32768xf32, #tpu.memory_space<vmem>>
      %swap3A_640 = tpu.memref_squeeze %swap3A_639 : memref<1x32768xf32, #tpu.memory_space<vmem>> -> memref<32768xf32, #tpu.memory_space<vmem>>
      %swap3A_641 = arith.index_cast %mul3A_627 : i32 to index
      %swap3A_642 = tpu.vector_load %swap3A_640[%swap3A_641] {strides = array<i32>} : memref<32768xf32, #tpu.memory_space<vmem>>, vector<16xf32>,
      %swap3A_643 = vector.shape_cast %swap3A_642 : vector<16xf32> to vector<16xf32>
      %swap3A_644 = vector.shape_cast %add3A_637 : vector<16xf32> to vector<16xf32>
      tpu.vector_store %swap3A_640[%swap3A_641], %swap3A_644 {strides = array<i32>} : memref<32768xf32, #tpu.memory_space<vmem>>, vector<16xf32>,
      %scan3A_645 = arith.constant 0 : i32
      %scan3A_646 = arith.constant 4 : i32
      %scan3A_647 = arith.addi %scan3A_560, %scan3A_646 : i32
      %mul3A_648 = arith.constant 16 : i32
      %mul3A_649 = arith.muli %scan3A_647, %mul3A_648 : i32
      %get3A_650 = arith.constant 0 : i32
      %get3A_651 = tpu.memref_slice %arg5[%scan3A_338, %get3A_650] : memref<2x32768xf32, #tpu.memory_space<vmem>> -> memref<1x32768xf32, #tpu.memory_space<vmem>>
      %get3A_652 = tpu.memref_squeeze %get3A_651 : memref<1x32768xf32, #tpu.memory_space<vmem>> -> memref<32768xf32, #tpu.memory_space<vmem>>
      %get3A_653 = arith.index_cast %mul3A_649 : i32 to index
      %get3A_654 = tpu.vector_load %get3A_652[%get3A_653] {strides = array<i32>} : memref<32768xf32, #tpu.memory_space<vmem>>, vector<16xf32>,
      %get3A_655 = vector.shape_cast %get3A_654 : vector<16xf32> to vector<16xf32>
      %get3A_656 = arith.index_cast %mul3A_649 : i32 to index
      %get3A_657 = tpu.vector_load %arg6[%get3A_656] {strides = array<i32>} : memref<32768xf32, #tpu.memory_space<vmem>>, vector<16xf32>,
      %get3A_658 = vector.shape_cast %get3A_657 : vector<16xf32> to vector<16xf32>
      %add3A_659 = arith.addf %get3A_655, %get3A_658 : vector<16xf32>
      %swap3A_660 = arith.constant 0 : i32
      %swap3A_661 = tpu.memref_slice %arg5[%scan3A_338, %swap3A_660] : memref<2x32768xf32, #tpu.memory_space<vmem>> -> memref<1x32768xf32, #tpu.memory_space<vmem>>
      %swap3A_662 = tpu.memref_squeeze %swap3A_661 : memref<1x32768xf32, #tpu.memory_space<vmem>> -> memref<32768xf32, #tpu.memory_space<vmem>>
      %swap3A_663 = arith.index_cast %mul3A_649 : i32 to index
      %swap3A_664 = tpu.vector_load %swap3A_662[%swap3A_663] {strides = array<i32>} : memref<32768xf32, #tpu.memory_space<vmem>>, vector<16xf32>,
      %swap3A_665 = vector.shape_cast %swap3A_664 : vector<16xf32> to vector<16xf32>
      %swap3A_666 = vector.shape_cast %add3A_659 : vector<16xf32> to vector<16xf32>
      tpu.vector_store %swap3A_662[%swap3A_663], %swap3A_666 {strides = array<i32>} : memref<32768xf32, #tpu.memory_space<vmem>>, vector<16xf32>,
      %scan3A_667 = arith.constant 0 : i32
      %scan3A_668 = arith.constant 5 : i32
      %scan3A_669 = arith.addi %scan3A_560, %scan3A_668 : i32
      %mul3A_670 = arith.constant 16 : i32
      %mul3A_671 = arith.muli %scan3A_669, %mul3A_670 : i32
      %get3A_672 = arith.constant 0 : i32
      %get3A_673 = tpu.memref_slice %arg5[%scan3A_338, %get3A_672] : memref<2x32768xf32, #tpu.memory_space<vmem>> -> memref<1x32768xf32, #tpu.memory_space<vmem>>
      %get3A_674 = tpu.memref_squeeze %get3A_673 : memref<1x32768xf32, #tpu.memory_space<vmem>> -> memref<32768xf32, #tpu.memory_space<vmem>>
      %get3A_675 = arith.index_cast %mul3A_671 : i32 to index
      %get3A_676 = tpu.vector_load %get3A_674[%get3A_675] {strides = array<i32>} : memref<32768xf32, #tpu.memory_space<vmem>>, vector<16xf32>,
      %get3A_677 = vector.shape_cast %get3A_676 : vector<16xf32> to vector<16xf32>
      %get3A_678 = arith.index_cast %mul3A_671 : i32 to index
      %get3A_679 = tpu.vector_load %arg6[%get3A_678] {strides = array<i32>} : memref<32768xf32, #tpu.memory_space<vmem>>, vector<16xf32>,
      %get3A_680 = vector.shape_cast %get3A_679 : vector<16xf32> to vector<16xf32>
      %add3A_681 = arith.addf %get3A_677, %get3A_680 : vector<16xf32>
      %swap3A_682 = arith.constant 0 : i32
      %swap3A_683 = tpu.memref_slice %arg5[%scan3A_338, %swap3A_682] : memref<2x32768xf32, #tpu.memory_space<vmem>> -> memref<1x32768xf32, #tpu.memory_space<vmem>>
      %swap3A_684 = tpu.memref_squeeze %swap3A_683 : memref<1x32768xf32, #tpu.memory_space<vmem>> -> memref<32768xf32, #tpu.memory_space<vmem>>
      %swap3A_685 = arith.index_cast %mul3A_671 : i32 to index
      %swap3A_686 = tpu.vector_load %swap3A_684[%swap3A_685] {strides = array<i32>} : memref<32768xf32, #tpu.memory_space<vmem>>, vector<16xf32>,
      %swap3A_687 = vector.shape_cast %swap3A_686 : vector<16xf32> to vector<16xf32>
      %swap3A_688 = vector.shape_cast %add3A_681 : vector<16xf32> to vector<16xf32>
      tpu.vector_store %swap3A_684[%swap3A_685], %swap3A_688 {strides = array<i32>} : memref<32768xf32, #tpu.memory_space<vmem>>, vector<16xf32>,
      %scan3A_689 = arith.constant 0 : i32
      %scan3A_690 = arith.constant 6 : i32
      %scan3A_691 = arith.addi %scan3A_560, %scan3A_690 : i32
      %mul3A_692 = arith.constant 16 : i32
      %mul3A_693 = arith.muli %scan3A_691, %mul3A_692 : i32
      %get3A_694 = arith.constant 0 : i32
      %get3A_695 = tpu.memref_slice %arg5[%scan3A_338, %get3A_694] : memref<2x32768xf32, #tpu.memory_space<vmem>> -> memref<1x32768xf32, #tpu.memory_space<vmem>>
      %get3A_696 = tpu.memref_squeeze %get3A_695 : memref<1x32768xf32, #tpu.memory_space<vmem>> -> memref<32768xf32, #tpu.memory_space<vmem>>
      %get3A_697 = arith.index_cast %mul3A_693 : i32 to index
      %get3A_698 = tpu.vector_load %get3A_696[%get3A_697] {strides = array<i32>} : memref<32768xf32, #tpu.memory_space<vmem>>, vector<16xf32>,
      %get3A_699 = vector.shape_cast %get3A_698 : vector<16xf32> to vector<16xf32>
      %get3A_700 = arith.index_cast %mul3A_693 : i32 to index
      %get3A_701 = tpu.vector_load %arg6[%get3A_700] {strides = array<i32>} : memref<32768xf32, #tpu.memory_space<vmem>>, vector<16xf32>,
      %get3A_702 = vector.shape_cast %get3A_701 : vector<16xf32> to vector<16xf32>
      %add3A_703 = arith.addf %get3A_699, %get3A_702 : vector<16xf32>
      %swap3A_704 = arith.constant 0 : i32
      %swap3A_705 = tpu.memref_slice %arg5[%scan3A_338, %swap3A_704] : memref<2x32768xf32, #tpu.memory_space<vmem>> -> memref<1x32768xf32, #tpu.memory_space<vmem>>
      %swap3A_706 = tpu.memref_squeeze %swap3A_705 : memref<1x32768xf32, #tpu.memory_space<vmem>> -> memref<32768xf32, #tpu.memory_space<vmem>>
      %swap3A_707 = arith.index_cast %mul3A_693 : i32 to index
      %swap3A_708 = tpu.vector_load %swap3A_706[%swap3A_707] {strides = array<i32>} : memref<32768xf32, #tpu.memory_space<vmem>>, vector<16xf32>,
      %swap3A_709 = vector.shape_cast %swap3A_708 : vector<16xf32> to vector<16xf32>
      %swap3A_710 = vector.shape_cast %add3A_703 : vector<16xf32> to vector<16xf32>
      tpu.vector_store %swap3A_706[%swap3A_707], %swap3A_710 {strides = array<i32>} : memref<32768xf32, #tpu.memory_space<vmem>>, vector<16xf32>,
      %scan3A_711 = arith.constant 0 : i32
      %scan3A_712 = arith.constant 7 : i32
      %scan3A_713 = arith.addi %scan3A_560, %scan3A_712 : i32
      %mul3A_714 = arith.constant 16 : i32
      %mul3A_715 = arith.muli %scan3A_713, %mul3A_714 : i32
      %get3A_716 = arith.constant 0 : i32
      %get3A_717 = tpu.memref_slice %arg5[%scan3A_338, %get3A_716] : memref<2x32768xf32, #tpu.memory_space<vmem>> -> memref<1x32768xf32, #tpu.memory_space<vmem>>
      %get3A_718 = tpu.memref_squeeze %get3A_717 : memref<1x32768xf32, #tpu.memory_space<vmem>> -> memref<32768xf32, #tpu.memory_space<vmem>>
      %get3A_719 = arith.index_cast %mul3A_715 : i32 to index
      %get3A_720 = tpu.vector_load %get3A_718[%get3A_719] {strides = array<i32>} : memref<32768xf32, #tpu.memory_space<vmem>>, vector<16xf32>,
      %get3A_721 = vector.shape_cast %get3A_720 : vector<16xf32> to vector<16xf32>
      %get3A_722 = arith.index_cast %mul3A_715 : i32 to index
      %get3A_723 = tpu.vector_load %arg6[%get3A_722] {strides = array<i32>} : memref<32768xf32, #tpu.memory_space<vmem>>, vector<16xf32>,
      %get3A_724 = vector.shape_cast %get3A_723 : vector<16xf32> to vector<16xf32>
      %add3A_725 = arith.addf %get3A_721, %get3A_724 : vector<16xf32>
      %swap3A_726 = arith.constant 0 : i32
      %swap3A_727 = tpu.memref_slice %arg5[%scan3A_338, %swap3A_726] : memref<2x32768xf32, #tpu.memory_space<vmem>> -> memref<1x32768xf32, #tpu.memory_space<vmem>>
      %swap3A_728 = tpu.memref_squeeze %swap3A_727 : memref<1x32768xf32, #tpu.memory_space<vmem>> -> memref<32768xf32, #tpu.memory_space<vmem>>
      %swap3A_729 = arith.index_cast %mul3A_715 : i32 to index
      %swap3A_730 = tpu.vector_load %swap3A_728[%swap3A_729] {strides = array<i32>} : memref<32768xf32, #tpu.memory_space<vmem>>, vector<16xf32>,
      %swap3A_731 = vector.shape_cast %swap3A_730 : vector<16xf32> to vector<16xf32>
      %swap3A_732 = vector.shape_cast %add3A_725 : vector<16xf32> to vector<16xf32>
      tpu.vector_store %swap3A_728[%swap3A_729], %swap3A_732 {strides = array<i32>} : memref<32768xf32, #tpu.memory_space<vmem>>, vector<16xf32>,
      %scan3A_733 = arith.constant 0 : i32
      scf.yield %scan3A_733 : i32
    }
    %scan3A_345 = arith.constant 2048 : i32
    %dma_start3A_346 = arith.constant 0 : i32
    %dma_start3A_347 = arith.constant 0 : i32
    %dma_start3A_348 = arith.constant 0 : i32
    %dma_start3A_349 = tpu.memref_slice %arg5[%dma_start3A_346, %dma_start3A_348] : memref<2x32768xf32, #tpu.memory_space<vmem>> -> memref<1x32768xf32, #tpu.memory_space<vmem>>
    %dma_start3A_350 = tpu.memref_squeeze %dma_start3A_349 : memref<1x32768xf32, #tpu.memory_space<vmem>> -> memref<32768xf32, #tpu.memory_space<vmem>>
    %dma_start3A_351 = tpu.memref_slice %arg4[%add3A_289] : memref<8388608xf32, #tpu.memory_space<hbm>> -> memref<32768xf32, #tpu.memory_space<hbm>>
    %dma_start3A_352 = tpu.memref_slice %arg9[%dma_start3A_347] : memref<2x!tpu.dma_semaphore, #tpu.memory_space<semaphore_mem>> -> memref<1x!tpu.dma_semaphore, #tpu.memory_space<semaphore_mem>>
    %dma_start3A_353 = tpu.memref_squeeze %dma_start3A_352 : memref<1x!tpu.dma_semaphore, #tpu.memory_space<semaphore_mem>> -> memref<!tpu.dma_semaphore, #tpu.memory_space<semaphore_mem>>
    %dma_start3A_354 = tpu.memref_slice %arg4[%add3A_289] : memref<8388608xf32, #tpu.memory_space<hbm>> -> memref<32768xf32, #tpu.memory_space<hbm>>
    %dma_start3A_355 = arith.constant 0 : i32
    %dma_start3A_356 = tpu.memref_slice %arg5[%dma_start3A_346, %dma_start3A_355] : memref<2x32768xf32, #tpu.memory_space<vmem>> -> memref<1x32768xf32, #tpu.memory_space<vmem>>
    %dma_start3A_357 = tpu.memref_squeeze %dma_start3A_356 : memref<1x32768xf32, #tpu.memory_space<vmem>> -> memref<32768xf32, #tpu.memory_space<vmem>>
    tpu.enqueue_dma source(%dma_start3A_357 : memref<32768xf32, #tpu.memory_space<vmem>>) target(%dma_start3A_354 : memref<32768xf32, #tpu.memory_space<hbm>>) target_semaphore(%dma_start3A_353 : memref<!tpu.dma_semaphore, #tpu.memory_space<semaphore_mem>>)
    %add3A_358 = arith.constant 2097152 : i32
    %add3A_359 = arith.addi %add3A_358, %mul3A_4 : i32
    %add3A_360 = arith.constant 32768 : i32
    %add3A_361 = arith.addi %add3A_359, %add3A_360 : i32
    %dma_wait3A_362 = arith.constant 0 : i32
    %dma_wait3A_363 = arith.constant 0 : i32
    %dma_wait3A_364 = arith.constant 0 : i32
    %dma_wait3A_365 = tpu.memref_slice %arg5[%dma_wait3A_362, %dma_wait3A_364] : memref<2x32768xf32, #tpu.memory_space<vmem>> -> memref<1x32768xf32, #tpu.memory_space<vmem>>
    %dma_wait3A_366 = tpu.memref_squeeze %dma_wait3A_365 : memref<1x32768xf32, #tpu.memory_space<vmem>> -> memref<32768xf32, #tpu.memory_space<vmem>>
    %dma_wait3A_367 = arith.constant 0 : i32
    %dma_wait3A_368 = tpu.memref_slice %arg4[%dma_wait3A_367] : memref<8388608xf32, #tpu.memory_space<hbm>> -> memref<32768xf32, #tpu.memory_space<hbm>>
    %dma_wait3A_369 = tpu.memref_slice %arg9[%dma_wait3A_363] : memref<2x!tpu.dma_semaphore, #tpu.memory_space<semaphore_mem>> -> memref<1x!tpu.dma_semaphore, #tpu.memory_space<semaphore_mem>>
    %dma_wait3A_370 = tpu.memref_squeeze %dma_wait3A_369 : memref<1x!tpu.dma_semaphore, #tpu.memory_space<semaphore_mem>> -> memref<!tpu.dma_semaphore, #tpu.memory_space<semaphore_mem>>
    %dma_wait3A_371 = arith.constant 0 : i32
    %dma_wait3A_372 = tpu.memref_slice %arg4[%dma_wait3A_371] : memref<8388608xf32, #tpu.memory_space<hbm>> -> memref<32768xf32, #tpu.memory_space<hbm>>
    %dma_wait3A_373 = arith.constant 0 : i32
    %dma_wait3A_374 = tpu.memref_slice %arg5[%dma_wait3A_362, %dma_wait3A_373] : memref<2x32768xf32, #tpu.memory_space<vmem>> -> memref<1x32768xf32, #tpu.memory_space<vmem>>
    %dma_wait3A_375 = tpu.memref_squeeze %dma_wait3A_374 : memref<1x32768xf32, #tpu.memory_space<vmem>> -> memref<32768xf32, #tpu.memory_space<vmem>>
    tpu.wait_dma2 semaphore(%dma_wait3A_370 : memref<!tpu.dma_semaphore, #tpu.memory_space<semaphore_mem>>) src(%dma_wait3A_375 : memref<32768xf32, #tpu.memory_space<vmem>>) dst(%dma_wait3A_372 : memref<32768xf32, #tpu.memory_space<hbm>>)
    %add3A_376 = arith.constant 4194304 : i32
    %add3A_377 = arith.addi %add3A_376, %mul3A_4 : i32
    %add3A_378 = arith.constant 32768 : i32
    %add3A_379 = arith.addi %add3A_377, %add3A_378 : i32
    %dma_start3A_380 = arith.constant 0 : i32
    %dma_start3A_381 = arith.constant 0 : i32
    %dma_start3A_382 = arith.constant 0 : i32
    %dma_start3A_383 = tpu.memref_slice %arg5[%dma_start3A_380, %dma_start3A_382] : memref<2x32768xf32, #tpu.memory_space<vmem>> -> memref<1x32768xf32, #tpu.memory_space<vmem>>
    %dma_start3A_384 = tpu.memref_squeeze %dma_start3A_383 : memref<1x32768xf32, #tpu.memory_space<vmem>> -> memref<32768xf32, #tpu.memory_space<vmem>>
    %dma_start3A_385 = tpu.memref_slice %arg2[%add3A_379] : memref<8388608xf32, #tpu.memory_space<hbm>> -> memref<32768xf32, #tpu.memory_space<hbm>>
    %dma_start3A_386 = tpu.memref_slice %arg7[%dma_start3A_381] : memref<2x!tpu.dma_semaphore, #tpu.memory_space<semaphore_mem>> -> memref<1x!tpu.dma_semaphore, #tpu.memory_space<semaphore_mem>>
    %dma_start3A_387 = tpu.memref_squeeze %dma_start3A_386 : memref<1x!tpu.dma_semaphore, #tpu.memory_space<semaphore_mem>> -> memref<!tpu.dma_semaphore, #tpu.memory_space<semaphore_mem>>
    %dma_start3A_388 = arith.constant 0 : i32
    %dma_start3A_389 = tpu.memref_slice %arg5[%dma_start3A_380, %dma_start3A_388] : memref<2x32768xf32, #tpu.memory_space<vmem>> -> memref<1x32768xf32, #tpu.memory_space<vmem>>
    %dma_start3A_390 = tpu.memref_squeeze %dma_start3A_389 : memref<1x32768xf32, #tpu.memory_space<vmem>> -> memref<32768xf32, #tpu.memory_space<vmem>>
    %dma_start3A_391 = tpu.memref_slice %arg2[%add3A_379] : memref<8388608xf32, #tpu.memory_space<hbm>> -> memref<32768xf32, #tpu.memory_space<hbm>>
    tpu.enqueue_dma source(%dma_start3A_391 : memref<32768xf32, #tpu.memory_space<hbm>>) target(%dma_start3A_390 : memref<32768xf32, #tpu.memory_space<vmem>>) target_semaphore(%dma_start3A_387 : memref<!tpu.dma_semaphore, #tpu.memory_space<semaphore_mem>>)
    %dma_wait3A_392 = arith.constant 1 : i32
    %dma_wait3A_393 = arith.constant 1 : i32
    %dma_wait3A_394 = arith.constant 0 : i32
    %dma_wait3A_395 = tpu.memref_slice %arg5[%dma_wait3A_392, %dma_wait3A_394] : memref<2x32768xf32, #tpu.memory_space<vmem>> -> memref<1x32768xf32, #tpu.memory_space<vmem>>
    %dma_wait3A_396 = tpu.memref_squeeze %dma_wait3A_395 : memref<1x32768xf32, #tpu.memory_space<vmem>> -> memref<32768xf32, #tpu.memory_space<vmem>>
    %dma_wait3A_397 = arith.constant 0 : i32
    %dma_wait3A_398 = tpu.memref_slice %arg2[%dma_wait3A_397] : memref<8388608xf32, #tpu.memory_space<hbm>> -> memref<32768xf32, #tpu.memory_space<hbm>>
    %dma_wait3A_399 = tpu.memref_slice %arg7[%dma_wait3A_393] : memref<2x!tpu.dma_semaphore, #tpu.memory_space<semaphore_mem>> -> memref<1x!tpu.dma_semaphore, #tpu.memory_space<semaphore_mem>>
    %dma_wait3A_400 = tpu.memref_squeeze %dma_wait3A_399 : memref<1x!tpu.dma_semaphore, #tpu.memory_space<semaphore_mem>> -> memref<!tpu.dma_semaphore, #tpu.memory_space<semaphore_mem>>
    %dma_wait3A_401 = arith.constant 0 : i32
    %dma_wait3A_402 = tpu.memref_slice %arg5[%dma_wait3A_392, %dma_wait3A_401] : memref<2x32768xf32, #tpu.memory_space<vmem>> -> memref<1x32768xf32, #tpu.memory_space<vmem>>
    %dma_wait3A_403 = tpu.memref_squeeze %dma_wait3A_402 : memref<1x32768xf32, #tpu.memory_space<vmem>> -> memref<32768xf32, #tpu.memory_space<vmem>>
    %dma_wait3A_404 = arith.constant 0 : i32
    %dma_wait3A_405 = tpu.memref_slice %arg2[%dma_wait3A_404] : memref<8388608xf32, #tpu.memory_space<hbm>> -> memref<32768xf32, #tpu.memory_space<hbm>>
    tpu.wait_dma2 semaphore(%dma_wait3A_400 : memref<!tpu.dma_semaphore, #tpu.memory_space<semaphore_mem>>) src(%dma_wait3A_405 : memref<32768xf32, #tpu.memory_space<hbm>>) dst(%dma_wait3A_403 : memref<32768xf32, #tpu.memory_space<vmem>>)
    %scan3A_406 = arith.constant 1 : i32
    %scan3A_407 = arith.constant 0 : i32
    %scan3A_408 = arith.constant 0 : i32
    %scan3A_409 = arith.constant 2048 : i32
    %scan3A_410 = arith.addi %scan3A_408, %scan3A_409 : i32
    %scan3A_411 = arith.constant 8 : i32
    %scan3A_412 = scf.for %scan3A_560 = %scan3A_408 to %scan3A_410 step %scan3A_411 iter_args(%scan3A_561 = %scan3A_407) -> (i32)  : i32 {
      %mul3A_562 = arith.constant 16 : i32
      %mul3A_563 = arith.muli %scan3A_560, %mul3A_562 : i32
      %get3A = arith.constant 0 : i32
      %get3A_564 = tpu.memref_slice %arg5[%scan3A_406, %get3A] : memref<2x32768xf32, #tpu.memory_space<vmem>> -> memref<1x32768xf32, #tpu.memory_space<vmem>>
      %get3A_565 = tpu.memref_squeeze %get3A_564 : memref<1x32768xf32, #tpu.memory_space<vmem>> -> memref<32768xf32, #tpu.memory_space<vmem>>
      %get3A_566 = arith.index_cast %mul3A_563 : i32 to index
      %get3A_567 = tpu.vector_load %get3A_565[%get3A_566] {strides = array<i32>} : memref<32768xf32, #tpu.memory_space<vmem>>, vector<16xf32>,
      %get3A_568 = vector.shape_cast %get3A_567 : vector<16xf32> to vector<16xf32>
      %get3A_569 = arith.index_cast %mul3A_563 : i32 to index
      %get3A_570 = tpu.vector_load %arg6[%get3A_569] {strides = array<i32>} : memref<32768xf32, #tpu.memory_space<vmem>>, vector<16xf32>,
      %get3A_571 = vector.shape_cast %get3A_570 : vector<16xf32> to vector<16xf32>
      %add3A_572 = arith.addf %get3A_568, %get3A_571 : vector<16xf32>
      %swap3A = arith.constant 0 : i32
      %swap3A_573 = tpu.memref_slice %arg5[%scan3A_406, %swap3A] : memref<2x32768xf32, #tpu.memory_space<vmem>> -> memref<1x32768xf32, #tpu.memory_space<vmem>>
      %swap3A_574 = tpu.memref_squeeze %swap3A_573 : memref<1x32768xf32, #tpu.memory_space<vmem>> -> memref<32768xf32, #tpu.memory_space<vmem>>
      %swap3A_575 = arith.index_cast %mul3A_563 : i32 to index
      %swap3A_576 = tpu.vector_load %swap3A_574[%swap3A_575] {strides = array<i32>} : memref<32768xf32, #tpu.memory_space<vmem>>, vector<16xf32>,
      %swap3A_577 = vector.shape_cast %swap3A_576 : vector<16xf32> to vector<16xf32>
      %swap3A_578 = vector.shape_cast %add3A_572 : vector<16xf32> to vector<16xf32>
      tpu.vector_store %swap3A_574[%swap3A_575], %swap3A_578 {strides = array<i32>} : memref<32768xf32, #tpu.memory_space<vmem>>, vector<16xf32>,
      %scan3A_579 = arith.constant 0 : i32
      %scan3A_580 = arith.constant 1 : i32
      %scan3A_581 = arith.addi %scan3A_560, %scan3A_580 : i32
      %mul3A_582 = arith.constant 16 : i32
      %mul3A_583 = arith.muli %scan3A_581, %mul3A_582 : i32
      %get3A_584 = arith.constant 0 : i32
      %get3A_585 = tpu.memref_slice %arg5[%scan3A_406, %get3A_584] : memref<2x32768xf32, #tpu.memory_space<vmem>> -> memref<1x32768xf32, #tpu.memory_space<vmem>>
      %get3A_586 = tpu.memref_squeeze %get3A_585 : memref<1x32768xf32, #tpu.memory_space<vmem>> -> memref<32768xf32, #tpu.memory_space<vmem>>
      %get3A_587 = arith.index_cast %mul3A_583 : i32 to index
      %get3A_588 = tpu.vector_load %get3A_586[%get3A_587] {strides = array<i32>} : memref<32768xf32, #tpu.memory_space<vmem>>, vector<16xf32>,
      %get3A_589 = vector.shape_cast %get3A_588 : vector<16xf32> to vector<16xf32>
      %get3A_590 = arith.index_cast %mul3A_583 : i32 to index
      %get3A_591 = tpu.vector_load %arg6[%get3A_590] {strides = array<i32>} : memref<32768xf32, #tpu.memory_space<vmem>>, vector<16xf32>,
      %get3A_592 = vector.shape_cast %get3A_591 : vector<16xf32> to vector<16xf32>
      %add3A_593 = arith.addf %get3A_589, %get3A_592 : vector<16xf32>
      %swap3A_594 = arith.constant 0 : i32
      %swap3A_595 = tpu.memref_slice %arg5[%scan3A_406, %swap3A_594] : memref<2x32768xf32, #tpu.memory_space<vmem>> -> memref<1x32768xf32, #tpu.memory_space<vmem>>
      %swap3A_596 = tpu.memref_squeeze %swap3A_595 : memref<1x32768xf32, #tpu.memory_space<vmem>> -> memref<32768xf32, #tpu.memory_space<vmem>>
      %swap3A_597 = arith.index_cast %mul3A_583 : i32 to index
      %swap3A_598 = tpu.vector_load %swap3A_596[%swap3A_597] {strides = array<i32>} : memref<32768xf32, #tpu.memory_space<vmem>>, vector<16xf32>,
      %swap3A_599 = vector.shape_cast %swap3A_598 : vector<16xf32> to vector<16xf32>
      %swap3A_600 = vector.shape_cast %add3A_593 : vector<16xf32> to vector<16xf32>
      tpu.vector_store %swap3A_596[%swap3A_597], %swap3A_600 {strides = array<i32>} : memref<32768xf32, #tpu.memory_space<vmem>>, vector<16xf32>,
      %scan3A_601 = arith.constant 0 : i32
      %scan3A_602 = arith.constant 2 : i32
      %scan3A_603 = arith.addi %scan3A_560, %scan3A_602 : i32
      %mul3A_604 = arith.constant 16 : i32
      %mul3A_605 = arith.muli %scan3A_603, %mul3A_604 : i32
      %get3A_606 = arith.constant 0 : i32
      %get3A_607 = tpu.memref_slice %arg5[%scan3A_406, %get3A_606] : memref<2x32768xf32, #tpu.memory_space<vmem>> -> memref<1x32768xf32, #tpu.memory_space<vmem>>
      %get3A_608 = tpu.memref_squeeze %get3A_607 : memref<1x32768xf32, #tpu.memory_space<vmem>> -> memref<32768xf32, #tpu.memory_space<vmem>>
      %get3A_609 = arith.index_cast %mul3A_605 : i32 to index
      %get3A_610 = tpu.vector_load %get3A_608[%get3A_609] {strides = array<i32>} : memref<32768xf32, #tpu.memory_space<vmem>>, vector<16xf32>,
      %get3A_611 = vector.shape_cast %get3A_610 : vector<16xf32> to vector<16xf32>
      %get3A_612 = arith.index_cast %mul3A_605 : i32 to index
      %get3A_613 = tpu.vector_load %arg6[%get3A_612] {strides = array<i32>} : memref<32768xf32, #tpu.memory_space<vmem>>, vector<16xf32>,
      %get3A_614 = vector.shape_cast %get3A_613 : vector<16xf32> to vector<16xf32>
      %add3A_615 = arith.addf %get3A_611, %get3A_614 : vector<16xf32>
      %swap3A_616 = arith.constant 0 : i32
      %swap3A_617 = tpu.memref_slice %arg5[%scan3A_406, %swap3A_616] : memref<2x32768xf32, #tpu.memory_space<vmem>> -> memref<1x32768xf32, #tpu.memory_space<vmem>>
      %swap3A_618 = tpu.memref_squeeze %swap3A_617 : memref<1x32768xf32, #tpu.memory_space<vmem>> -> memref<32768xf32, #tpu.memory_space<vmem>>
      %swap3A_619 = arith.index_cast %mul3A_605 : i32 to index
      %swap3A_620 = tpu.vector_load %swap3A_618[%swap3A_619] {strides = array<i32>} : memref<32768xf32, #tpu.memory_space<vmem>>, vector<16xf32>,
      %swap3A_621 = vector.shape_cast %swap3A_620 : vector<16xf32> to vector<16xf32>
      %swap3A_622 = vector.shape_cast %add3A_615 : vector<16xf32> to vector<16xf32>
      tpu.vector_store %swap3A_618[%swap3A_619], %swap3A_622 {strides = array<i32>} : memref<32768xf32, #tpu.memory_space<vmem>>, vector<16xf32>,
      %scan3A_623 = arith.constant 0 : i32
      %scan3A_624 = arith.constant 3 : i32
      %scan3A_625 = arith.addi %scan3A_560, %scan3A_624 : i32
      %mul3A_626 = arith.constant 16 : i32
      %mul3A_627 = arith.muli %scan3A_625, %mul3A_626 : i32
      %get3A_628 = arith.constant 0 : i32
      %get3A_629 = tpu.memref_slice %arg5[%scan3A_406, %get3A_628] : memref<2x32768xf32, #tpu.memory_space<vmem>> -> memref<1x32768xf32, #tpu.memory_space<vmem>>
      %get3A_630 = tpu.memref_squeeze %get3A_629 : memref<1x32768xf32, #tpu.memory_space<vmem>> -> memref<32768xf32, #tpu.memory_space<vmem>>
      %get3A_631 = arith.index_cast %mul3A_627 : i32 to index
      %get3A_632 = tpu.vector_load %get3A_630[%get3A_631] {strides = array<i32>} : memref<32768xf32, #tpu.memory_space<vmem>>, vector<16xf32>,
      %get3A_633 = vector.shape_cast %get3A_632 : vector<16xf32> to vector<16xf32>
      %get3A_634 = arith.index_cast %mul3A_627 : i32 to index
      %get3A_635 = tpu.vector_load %arg6[%get3A_634] {strides = array<i32>} : memref<32768xf32, #tpu.memory_space<vmem>>, vector<16xf32>,
      %get3A_636 = vector.shape_cast %get3A_635 : vector<16xf32> to vector<16xf32>
      %add3A_637 = arith.addf %get3A_633, %get3A_636 : vector<16xf32>
      %swap3A_638 = arith.constant 0 : i32
      %swap3A_639 = tpu.memref_slice %arg5[%scan3A_406, %swap3A_638] : memref<2x32768xf32, #tpu.memory_space<vmem>> -> memref<1x32768xf32, #tpu.memory_space<vmem>>
      %swap3A_640 = tpu.memref_squeeze %swap3A_639 : memref<1x32768xf32, #tpu.memory_space<vmem>> -> memref<32768xf32, #tpu.memory_space<vmem>>
      %swap3A_641 = arith.index_cast %mul3A_627 : i32 to index
      %swap3A_642 = tpu.vector_load %swap3A_640[%swap3A_641] {strides = array<i32>} : memref<32768xf32, #tpu.memory_space<vmem>>, vector<16xf32>,
      %swap3A_643 = vector.shape_cast %swap3A_642 : vector<16xf32> to vector<16xf32>
      %swap3A_644 = vector.shape_cast %add3A_637 : vector<16xf32> to vector<16xf32>
      tpu.vector_store %swap3A_640[%swap3A_641], %swap3A_644 {strides = array<i32>} : memref<32768xf32, #tpu.memory_space<vmem>>, vector<16xf32>,
      %scan3A_645 = arith.constant 0 : i32
      %scan3A_646 = arith.constant 4 : i32
      %scan3A_647 = arith.addi %scan3A_560, %scan3A_646 : i32
      %mul3A_648 = arith.constant 16 : i32
      %mul3A_649 = arith.muli %scan3A_647, %mul3A_648 : i32
      %get3A_650 = arith.constant 0 : i32
      %get3A_651 = tpu.memref_slice %arg5[%scan3A_406, %get3A_650] : memref<2x32768xf32, #tpu.memory_space<vmem>> -> memref<1x32768xf32, #tpu.memory_space<vmem>>
      %get3A_652 = tpu.memref_squeeze %get3A_651 : memref<1x32768xf32, #tpu.memory_space<vmem>> -> memref<32768xf32, #tpu.memory_space<vmem>>
      %get3A_653 = arith.index_cast %mul3A_649 : i32 to index
      %get3A_654 = tpu.vector_load %get3A_652[%get3A_653] {strides = array<i32>} : memref<32768xf32, #tpu.memory_space<vmem>>, vector<16xf32>,
      %get3A_655 = vector.shape_cast %get3A_654 : vector<16xf32> to vector<16xf32>
      %get3A_656 = arith.index_cast %mul3A_649 : i32 to index
      %get3A_657 = tpu.vector_load %arg6[%get3A_656] {strides = array<i32>} : memref<32768xf32, #tpu.memory_space<vmem>>, vector<16xf32>,
      %get3A_658 = vector.shape_cast %get3A_657 : vector<16xf32> to vector<16xf32>
      %add3A_659 = arith.addf %get3A_655, %get3A_658 : vector<16xf32>
      %swap3A_660 = arith.constant 0 : i32
      %swap3A_661 = tpu.memref_slice %arg5[%scan3A_406, %swap3A_660] : memref<2x32768xf32, #tpu.memory_space<vmem>> -> memref<1x32768xf32, #tpu.memory_space<vmem>>
      %swap3A_662 = tpu.memref_squeeze %swap3A_661 : memref<1x32768xf32, #tpu.memory_space<vmem>> -> memref<32768xf32, #tpu.memory_space<vmem>>
      %swap3A_663 = arith.index_cast %mul3A_649 : i32 to index
      %swap3A_664 = tpu.vector_load %swap3A_662[%swap3A_663] {strides = array<i32>} : memref<32768xf32, #tpu.memory_space<vmem>>, vector<16xf32>,
      %swap3A_665 = vector.shape_cast %swap3A_664 : vector<16xf32> to vector<16xf32>
      %swap3A_666 = vector.shape_cast %add3A_659 : vector<16xf32> to vector<16xf32>
      tpu.vector_store %swap3A_662[%swap3A_663], %swap3A_666 {strides = array<i32>} : memref<32768xf32, #tpu.memory_space<vmem>>, vector<16xf32>,
      %scan3A_667 = arith.constant 0 : i32
      %scan3A_668 = arith.constant 5 : i32
      %scan3A_669 = arith.addi %scan3A_560, %scan3A_668 : i32
      %mul3A_670 = arith.constant 16 : i32
      %mul3A_671 = arith.muli %scan3A_669, %mul3A_670 : i32
      %get3A_672 = arith.constant 0 : i32
      %get3A_673 = tpu.memref_slice %arg5[%scan3A_406, %get3A_672] : memref<2x32768xf32, #tpu.memory_space<vmem>> -> memref<1x32768xf32, #tpu.memory_space<vmem>>
      %get3A_674 = tpu.memref_squeeze %get3A_673 : memref<1x32768xf32, #tpu.memory_space<vmem>> -> memref<32768xf32, #tpu.memory_space<vmem>>
      %get3A_675 = arith.index_cast %mul3A_671 : i32 to index
      %get3A_676 = tpu.vector_load %get3A_674[%get3A_675] {strides = array<i32>} : memref<32768xf32, #tpu.memory_space<vmem>>, vector<16xf32>,
      %get3A_677 = vector.shape_cast %get3A_676 : vector<16xf32> to vector<16xf32>
      %get3A_678 = arith.index_cast %mul3A_671 : i32 to index
      %get3A_679 = tpu.vector_load %arg6[%get3A_678] {strides = array<i32>} : memref<32768xf32, #tpu.memory_space<vmem>>, vector<16xf32>,
      %get3A_680 = vector.shape_cast %get3A_679 : vector<16xf32> to vector<16xf32>
      %add3A_681 = arith.addf %get3A_677, %get3A_680 : vector<16xf32>
      %swap3A_682 = arith.constant 0 : i32
      %swap3A_683 = tpu.memref_slice %arg5[%scan3A_406, %swap3A_682] : memref<2x32768xf32, #tpu.memory_space<vmem>> -> memref<1x32768xf32, #tpu.memory_space<vmem>>
      %swap3A_684 = tpu.memref_squeeze %swap3A_683 : memref<1x32768xf32, #tpu.memory_space<vmem>> -> memref<32768xf32, #tpu.memory_space<vmem>>
      %swap3A_685 = arith.index_cast %mul3A_671 : i32 to index
      %swap3A_686 = tpu.vector_load %swap3A_684[%swap3A_685] {strides = array<i32>} : memref<32768xf32, #tpu.memory_space<vmem>>, vector<16xf32>,
      %swap3A_687 = vector.shape_cast %swap3A_686 : vector<16xf32> to vector<16xf32>
      %swap3A_688 = vector.shape_cast %add3A_681 : vector<16xf32> to vector<16xf32>
      tpu.vector_store %swap3A_684[%swap3A_685], %swap3A_688 {strides = array<i32>} : memref<32768xf32, #tpu.memory_space<vmem>>, vector<16xf32>,
      %scan3A_689 = arith.constant 0 : i32
      %scan3A_690 = arith.constant 6 : i32
      %scan3A_691 = arith.addi %scan3A_560, %scan3A_690 : i32
      %mul3A_692 = arith.constant 16 : i32
      %mul3A_693 = arith.muli %scan3A_691, %mul3A_692 : i32
      %get3A_694 = arith.constant 0 : i32
      %get3A_695 = tpu.memref_slice %arg5[%scan3A_406, %get3A_694] : memref<2x32768xf32, #tpu.memory_space<vmem>> -> memref<1x32768xf32, #tpu.memory_space<vmem>>
      %get3A_696 = tpu.memref_squeeze %get3A_695 : memref<1x32768xf32, #tpu.memory_space<vmem>> -> memref<32768xf32, #tpu.memory_space<vmem>>
      %get3A_697 = arith.index_cast %mul3A_693 : i32 to index
      %get3A_698 = tpu.vector_load %get3A_696[%get3A_697] {strides = array<i32>} : memref<32768xf32, #tpu.memory_space<vmem>>, vector<16xf32>,
      %get3A_699 = vector.shape_cast %get3A_698 : vector<16xf32> to vector<16xf32>
      %get3A_700 = arith.index_cast %mul3A_693 : i32 to index
      %get3A_701 = tpu.vector_load %arg6[%get3A_700] {strides = array<i32>} : memref<32768xf32, #tpu.memory_space<vmem>>, vector<16xf32>,
      %get3A_702 = vector.shape_cast %get3A_701 : vector<16xf32> to vector<16xf32>
      %add3A_703 = arith.addf %get3A_699, %get3A_702 : vector<16xf32>
      %swap3A_704 = arith.constant 0 : i32
      %swap3A_705 = tpu.memref_slice %arg5[%scan3A_406, %swap3A_704] : memref<2x32768xf32, #tpu.memory_space<vmem>> -> memref<1x32768xf32, #tpu.memory_space<vmem>>
      %swap3A_706 = tpu.memref_squeeze %swap3A_705 : memref<1x32768xf32, #tpu.memory_space<vmem>> -> memref<32768xf32, #tpu.memory_space<vmem>>
      %swap3A_707 = arith.index_cast %mul3A_693 : i32 to index
      %swap3A_708 = tpu.vector_load %swap3A_706[%swap3A_707] {strides = array<i32>} : memref<32768xf32, #tpu.memory_space<vmem>>, vector<16xf32>,
      %swap3A_709 = vector.shape_cast %swap3A_708 : vector<16xf32> to vector<16xf32>
      %swap3A_710 = vector.shape_cast %add3A_703 : vector<16xf32> to vector<16xf32>
      tpu.vector_store %swap3A_706[%swap3A_707], %swap3A_710 {strides = array<i32>} : memref<32768xf32, #tpu.memory_space<vmem>>, vector<16xf32>,
      %scan3A_711 = arith.constant 0 : i32
      %scan3A_712 = arith.constant 7 : i32
      %scan3A_713 = arith.addi %scan3A_560, %scan3A_712 : i32
      %mul3A_714 = arith.constant 16 : i32
      %mul3A_715 = arith.muli %scan3A_713, %mul3A_714 : i32
      %get3A_716 = arith.constant 0 : i32
      %get3A_717 = tpu.memref_slice %arg5[%scan3A_406, %get3A_716] : memref<2x32768xf32, #tpu.memory_space<vmem>> -> memref<1x32768xf32, #tpu.memory_space<vmem>>
      %get3A_718 = tpu.memref_squeeze %get3A_717 : memref<1x32768xf32, #tpu.memory_space<vmem>> -> memref<32768xf32, #tpu.memory_space<vmem>>
      %get3A_719 = arith.index_cast %mul3A_715 : i32 to index
      %get3A_720 = tpu.vector_load %get3A_718[%get3A_719] {strides = array<i32>} : memref<32768xf32, #tpu.memory_space<vmem>>, vector<16xf32>,
      %get3A_721 = vector.shape_cast %get3A_720 : vector<16xf32> to vector<16xf32>
      %get3A_722 = arith.index_cast %mul3A_715 : i32 to index
      %get3A_723 = tpu.vector_load %arg6[%get3A_722] {strides = array<i32>} : memref<32768xf32, #tpu.memory_space<vmem>>, vector<16xf32>,
      %get3A_724 = vector.shape_cast %get3A_723 : vector<16xf32> to vector<16xf32>
      %add3A_725 = arith.addf %get3A_721, %get3A_724 : vector<16xf32>
      %swap3A_726 = arith.constant 0 : i32
      %swap3A_727 = tpu.memref_slice %arg5[%scan3A_406, %swap3A_726] : memref<2x32768xf32, #tpu.memory_space<vmem>> -> memref<1x32768xf32, #tpu.memory_space<vmem>>
      %swap3A_728 = tpu.memref_squeeze %swap3A_727 : memref<1x32768xf32, #tpu.memory_space<vmem>> -> memref<32768xf32, #tpu.memory_space<vmem>>
      %swap3A_729 = arith.index_cast %mul3A_715 : i32 to index
      %swap3A_730 = tpu.vector_load %swap3A_728[%swap3A_729] {strides = array<i32>} : memref<32768xf32, #tpu.memory_space<vmem>>, vector<16xf32>,
      %swap3A_731 = vector.shape_cast %swap3A_730 : vector<16xf32> to vector<16xf32>
      %swap3A_732 = vector.shape_cast %add3A_725 : vector<16xf32> to vector<16xf32>
      tpu.vector_store %swap3A_728[%swap3A_729], %swap3A_732 {strides = array<i32>} : memref<32768xf32, #tpu.memory_space<vmem>>, vector<16xf32>,
      %scan3A_733 = arith.constant 0 : i32
      scf.yield %scan3A_733 : i32
    }
    %scan3A_413 = arith.constant 2048 : i32
    %dma_start3A_414 = arith.constant 1 : i32
    %dma_start3A_415 = arith.constant 1 : i32
    %dma_start3A_416 = arith.constant 0 : i32
    %dma_start3A_417 = tpu.memref_slice %arg5[%dma_start3A_414, %dma_start3A_416] : memref<2x32768xf32, #tpu.memory_space<vmem>> -> memref<1x32768xf32, #tpu.memory_space<vmem>>
    %dma_start3A_418 = tpu.memref_squeeze %dma_start3A_417 : memref<1x32768xf32, #tpu.memory_space<vmem>> -> memref<32768xf32, #tpu.memory_space<vmem>>
    %dma_start3A_419 = tpu.memref_slice %arg4[%add3A_361] : memref<8388608xf32, #tpu.memory_space<hbm>> -> memref<32768xf32, #tpu.memory_space<hbm>>
    %dma_start3A_420 = tpu.memref_slice %arg9[%dma_start3A_415] : memref<2x!tpu.dma_semaphore, #tpu.memory_space<semaphore_mem>> -> memref<1x!tpu.dma_semaphore, #tpu.memory_space<semaphore_mem>>
    %dma_start3A_421 = tpu.memref_squeeze %dma_start3A_420 : memref<1x!tpu.dma_semaphore, #tpu.memory_space<semaphore_mem>> -> memref<!tpu.dma_semaphore, #tpu.memory_space<semaphore_mem>>
    %dma_start3A_422 = tpu.memref_slice %arg4[%add3A_361] : memref<8388608xf32, #tpu.memory_space<hbm>> -> memref<32768xf32, #tpu.memory_space<hbm>>
    %dma_start3A_423 = arith.constant 0 : i32
    %dma_start3A_424 = tpu.memref_slice %arg5[%dma_start3A_414, %dma_start3A_423] : memref<2x32768xf32, #tpu.memory_space<vmem>> -> memref<1x32768xf32, #tpu.memory_space<vmem>>
    %dma_start3A_425 = tpu.memref_squeeze %dma_start3A_424 : memref<1x32768xf32, #tpu.memory_space<vmem>> -> memref<32768xf32, #tpu.memory_space<vmem>>
    tpu.enqueue_dma source(%dma_start3A_425 : memref<32768xf32, #tpu.memory_space<vmem>>) target(%dma_start3A_422 : memref<32768xf32, #tpu.memory_space<hbm>>) target_semaphore(%dma_start3A_421 : memref<!tpu.dma_semaphore, #tpu.memory_space<semaphore_mem>>)
    %add3A_426 = arith.constant 4194304 : i32
    %add3A_427 = arith.addi %add3A_426, %mul3A_4 : i32
    %add3A_428 = arith.constant 32768 : i32
    %add3A_429 = arith.addi %add3A_427, %add3A_428 : i32
    %dma_wait3A_430 = arith.constant 1 : i32
    %dma_wait3A_431 = arith.constant 1 : i32
    %dma_wait3A_432 = arith.constant 0 : i32
    %dma_wait3A_433 = tpu.memref_slice %arg5[%dma_wait3A_430, %dma_wait3A_432] : memref<2x32768xf32, #tpu.memory_space<vmem>> -> memref<1x32768xf32, #tpu.memory_space<vmem>>
    %dma_wait3A_434 = tpu.memref_squeeze %dma_wait3A_433 : memref<1x32768xf32, #tpu.memory_space<vmem>> -> memref<32768xf32, #tpu.memory_space<vmem>>
    %dma_wait3A_435 = arith.constant 0 : i32
    %dma_wait3A_436 = tpu.memref_slice %arg4[%dma_wait3A_435] : memref<8388608xf32, #tpu.memory_space<hbm>> -> memref<32768xf32, #tpu.memory_space<hbm>>
    %dma_wait3A_437 = tpu.memref_slice %arg9[%dma_wait3A_431] : memref<2x!tpu.dma_semaphore, #tpu.memory_space<semaphore_mem>> -> memref<1x!tpu.dma_semaphore, #tpu.memory_space<semaphore_mem>>
    %dma_wait3A_438 = tpu.memref_squeeze %dma_wait3A_437 : memref<1x!tpu.dma_semaphore, #tpu.memory_space<semaphore_mem>> -> memref<!tpu.dma_semaphore, #tpu.memory_space<semaphore_mem>>
    %dma_wait3A_439 = arith.constant 0 : i32
    %dma_wait3A_440 = tpu.memref_slice %arg4[%dma_wait3A_439] : memref<8388608xf32, #tpu.memory_space<hbm>> -> memref<32768xf32, #tpu.memory_space<hbm>>
    %dma_wait3A_441 = arith.constant 0 : i32
    %dma_wait3A_442 = tpu.memref_slice %arg5[%dma_wait3A_430, %dma_wait3A_441] : memref<2x32768xf32, #tpu.memory_space<vmem>> -> memref<1x32768xf32, #tpu.memory_space<vmem>>
    %dma_wait3A_443 = tpu.memref_squeeze %dma_wait3A_442 : memref<1x32768xf32, #tpu.memory_space<vmem>> -> memref<32768xf32, #tpu.memory_space<vmem>>
    tpu.wait_dma2 semaphore(%dma_wait3A_438 : memref<!tpu.dma_semaphore, #tpu.memory_space<semaphore_mem>>) src(%dma_wait3A_443 : memref<32768xf32, #tpu.memory_space<vmem>>) dst(%dma_wait3A_440 : memref<32768xf32, #tpu.memory_space<hbm>>)
    %add3A_444 = arith.constant 6291456 : i32
    %add3A_445 = arith.addi %add3A_444, %mul3A_4 : i32
    %add3A_446 = arith.constant 32768 : i32
    %add3A_447 = arith.addi %add3A_445, %add3A_446 : i32
    %dma_start3A_448 = arith.constant 1 : i32
    %dma_start3A_449 = arith.constant 1 : i32
    %dma_start3A_450 = arith.constant 0 : i32
    %dma_start3A_451 = tpu.memref_slice %arg5[%dma_start3A_448, %dma_start3A_450] : memref<2x32768xf32, #tpu.memory_space<vmem>> -> memref<1x32768xf32, #tpu.memory_space<vmem>>
    %dma_start3A_452 = tpu.memref_squeeze %dma_start3A_451 : memref<1x32768xf32, #tpu.memory_space<vmem>> -> memref<32768xf32, #tpu.memory_space<vmem>>
    %dma_start3A_453 = tpu.memref_slice %arg2[%add3A_447] : memref<8388608xf32, #tpu.memory_space<hbm>> -> memref<32768xf32, #tpu.memory_space<hbm>>
    %dma_start3A_454 = tpu.memref_slice %arg7[%dma_start3A_449] : memref<2x!tpu.dma_semaphore, #tpu.memory_space<semaphore_mem>> -> memref<1x!tpu.dma_semaphore, #tpu.memory_space<semaphore_mem>>
    %dma_start3A_455 = tpu.memref_squeeze %dma_start3A_454 : memref<1x!tpu.dma_semaphore, #tpu.memory_space<semaphore_mem>> -> memref<!tpu.dma_semaphore, #tpu.memory_space<semaphore_mem>>
    %dma_start3A_456 = arith.constant 0 : i32
    %dma_start3A_457 = tpu.memref_slice %arg5[%dma_start3A_448, %dma_start3A_456] : memref<2x32768xf32, #tpu.memory_space<vmem>> -> memref<1x32768xf32, #tpu.memory_space<vmem>>
    %dma_start3A_458 = tpu.memref_squeeze %dma_start3A_457 : memref<1x32768xf32, #tpu.memory_space<vmem>> -> memref<32768xf32, #tpu.memory_space<vmem>>
    %dma_start3A_459 = tpu.memref_slice %arg2[%add3A_447] : memref<8388608xf32, #tpu.memory_space<hbm>> -> memref<32768xf32, #tpu.memory_space<hbm>>
    tpu.enqueue_dma source(%dma_start3A_459 : memref<32768xf32, #tpu.memory_space<hbm>>) target(%dma_start3A_458 : memref<32768xf32, #tpu.memory_space<vmem>>) target_semaphore(%dma_start3A_455 : memref<!tpu.dma_semaphore, #tpu.memory_space<semaphore_mem>>)
    %dma_wait3A_460 = arith.constant 0 : i32
    %dma_wait3A_461 = arith.constant 0 : i32
    %dma_wait3A_462 = arith.constant 0 : i32
    %dma_wait3A_463 = tpu.memref_slice %arg5[%dma_wait3A_460, %dma_wait3A_462] : memref<2x32768xf32, #tpu.memory_space<vmem>> -> memref<1x32768xf32, #tpu.memory_space<vmem>>
    %dma_wait3A_464 = tpu.memref_squeeze %dma_wait3A_463 : memref<1x32768xf32, #tpu.memory_space<vmem>> -> memref<32768xf32, #tpu.memory_space<vmem>>
    %dma_wait3A_465 = arith.constant 0 : i32
    %dma_wait3A_466 = tpu.memref_slice %arg2[%dma_wait3A_465] : memref<8388608xf32, #tpu.memory_space<hbm>> -> memref<32768xf32, #tpu.memory_space<hbm>>
    %dma_wait3A_467 = tpu.memref_slice %arg7[%dma_wait3A_461] : memref<2x!tpu.dma_semaphore, #tpu.memory_space<semaphore_mem>> -> memref<1x!tpu.dma_semaphore, #tpu.memory_space<semaphore_mem>>
    %dma_wait3A_468 = tpu.memref_squeeze %dma_wait3A_467 : memref<1x!tpu.dma_semaphore, #tpu.memory_space<semaphore_mem>> -> memref<!tpu.dma_semaphore, #tpu.memory_space<semaphore_mem>>
    %dma_wait3A_469 = arith.constant 0 : i32
    %dma_wait3A_470 = tpu.memref_slice %arg5[%dma_wait3A_460, %dma_wait3A_469] : memref<2x32768xf32, #tpu.memory_space<vmem>> -> memref<1x32768xf32, #tpu.memory_space<vmem>>
    %dma_wait3A_471 = tpu.memref_squeeze %dma_wait3A_470 : memref<1x32768xf32, #tpu.memory_space<vmem>> -> memref<32768xf32, #tpu.memory_space<vmem>>
    %dma_wait3A_472 = arith.constant 0 : i32
    %dma_wait3A_473 = tpu.memref_slice %arg2[%dma_wait3A_472] : memref<8388608xf32, #tpu.memory_space<hbm>> -> memref<32768xf32, #tpu.memory_space<hbm>>
    tpu.wait_dma2 semaphore(%dma_wait3A_468 : memref<!tpu.dma_semaphore, #tpu.memory_space<semaphore_mem>>) src(%dma_wait3A_473 : memref<32768xf32, #tpu.memory_space<hbm>>) dst(%dma_wait3A_471 : memref<32768xf32, #tpu.memory_space<vmem>>)
    %scan3A_474 = arith.constant 0 : i32
    %scan3A_475 = arith.constant 0 : i32
    %scan3A_476 = arith.constant 0 : i32
    %scan3A_477 = arith.constant 2048 : i32
    %scan3A_478 = arith.addi %scan3A_476, %scan3A_477 : i32
    %scan3A_479 = arith.constant 8 : i32
    %scan3A_480 = scf.for %scan3A_560 = %scan3A_476 to %scan3A_478 step %scan3A_479 iter_args(%scan3A_561 = %scan3A_475) -> (i32)  : i32 {
      %mul3A_562 = arith.constant 16 : i32
      %mul3A_563 = arith.muli %scan3A_560, %mul3A_562 : i32
      %get3A = arith.constant 0 : i32
      %get3A_564 = tpu.memref_slice %arg5[%scan3A_474, %get3A] : memref<2x32768xf32, #tpu.memory_space<vmem>> -> memref<1x32768xf32, #tpu.memory_space<vmem>>
      %get3A_565 = tpu.memref_squeeze %get3A_564 : memref<1x32768xf32, #tpu.memory_space<vmem>> -> memref<32768xf32, #tpu.memory_space<vmem>>
      %get3A_566 = arith.index_cast %mul3A_563 : i32 to index
      %get3A_567 = tpu.vector_load %get3A_565[%get3A_566] {strides = array<i32>} : memref<32768xf32, #tpu.memory_space<vmem>>, vector<16xf32>,
      %get3A_568 = vector.shape_cast %get3A_567 : vector<16xf32> to vector<16xf32>
      %get3A_569 = arith.index_cast %mul3A_563 : i32 to index
      %get3A_570 = tpu.vector_load %arg6[%get3A_569] {strides = array<i32>} : memref<32768xf32, #tpu.memory_space<vmem>>, vector<16xf32>,
      %get3A_571 = vector.shape_cast %get3A_570 : vector<16xf32> to vector<16xf32>
      %add3A_572 = arith.addf %get3A_568, %get3A_571 : vector<16xf32>
      %swap3A = arith.constant 0 : i32
      %swap3A_573 = tpu.memref_slice %arg5[%scan3A_474, %swap3A] : memref<2x32768xf32, #tpu.memory_space<vmem>> -> memref<1x32768xf32, #tpu.memory_space<vmem>>
      %swap3A_574 = tpu.memref_squeeze %swap3A_573 : memref<1x32768xf32, #tpu.memory_space<vmem>> -> memref<32768xf32, #tpu.memory_space<vmem>>
      %swap3A_575 = arith.index_cast %mul3A_563 : i32 to index
      %swap3A_576 = tpu.vector_load %swap3A_574[%swap3A_575] {strides = array<i32>} : memref<32768xf32, #tpu.memory_space<vmem>>, vector<16xf32>,
      %swap3A_577 = vector.shape_cast %swap3A_576 : vector<16xf32> to vector<16xf32>
      %swap3A_578 = vector.shape_cast %add3A_572 : vector<16xf32> to vector<16xf32>
      tpu.vector_store %swap3A_574[%swap3A_575], %swap3A_578 {strides = array<i32>} : memref<32768xf32, #tpu.memory_space<vmem>>, vector<16xf32>,
      %scan3A_579 = arith.constant 0 : i32
      %scan3A_580 = arith.constant 1 : i32
      %scan3A_581 = arith.addi %scan3A_560, %scan3A_580 : i32
      %mul3A_582 = arith.constant 16 : i32
      %mul3A_583 = arith.muli %scan3A_581, %mul3A_582 : i32
      %get3A_584 = arith.constant 0 : i32
      %get3A_585 = tpu.memref_slice %arg5[%scan3A_474, %get3A_584] : memref<2x32768xf32, #tpu.memory_space<vmem>> -> memref<1x32768xf32, #tpu.memory_space<vmem>>
      %get3A_586 = tpu.memref_squeeze %get3A_585 : memref<1x32768xf32, #tpu.memory_space<vmem>> -> memref<32768xf32, #tpu.memory_space<vmem>>
      %get3A_587 = arith.index_cast %mul3A_583 : i32 to index
      %get3A_588 = tpu.vector_load %get3A_586[%get3A_587] {strides = array<i32>} : memref<32768xf32, #tpu.memory_space<vmem>>, vector<16xf32>,
      %get3A_589 = vector.shape_cast %get3A_588 : vector<16xf32> to vector<16xf32>
      %get3A_590 = arith.index_cast %mul3A_583 : i32 to index
      %get3A_591 = tpu.vector_load %arg6[%get3A_590] {strides = array<i32>} : memref<32768xf32, #tpu.memory_space<vmem>>, vector<16xf32>,
      %get3A_592 = vector.shape_cast %get3A_591 : vector<16xf32> to vector<16xf32>
      %add3A_593 = arith.addf %get3A_589, %get3A_592 : vector<16xf32>
      %swap3A_594 = arith.constant 0 : i32
      %swap3A_595 = tpu.memref_slice %arg5[%scan3A_474, %swap3A_594] : memref<2x32768xf32, #tpu.memory_space<vmem>> -> memref<1x32768xf32, #tpu.memory_space<vmem>>
      %swap3A_596 = tpu.memref_squeeze %swap3A_595 : memref<1x32768xf32, #tpu.memory_space<vmem>> -> memref<32768xf32, #tpu.memory_space<vmem>>
      %swap3A_597 = arith.index_cast %mul3A_583 : i32 to index
      %swap3A_598 = tpu.vector_load %swap3A_596[%swap3A_597] {strides = array<i32>} : memref<32768xf32, #tpu.memory_space<vmem>>, vector<16xf32>,
      %swap3A_599 = vector.shape_cast %swap3A_598 : vector<16xf32> to vector<16xf32>
      %swap3A_600 = vector.shape_cast %add3A_593 : vector<16xf32> to vector<16xf32>
      tpu.vector_store %swap3A_596[%swap3A_597], %swap3A_600 {strides = array<i32>} : memref<32768xf32, #tpu.memory_space<vmem>>, vector<16xf32>,
      %scan3A_601 = arith.constant 0 : i32
      %scan3A_602 = arith.constant 2 : i32
      %scan3A_603 = arith.addi %scan3A_560, %scan3A_602 : i32
      %mul3A_604 = arith.constant 16 : i32
      %mul3A_605 = arith.muli %scan3A_603, %mul3A_604 : i32
      %get3A_606 = arith.constant 0 : i32
      %get3A_607 = tpu.memref_slice %arg5[%scan3A_474, %get3A_606] : memref<2x32768xf32, #tpu.memory_space<vmem>> -> memref<1x32768xf32, #tpu.memory_space<vmem>>
      %get3A_608 = tpu.memref_squeeze %get3A_607 : memref<1x32768xf32, #tpu.memory_space<vmem>> -> memref<32768xf32, #tpu.memory_space<vmem>>
      %get3A_609 = arith.index_cast %mul3A_605 : i32 to index
      %get3A_610 = tpu.vector_load %get3A_608[%get3A_609] {strides = array<i32>} : memref<32768xf32, #tpu.memory_space<vmem>>, vector<16xf32>,
      %get3A_611 = vector.shape_cast %get3A_610 : vector<16xf32> to vector<16xf32>
      %get3A_612 = arith.index_cast %mul3A_605 : i32 to index
      %get3A_613 = tpu.vector_load %arg6[%get3A_612] {strides = array<i32>} : memref<32768xf32, #tpu.memory_space<vmem>>, vector<16xf32>,
      %get3A_614 = vector.shape_cast %get3A_613 : vector<16xf32> to vector<16xf32>
      %add3A_615 = arith.addf %get3A_611, %get3A_614 : vector<16xf32>
      %swap3A_616 = arith.constant 0 : i32
      %swap3A_617 = tpu.memref_slice %arg5[%scan3A_474, %swap3A_616] : memref<2x32768xf32, #tpu.memory_space<vmem>> -> memref<1x32768xf32, #tpu.memory_space<vmem>>
      %swap3A_618 = tpu.memref_squeeze %swap3A_617 : memref<1x32768xf32, #tpu.memory_space<vmem>> -> memref<32768xf32, #tpu.memory_space<vmem>>
      %swap3A_619 = arith.index_cast %mul3A_605 : i32 to index
      %swap3A_620 = tpu.vector_load %swap3A_618[%swap3A_619] {strides = array<i32>} : memref<32768xf32, #tpu.memory_space<vmem>>, vector<16xf32>,
      %swap3A_621 = vector.shape_cast %swap3A_620 : vector<16xf32> to vector<16xf32>
      %swap3A_622 = vector.shape_cast %add3A_615 : vector<16xf32> to vector<16xf32>
      tpu.vector_store %swap3A_618[%swap3A_619], %swap3A_622 {strides = array<i32>} : memref<32768xf32, #tpu.memory_space<vmem>>, vector<16xf32>,
      %scan3A_623 = arith.constant 0 : i32
      %scan3A_624 = arith.constant 3 : i32
      %scan3A_625 = arith.addi %scan3A_560, %scan3A_624 : i32
      %mul3A_626 = arith.constant 16 : i32
      %mul3A_627 = arith.muli %scan3A_625, %mul3A_626 : i32
      %get3A_628 = arith.constant 0 : i32
      %get3A_629 = tpu.memref_slice %arg5[%scan3A_474, %get3A_628] : memref<2x32768xf32, #tpu.memory_space<vmem>> -> memref<1x32768xf32, #tpu.memory_space<vmem>>
      %get3A_630 = tpu.memref_squeeze %get3A_629 : memref<1x32768xf32, #tpu.memory_space<vmem>> -> memref<32768xf32, #tpu.memory_space<vmem>>
      %get3A_631 = arith.index_cast %mul3A_627 : i32 to index
      %get3A_632 = tpu.vector_load %get3A_630[%get3A_631] {strides = array<i32>} : memref<32768xf32, #tpu.memory_space<vmem>>, vector<16xf32>,
      %get3A_633 = vector.shape_cast %get3A_632 : vector<16xf32> to vector<16xf32>
      %get3A_634 = arith.index_cast %mul3A_627 : i32 to index
      %get3A_635 = tpu.vector_load %arg6[%get3A_634] {strides = array<i32>} : memref<32768xf32, #tpu.memory_space<vmem>>, vector<16xf32>,
      %get3A_636 = vector.shape_cast %get3A_635 : vector<16xf32> to vector<16xf32>
      %add3A_637 = arith.addf %get3A_633, %get3A_636 : vector<16xf32>
      %swap3A_638 = arith.constant 0 : i32
      %swap3A_639 = tpu.memref_slice %arg5[%scan3A_474, %swap3A_638] : memref<2x32768xf32, #tpu.memory_space<vmem>> -> memref<1x32768xf32, #tpu.memory_space<vmem>>
      %swap3A_640 = tpu.memref_squeeze %swap3A_639 : memref<1x32768xf32, #tpu.memory_space<vmem>> -> memref<32768xf32, #tpu.memory_space<vmem>>
      %swap3A_641 = arith.index_cast %mul3A_627 : i32 to index
      %swap3A_642 = tpu.vector_load %swap3A_640[%swap3A_641] {strides = array<i32>} : memref<32768xf32, #tpu.memory_space<vmem>>, vector<16xf32>,
      %swap3A_643 = vector.shape_cast %swap3A_642 : vector<16xf32> to vector<16xf32>
      %swap3A_644 = vector.shape_cast %add3A_637 : vector<16xf32> to vector<16xf32>
      tpu.vector_store %swap3A_640[%swap3A_641], %swap3A_644 {strides = array<i32>} : memref<32768xf32, #tpu.memory_space<vmem>>, vector<16xf32>,
      %scan3A_645 = arith.constant 0 : i32
      %scan3A_646 = arith.constant 4 : i32
      %scan3A_647 = arith.addi %scan3A_560, %scan3A_646 : i32
      %mul3A_648 = arith.constant 16 : i32
      %mul3A_649 = arith.muli %scan3A_647, %mul3A_648 : i32
      %get3A_650 = arith.constant 0 : i32
      %get3A_651 = tpu.memref_slice %arg5[%scan3A_474, %get3A_650] : memref<2x32768xf32, #tpu.memory_space<vmem>> -> memref<1x32768xf32, #tpu.memory_space<vmem>>
      %get3A_652 = tpu.memref_squeeze %get3A_651 : memref<1x32768xf32, #tpu.memory_space<vmem>> -> memref<32768xf32, #tpu.memory_space<vmem>>
      %get3A_653 = arith.index_cast %mul3A_649 : i32 to index
      %get3A_654 = tpu.vector_load %get3A_652[%get3A_653] {strides = array<i32>} : memref<32768xf32, #tpu.memory_space<vmem>>, vector<16xf32>,
      %get3A_655 = vector.shape_cast %get3A_654 : vector<16xf32> to vector<16xf32>
      %get3A_656 = arith.index_cast %mul3A_649 : i32 to index
      %get3A_657 = tpu.vector_load %arg6[%get3A_656] {strides = array<i32>} : memref<32768xf32, #tpu.memory_space<vmem>>, vector<16xf32>,
      %get3A_658 = vector.shape_cast %get3A_657 : vector<16xf32> to vector<16xf32>
      %add3A_659 = arith.addf %get3A_655, %get3A_658 : vector<16xf32>
      %swap3A_660 = arith.constant 0 : i32
      %swap3A_661 = tpu.memref_slice %arg5[%scan3A_474, %swap3A_660] : memref<2x32768xf32, #tpu.memory_space<vmem>> -> memref<1x32768xf32, #tpu.memory_space<vmem>>
      %swap3A_662 = tpu.memref_squeeze %swap3A_661 : memref<1x32768xf32, #tpu.memory_space<vmem>> -> memref<32768xf32, #tpu.memory_space<vmem>>
      %swap3A_663 = arith.index_cast %mul3A_649 : i32 to index
      %swap3A_664 = tpu.vector_load %swap3A_662[%swap3A_663] {strides = array<i32>} : memref<32768xf32, #tpu.memory_space<vmem>>, vector<16xf32>,
      %swap3A_665 = vector.shape_cast %swap3A_664 : vector<16xf32> to vector<16xf32>
      %swap3A_666 = vector.shape_cast %add3A_659 : vector<16xf32> to vector<16xf32>
      tpu.vector_store %swap3A_662[%swap3A_663], %swap3A_666 {strides = array<i32>} : memref<32768xf32, #tpu.memory_space<vmem>>, vector<16xf32>,
      %scan3A_667 = arith.constant 0 : i32
      %scan3A_668 = arith.constant 5 : i32
      %scan3A_669 = arith.addi %scan3A_560, %scan3A_668 : i32
      %mul3A_670 = arith.constant 16 : i32
      %mul3A_671 = arith.muli %scan3A_669, %mul3A_670 : i32
      %get3A_672 = arith.constant 0 : i32
      %get3A_673 = tpu.memref_slice %arg5[%scan3A_474, %get3A_672] : memref<2x32768xf32, #tpu.memory_space<vmem>> -> memref<1x32768xf32, #tpu.memory_space<vmem>>
      %get3A_674 = tpu.memref_squeeze %get3A_673 : memref<1x32768xf32, #tpu.memory_space<vmem>> -> memref<32768xf32, #tpu.memory_space<vmem>>
      %get3A_675 = arith.index_cast %mul3A_671 : i32 to index
      %get3A_676 = tpu.vector_load %get3A_674[%get3A_675] {strides = array<i32>} : memref<32768xf32, #tpu.memory_space<vmem>>, vector<16xf32>,
      %get3A_677 = vector.shape_cast %get3A_676 : vector<16xf32> to vector<16xf32>
      %get3A_678 = arith.index_cast %mul3A_671 : i32 to index
      %get3A_679 = tpu.vector_load %arg6[%get3A_678] {strides = array<i32>} : memref<32768xf32, #tpu.memory_space<vmem>>, vector<16xf32>,
      %get3A_680 = vector.shape_cast %get3A_679 : vector<16xf32> to vector<16xf32>
      %add3A_681 = arith.addf %get3A_677, %get3A_680 : vector<16xf32>
      %swap3A_682 = arith.constant 0 : i32
      %swap3A_683 = tpu.memref_slice %arg5[%scan3A_474, %swap3A_682] : memref<2x32768xf32, #tpu.memory_space<vmem>> -> memref<1x32768xf32, #tpu.memory_space<vmem>>
      %swap3A_684 = tpu.memref_squeeze %swap3A_683 : memref<1x32768xf32, #tpu.memory_space<vmem>> -> memref<32768xf32, #tpu.memory_space<vmem>>
      %swap3A_685 = arith.index_cast %mul3A_671 : i32 to index
      %swap3A_686 = tpu.vector_load %swap3A_684[%swap3A_685] {strides = array<i32>} : memref<32768xf32, #tpu.memory_space<vmem>>, vector<16xf32>,
      %swap3A_687 = vector.shape_cast %swap3A_686 : vector<16xf32> to vector<16xf32>
      %swap3A_688 = vector.shape_cast %add3A_681 : vector<16xf32> to vector<16xf32>
      tpu.vector_store %swap3A_684[%swap3A_685], %swap3A_688 {strides = array<i32>} : memref<32768xf32, #tpu.memory_space<vmem>>, vector<16xf32>,
      %scan3A_689 = arith.constant 0 : i32
      %scan3A_690 = arith.constant 6 : i32
      %scan3A_691 = arith.addi %scan3A_560, %scan3A_690 : i32
      %mul3A_692 = arith.constant 16 : i32
      %mul3A_693 = arith.muli %scan3A_691, %mul3A_692 : i32
      %get3A_694 = arith.constant 0 : i32
      %get3A_695 = tpu.memref_slice %arg5[%scan3A_474, %get3A_694] : memref<2x32768xf32, #tpu.memory_space<vmem>> -> memref<1x32768xf32, #tpu.memory_space<vmem>>
      %get3A_696 = tpu.memref_squeeze %get3A_695 : memref<1x32768xf32, #tpu.memory_space<vmem>> -> memref<32768xf32, #tpu.memory_space<vmem>>
      %get3A_697 = arith.index_cast %mul3A_693 : i32 to index
      %get3A_698 = tpu.vector_load %get3A_696[%get3A_697] {strides = array<i32>} : memref<32768xf32, #tpu.memory_space<vmem>>, vector<16xf32>,
      %get3A_699 = vector.shape_cast %get3A_698 : vector<16xf32> to vector<16xf32>
      %get3A_700 = arith.index_cast %mul3A_693 : i32 to index
      %get3A_701 = tpu.vector_load %arg6[%get3A_700] {strides = array<i32>} : memref<32768xf32, #tpu.memory_space<vmem>>, vector<16xf32>,
      %get3A_702 = vector.shape_cast %get3A_701 : vector<16xf32> to vector<16xf32>
      %add3A_703 = arith.addf %get3A_699, %get3A_702 : vector<16xf32>
      %swap3A_704 = arith.constant 0 : i32
      %swap3A_705 = tpu.memref_slice %arg5[%scan3A_474, %swap3A_704] : memref<2x32768xf32, #tpu.memory_space<vmem>> -> memref<1x32768xf32, #tpu.memory_space<vmem>>
      %swap3A_706 = tpu.memref_squeeze %swap3A_705 : memref<1x32768xf32, #tpu.memory_space<vmem>> -> memref<32768xf32, #tpu.memory_space<vmem>>
      %swap3A_707 = arith.index_cast %mul3A_693 : i32 to index
      %swap3A_708 = tpu.vector_load %swap3A_706[%swap3A_707] {strides = array<i32>} : memref<32768xf32, #tpu.memory_space<vmem>>, vector<16xf32>,
      %swap3A_709 = vector.shape_cast %swap3A_708 : vector<16xf32> to vector<16xf32>
      %swap3A_710 = vector.shape_cast %add3A_703 : vector<16xf32> to vector<16xf32>
      tpu.vector_store %swap3A_706[%swap3A_707], %swap3A_710 {strides = array<i32>} : memref<32768xf32, #tpu.memory_space<vmem>>, vector<16xf32>,
      %scan3A_711 = arith.constant 0 : i32
      %scan3A_712 = arith.constant 7 : i32
      %scan3A_713 = arith.addi %scan3A_560, %scan3A_712 : i32
      %mul3A_714 = arith.constant 16 : i32
      %mul3A_715 = arith.muli %scan3A_713, %mul3A_714 : i32
      %get3A_716 = arith.constant 0 : i32
      %get3A_717 = tpu.memref_slice %arg5[%scan3A_474, %get3A_716] : memref<2x32768xf32, #tpu.memory_space<vmem>> -> memref<1x32768xf32, #tpu.memory_space<vmem>>
      %get3A_718 = tpu.memref_squeeze %get3A_717 : memref<1x32768xf32, #tpu.memory_space<vmem>> -> memref<32768xf32, #tpu.memory_space<vmem>>
      %get3A_719 = arith.index_cast %mul3A_715 : i32 to index
      %get3A_720 = tpu.vector_load %get3A_718[%get3A_719] {strides = array<i32>} : memref<32768xf32, #tpu.memory_space<vmem>>, vector<16xf32>,
      %get3A_721 = vector.shape_cast %get3A_720 : vector<16xf32> to vector<16xf32>
      %get3A_722 = arith.index_cast %mul3A_715 : i32 to index
      %get3A_723 = tpu.vector_load %arg6[%get3A_722] {strides = array<i32>} : memref<32768xf32, #tpu.memory_space<vmem>>, vector<16xf32>,
      %get3A_724 = vector.shape_cast %get3A_723 : vector<16xf32> to vector<16xf32>
      %add3A_725 = arith.addf %get3A_721, %get3A_724 : vector<16xf32>
      %swap3A_726 = arith.constant 0 : i32
      %swap3A_727 = tpu.memref_slice %arg5[%scan3A_474, %swap3A_726] : memref<2x32768xf32, #tpu.memory_space<vmem>> -> memref<1x32768xf32, #tpu.memory_space<vmem>>
      %swap3A_728 = tpu.memref_squeeze %swap3A_727 : memref<1x32768xf32, #tpu.memory_space<vmem>> -> memref<32768xf32, #tpu.memory_space<vmem>>
      %swap3A_729 = arith.index_cast %mul3A_715 : i32 to index
      %swap3A_730 = tpu.vector_load %swap3A_728[%swap3A_729] {strides = array<i32>} : memref<32768xf32, #tpu.memory_space<vmem>>, vector<16xf32>,
      %swap3A_731 = vector.shape_cast %swap3A_730 : vector<16xf32> to vector<16xf32>
      %swap3A_732 = vector.shape_cast %add3A_725 : vector<16xf32> to vector<16xf32>
      tpu.vector_store %swap3A_728[%swap3A_729], %swap3A_732 {strides = array<i32>} : memref<32768xf32, #tpu.memory_space<vmem>>, vector<16xf32>,
      %scan3A_733 = arith.constant 0 : i32
      scf.yield %scan3A_733 : i32
    }
    %scan3A_481 = arith.constant 2048 : i32
    %dma_start3A_482 = arith.constant 0 : i32
    %dma_start3A_483 = arith.constant 0 : i32
    %dma_start3A_484 = arith.constant 0 : i32
    %dma_start3A_485 = tpu.memref_slice %arg5[%dma_start3A_482, %dma_start3A_484] : memref<2x32768xf32, #tpu.memory_space<vmem>> -> memref<1x32768xf32, #tpu.memory_space<vmem>>
    %dma_start3A_486 = tpu.memref_squeeze %dma_start3A_485 : memref<1x32768xf32, #tpu.memory_space<vmem>> -> memref<32768xf32, #tpu.memory_space<vmem>>
    %dma_start3A_487 = tpu.memref_slice %arg4[%add3A_429] : memref<8388608xf32, #tpu.memory_space<hbm>> -> memref<32768xf32, #tpu.memory_space<hbm>>
    %dma_start3A_488 = tpu.memref_slice %arg9[%dma_start3A_483] : memref<2x!tpu.dma_semaphore, #tpu.memory_space<semaphore_mem>> -> memref<1x!tpu.dma_semaphore, #tpu.memory_space<semaphore_mem>>
    %dma_start3A_489 = tpu.memref_squeeze %dma_start3A_488 : memref<1x!tpu.dma_semaphore, #tpu.memory_space<semaphore_mem>> -> memref<!tpu.dma_semaphore, #tpu.memory_space<semaphore_mem>>
    %dma_start3A_490 = tpu.memref_slice %arg4[%add3A_429] : memref<8388608xf32, #tpu.memory_space<hbm>> -> memref<32768xf32, #tpu.memory_space<hbm>>
    %dma_start3A_491 = arith.constant 0 : i32
    %dma_start3A_492 = tpu.memref_slice %arg5[%dma_start3A_482, %dma_start3A_491] : memref<2x32768xf32, #tpu.memory_space<vmem>> -> memref<1x32768xf32, #tpu.memory_space<vmem>>
    %dma_start3A_493 = tpu.memref_squeeze %dma_start3A_492 : memref<1x32768xf32, #tpu.memory_space<vmem>> -> memref<32768xf32, #tpu.memory_space<vmem>>
    tpu.enqueue_dma source(%dma_start3A_493 : memref<32768xf32, #tpu.memory_space<vmem>>) target(%dma_start3A_490 : memref<32768xf32, #tpu.memory_space<hbm>>) target_semaphore(%dma_start3A_489 : memref<!tpu.dma_semaphore, #tpu.memory_space<semaphore_mem>>)
    %add3A_494 = arith.constant 6291456 : i32
    %add3A_495 = arith.addi %add3A_494, %mul3A_4 : i32
    %add3A_496 = arith.constant 32768 : i32
    %add3A_497 = arith.addi %add3A_495, %add3A_496 : i32
    %dma_wait3A_498 = arith.constant 1 : i32
    %dma_wait3A_499 = arith.constant 1 : i32
    %dma_wait3A_500 = arith.constant 0 : i32
    %dma_wait3A_501 = tpu.memref_slice %arg5[%dma_wait3A_498, %dma_wait3A_500] : memref<2x32768xf32, #tpu.memory_space<vmem>> -> memref<1x32768xf32, #tpu.memory_space<vmem>>
    %dma_wait3A_502 = tpu.memref_squeeze %dma_wait3A_501 : memref<1x32768xf32, #tpu.memory_space<vmem>> -> memref<32768xf32, #tpu.memory_space<vmem>>
    %dma_wait3A_503 = arith.constant 0 : i32
    %dma_wait3A_504 = tpu.memref_slice %arg2[%dma_wait3A_503] : memref<8388608xf32, #tpu.memory_space<hbm>> -> memref<32768xf32, #tpu.memory_space<hbm>>
    %dma_wait3A_505 = tpu.memref_slice %arg7[%dma_wait3A_499] : memref<2x!tpu.dma_semaphore, #tpu.memory_space<semaphore_mem>> -> memref<1x!tpu.dma_semaphore, #tpu.memory_space<semaphore_mem>>
    %dma_wait3A_506 = tpu.memref_squeeze %dma_wait3A_505 : memref<1x!tpu.dma_semaphore, #tpu.memory_space<semaphore_mem>> -> memref<!tpu.dma_semaphore, #tpu.memory_space<semaphore_mem>>
    %dma_wait3A_507 = arith.constant 0 : i32
    %dma_wait3A_508 = tpu.memref_slice %arg5[%dma_wait3A_498, %dma_wait3A_507] : memref<2x32768xf32, #tpu.memory_space<vmem>> -> memref<1x32768xf32, #tpu.memory_space<vmem>>
    %dma_wait3A_509 = tpu.memref_squeeze %dma_wait3A_508 : memref<1x32768xf32, #tpu.memory_space<vmem>> -> memref<32768xf32, #tpu.memory_space<vmem>>
    %dma_wait3A_510 = arith.constant 0 : i32
    %dma_wait3A_511 = tpu.memref_slice %arg2[%dma_wait3A_510] : memref<8388608xf32, #tpu.memory_space<hbm>> -> memref<32768xf32, #tpu.memory_space<hbm>>
    tpu.wait_dma2 semaphore(%dma_wait3A_506 : memref<!tpu.dma_semaphore, #tpu.memory_space<semaphore_mem>>) src(%dma_wait3A_511 : memref<32768xf32, #tpu.memory_space<hbm>>) dst(%dma_wait3A_509 : memref<32768xf32, #tpu.memory_space<vmem>>)
    %scan3A_512 = arith.constant 1 : i32
    %scan3A_513 = arith.constant 0 : i32
    %scan3A_514 = arith.constant 0 : i32
    %scan3A_515 = arith.constant 2048 : i32
    %scan3A_516 = arith.addi %scan3A_514, %scan3A_515 : i32
    %scan3A_517 = arith.constant 8 : i32
    %scan3A_518 = scf.for %scan3A_560 = %scan3A_514 to %scan3A_516 step %scan3A_517 iter_args(%scan3A_561 = %scan3A_513) -> (i32)  : i32 {
      %mul3A_562 = arith.constant 16 : i32
      %mul3A_563 = arith.muli %scan3A_560, %mul3A_562 : i32
      %get3A = arith.constant 0 : i32
      %get3A_564 = tpu.memref_slice %arg5[%scan3A_512, %get3A] : memref<2x32768xf32, #tpu.memory_space<vmem>> -> memref<1x32768xf32, #tpu.memory_space<vmem>>
      %get3A_565 = tpu.memref_squeeze %get3A_564 : memref<1x32768xf32, #tpu.memory_space<vmem>> -> memref<32768xf32, #tpu.memory_space<vmem>>
      %get3A_566 = arith.index_cast %mul3A_563 : i32 to index
      %get3A_567 = tpu.vector_load %get3A_565[%get3A_566] {strides = array<i32>} : memref<32768xf32, #tpu.memory_space<vmem>>, vector<16xf32>,
      %get3A_568 = vector.shape_cast %get3A_567 : vector<16xf32> to vector<16xf32>
      %get3A_569 = arith.index_cast %mul3A_563 : i32 to index
      %get3A_570 = tpu.vector_load %arg6[%get3A_569] {strides = array<i32>} : memref<32768xf32, #tpu.memory_space<vmem>>, vector<16xf32>,
      %get3A_571 = vector.shape_cast %get3A_570 : vector<16xf32> to vector<16xf32>
      %add3A_572 = arith.addf %get3A_568, %get3A_571 : vector<16xf32>
      %swap3A = arith.constant 0 : i32
      %swap3A_573 = tpu.memref_slice %arg5[%scan3A_512, %swap3A] : memref<2x32768xf32, #tpu.memory_space<vmem>> -> memref<1x32768xf32, #tpu.memory_space<vmem>>
      %swap3A_574 = tpu.memref_squeeze %swap3A_573 : memref<1x32768xf32, #tpu.memory_space<vmem>> -> memref<32768xf32, #tpu.memory_space<vmem>>
      %swap3A_575 = arith.index_cast %mul3A_563 : i32 to index
      %swap3A_576 = tpu.vector_load %swap3A_574[%swap3A_575] {strides = array<i32>} : memref<32768xf32, #tpu.memory_space<vmem>>, vector<16xf32>,
      %swap3A_577 = vector.shape_cast %swap3A_576 : vector<16xf32> to vector<16xf32>
      %swap3A_578 = vector.shape_cast %add3A_572 : vector<16xf32> to vector<16xf32>
      tpu.vector_store %swap3A_574[%swap3A_575], %swap3A_578 {strides = array<i32>} : memref<32768xf32, #tpu.memory_space<vmem>>, vector<16xf32>,
      %scan3A_579 = arith.constant 0 : i32
      %scan3A_580 = arith.constant 1 : i32
      %scan3A_581 = arith.addi %scan3A_560, %scan3A_580 : i32
      %mul3A_582 = arith.constant 16 : i32
      %mul3A_583 = arith.muli %scan3A_581, %mul3A_582 : i32
      %get3A_584 = arith.constant 0 : i32
      %get3A_585 = tpu.memref_slice %arg5[%scan3A_512, %get3A_584] : memref<2x32768xf32, #tpu.memory_space<vmem>> -> memref<1x32768xf32, #tpu.memory_space<vmem>>
      %get3A_586 = tpu.memref_squeeze %get3A_585 : memref<1x32768xf32, #tpu.memory_space<vmem>> -> memref<32768xf32, #tpu.memory_space<vmem>>
      %get3A_587 = arith.index_cast %mul3A_583 : i32 to index
      %get3A_588 = tpu.vector_load %get3A_586[%get3A_587] {strides = array<i32>} : memref<32768xf32, #tpu.memory_space<vmem>>, vector<16xf32>,
      %get3A_589 = vector.shape_cast %get3A_588 : vector<16xf32> to vector<16xf32>
      %get3A_590 = arith.index_cast %mul3A_583 : i32 to index
      %get3A_591 = tpu.vector_load %arg6[%get3A_590] {strides = array<i32>} : memref<32768xf32, #tpu.memory_space<vmem>>, vector<16xf32>,
      %get3A_592 = vector.shape_cast %get3A_591 : vector<16xf32> to vector<16xf32>
      %add3A_593 = arith.addf %get3A_589, %get3A_592 : vector<16xf32>
      %swap3A_594 = arith.constant 0 : i32
      %swap3A_595 = tpu.memref_slice %arg5[%scan3A_512, %swap3A_594] : memref<2x32768xf32, #tpu.memory_space<vmem>> -> memref<1x32768xf32, #tpu.memory_space<vmem>>
      %swap3A_596 = tpu.memref_squeeze %swap3A_595 : memref<1x32768xf32, #tpu.memory_space<vmem>> -> memref<32768xf32, #tpu.memory_space<vmem>>
      %swap3A_597 = arith.index_cast %mul3A_583 : i32 to index
      %swap3A_598 = tpu.vector_load %swap3A_596[%swap3A_597] {strides = array<i32>} : memref<32768xf32, #tpu.memory_space<vmem>>, vector<16xf32>,
      %swap3A_599 = vector.shape_cast %swap3A_598 : vector<16xf32> to vector<16xf32>
      %swap3A_600 = vector.shape_cast %add3A_593 : vector<16xf32> to vector<16xf32>
      tpu.vector_store %swap3A_596[%swap3A_597], %swap3A_600 {strides = array<i32>} : memref<32768xf32, #tpu.memory_space<vmem>>, vector<16xf32>,
      %scan3A_601 = arith.constant 0 : i32
      %scan3A_602 = arith.constant 2 : i32
      %scan3A_603 = arith.addi %scan3A_560, %scan3A_602 : i32
      %mul3A_604 = arith.constant 16 : i32
      %mul3A_605 = arith.muli %scan3A_603, %mul3A_604 : i32
      %get3A_606 = arith.constant 0 : i32
      %get3A_607 = tpu.memref_slice %arg5[%scan3A_512, %get3A_606] : memref<2x32768xf32, #tpu.memory_space<vmem>> -> memref<1x32768xf32, #tpu.memory_space<vmem>>
      %get3A_608 = tpu.memref_squeeze %get3A_607 : memref<1x32768xf32, #tpu.memory_space<vmem>> -> memref<32768xf32, #tpu.memory_space<vmem>>
      %get3A_609 = arith.index_cast %mul3A_605 : i32 to index
      %get3A_610 = tpu.vector_load %get3A_608[%get3A_609] {strides = array<i32>} : memref<32768xf32, #tpu.memory_space<vmem>>, vector<16xf32>,
      %get3A_611 = vector.shape_cast %get3A_610 : vector<16xf32> to vector<16xf32>
      %get3A_612 = arith.index_cast %mul3A_605 : i32 to index
      %get3A_613 = tpu.vector_load %arg6[%get3A_612] {strides = array<i32>} : memref<32768xf32, #tpu.memory_space<vmem>>, vector<16xf32>,
      %get3A_614 = vector.shape_cast %get3A_613 : vector<16xf32> to vector<16xf32>
      %add3A_615 = arith.addf %get3A_611, %get3A_614 : vector<16xf32>
      %swap3A_616 = arith.constant 0 : i32
      %swap3A_617 = tpu.memref_slice %arg5[%scan3A_512, %swap3A_616] : memref<2x32768xf32, #tpu.memory_space<vmem>> -> memref<1x32768xf32, #tpu.memory_space<vmem>>
      %swap3A_618 = tpu.memref_squeeze %swap3A_617 : memref<1x32768xf32, #tpu.memory_space<vmem>> -> memref<32768xf32, #tpu.memory_space<vmem>>
      %swap3A_619 = arith.index_cast %mul3A_605 : i32 to index
      %swap3A_620 = tpu.vector_load %swap3A_618[%swap3A_619] {strides = array<i32>} : memref<32768xf32, #tpu.memory_space<vmem>>, vector<16xf32>,
      %swap3A_621 = vector.shape_cast %swap3A_620 : vector<16xf32> to vector<16xf32>
      %swap3A_622 = vector.shape_cast %add3A_615 : vector<16xf32> to vector<16xf32>
      tpu.vector_store %swap3A_618[%swap3A_619], %swap3A_622 {strides = array<i32>} : memref<32768xf32, #tpu.memory_space<vmem>>, vector<16xf32>,
      %scan3A_623 = arith.constant 0 : i32
      %scan3A_624 = arith.constant 3 : i32
      %scan3A_625 = arith.addi %scan3A_560, %scan3A_624 : i32
      %mul3A_626 = arith.constant 16 : i32
      %mul3A_627 = arith.muli %scan3A_625, %mul3A_626 : i32
      %get3A_628 = arith.constant 0 : i32
      %get3A_629 = tpu.memref_slice %arg5[%scan3A_512, %get3A_628] : memref<2x32768xf32, #tpu.memory_space<vmem>> -> memref<1x32768xf32, #tpu.memory_space<vmem>>
      %get3A_630 = tpu.memref_squeeze %get3A_629 : memref<1x32768xf32, #tpu.memory_space<vmem>> -> memref<32768xf32, #tpu.memory_space<vmem>>
      %get3A_631 = arith.index_cast %mul3A_627 : i32 to index
      %get3A_632 = tpu.vector_load %get3A_630[%get3A_631] {strides = array<i32>} : memref<32768xf32, #tpu.memory_space<vmem>>, vector<16xf32>,
      %get3A_633 = vector.shape_cast %get3A_632 : vector<16xf32> to vector<16xf32>
      %get3A_634 = arith.index_cast %mul3A_627 : i32 to index
      %get3A_635 = tpu.vector_load %arg6[%get3A_634] {strides = array<i32>} : memref<32768xf32, #tpu.memory_space<vmem>>, vector<16xf32>,
      %get3A_636 = vector.shape_cast %get3A_635 : vector<16xf32> to vector<16xf32>
      %add3A_637 = arith.addf %get3A_633, %get3A_636 : vector<16xf32>
      %swap3A_638 = arith.constant 0 : i32
      %swap3A_639 = tpu.memref_slice %arg5[%scan3A_512, %swap3A_638] : memref<2x32768xf32, #tpu.memory_space<vmem>> -> memref<1x32768xf32, #tpu.memory_space<vmem>>
      %swap3A_640 = tpu.memref_squeeze %swap3A_639 : memref<1x32768xf32, #tpu.memory_space<vmem>> -> memref<32768xf32, #tpu.memory_space<vmem>>
      %swap3A_641 = arith.index_cast %mul3A_627 : i32 to index
      %swap3A_642 = tpu.vector_load %swap3A_640[%swap3A_641] {strides = array<i32>} : memref<32768xf32, #tpu.memory_space<vmem>>, vector<16xf32>,
      %swap3A_643 = vector.shape_cast %swap3A_642 : vector<16xf32> to vector<16xf32>
      %swap3A_644 = vector.shape_cast %add3A_637 : vector<16xf32> to vector<16xf32>
      tpu.vector_store %swap3A_640[%swap3A_641], %swap3A_644 {strides = array<i32>} : memref<32768xf32, #tpu.memory_space<vmem>>, vector<16xf32>,
      %scan3A_645 = arith.constant 0 : i32
      %scan3A_646 = arith.constant 4 : i32
      %scan3A_647 = arith.addi %scan3A_560, %scan3A_646 : i32
      %mul3A_648 = arith.constant 16 : i32
      %mul3A_649 = arith.muli %scan3A_647, %mul3A_648 : i32
      %get3A_650 = arith.constant 0 : i32
      %get3A_651 = tpu.memref_slice %arg5[%scan3A_512, %get3A_650] : memref<2x32768xf32, #tpu.memory_space<vmem>> -> memref<1x32768xf32, #tpu.memory_space<vmem>>
      %get3A_652 = tpu.memref_squeeze %get3A_651 : memref<1x32768xf32, #tpu.memory_space<vmem>> -> memref<32768xf32, #tpu.memory_space<vmem>>
      %get3A_653 = arith.index_cast %mul3A_649 : i32 to index
      %get3A_654 = tpu.vector_load %get3A_652[%get3A_653] {strides = array<i32>} : memref<32768xf32, #tpu.memory_space<vmem>>, vector<16xf32>,
      %get3A_655 = vector.shape_cast %get3A_654 : vector<16xf32> to vector<16xf32>
      %get3A_656 = arith.index_cast %mul3A_649 : i32 to index
      %get3A_657 = tpu.vector_load %arg6[%get3A_656] {strides = array<i32>} : memref<32768xf32, #tpu.memory_space<vmem>>, vector<16xf32>,
      %get3A_658 = vector.shape_cast %get3A_657 : vector<16xf32> to vector<16xf32>
      %add3A_659 = arith.addf %get3A_655, %get3A_658 : vector<16xf32>
      %swap3A_660 = arith.constant 0 : i32
      %swap3A_661 = tpu.memref_slice %arg5[%scan3A_512, %swap3A_660] : memref<2x32768xf32, #tpu.memory_space<vmem>> -> memref<1x32768xf32, #tpu.memory_space<vmem>>
      %swap3A_662 = tpu.memref_squeeze %swap3A_661 : memref<1x32768xf32, #tpu.memory_space<vmem>> -> memref<32768xf32, #tpu.memory_space<vmem>>
      %swap3A_663 = arith.index_cast %mul3A_649 : i32 to index
      %swap3A_664 = tpu.vector_load %swap3A_662[%swap3A_663] {strides = array<i32>} : memref<32768xf32, #tpu.memory_space<vmem>>, vector<16xf32>,
      %swap3A_665 = vector.shape_cast %swap3A_664 : vector<16xf32> to vector<16xf32>
      %swap3A_666 = vector.shape_cast %add3A_659 : vector<16xf32> to vector<16xf32>
      tpu.vector_store %swap3A_662[%swap3A_663], %swap3A_666 {strides = array<i32>} : memref<32768xf32, #tpu.memory_space<vmem>>, vector<16xf32>,
      %scan3A_667 = arith.constant 0 : i32
      %scan3A_668 = arith.constant 5 : i32
      %scan3A_669 = arith.addi %scan3A_560, %scan3A_668 : i32
      %mul3A_670 = arith.constant 16 : i32
      %mul3A_671 = arith.muli %scan3A_669, %mul3A_670 : i32
      %get3A_672 = arith.constant 0 : i32
      %get3A_673 = tpu.memref_slice %arg5[%scan3A_512, %get3A_672] : memref<2x32768xf32, #tpu.memory_space<vmem>> -> memref<1x32768xf32, #tpu.memory_space<vmem>>
      %get3A_674 = tpu.memref_squeeze %get3A_673 : memref<1x32768xf32, #tpu.memory_space<vmem>> -> memref<32768xf32, #tpu.memory_space<vmem>>
      %get3A_675 = arith.index_cast %mul3A_671 : i32 to index
      %get3A_676 = tpu.vector_load %get3A_674[%get3A_675] {strides = array<i32>} : memref<32768xf32, #tpu.memory_space<vmem>>, vector<16xf32>,
      %get3A_677 = vector.shape_cast %get3A_676 : vector<16xf32> to vector<16xf32>
      %get3A_678 = arith.index_cast %mul3A_671 : i32 to index
      %get3A_679 = tpu.vector_load %arg6[%get3A_678] {strides = array<i32>} : memref<32768xf32, #tpu.memory_space<vmem>>, vector<16xf32>,
      %get3A_680 = vector.shape_cast %get3A_679 : vector<16xf32> to vector<16xf32>
      %add3A_681 = arith.addf %get3A_677, %get3A_680 : vector<16xf32>
      %swap3A_682 = arith.constant 0 : i32
      %swap3A_683 = tpu.memref_slice %arg5[%scan3A_512, %swap3A_682] : memref<2x32768xf32, #tpu.memory_space<vmem>> -> memref<1x32768xf32, #tpu.memory_space<vmem>>
      %swap3A_684 = tpu.memref_squeeze %swap3A_683 : memref<1x32768xf32, #tpu.memory_space<vmem>> -> memref<32768xf32, #tpu.memory_space<vmem>>
      %swap3A_685 = arith.index_cast %mul3A_671 : i32 to index
      %swap3A_686 = tpu.vector_load %swap3A_684[%swap3A_685] {strides = array<i32>} : memref<32768xf32, #tpu.memory_space<vmem>>, vector<16xf32>,
      %swap3A_687 = vector.shape_cast %swap3A_686 : vector<16xf32> to vector<16xf32>
      %swap3A_688 = vector.shape_cast %add3A_681 : vector<16xf32> to vector<16xf32>
      tpu.vector_store %swap3A_684[%swap3A_685], %swap3A_688 {strides = array<i32>} : memref<32768xf32, #tpu.memory_space<vmem>>, vector<16xf32>,
      %scan3A_689 = arith.constant 0 : i32
      %scan3A_690 = arith.constant 6 : i32
      %scan3A_691 = arith.addi %scan3A_560, %scan3A_690 : i32
      %mul3A_692 = arith.constant 16 : i32
      %mul3A_693 = arith.muli %scan3A_691, %mul3A_692 : i32
      %get3A_694 = arith.constant 0 : i32
      %get3A_695 = tpu.memref_slice %arg5[%scan3A_512, %get3A_694] : memref<2x32768xf32, #tpu.memory_space<vmem>> -> memref<1x32768xf32, #tpu.memory_space<vmem>>
      %get3A_696 = tpu.memref_squeeze %get3A_695 : memref<1x32768xf32, #tpu.memory_space<vmem>> -> memref<32768xf32, #tpu.memory_space<vmem>>
      %get3A_697 = arith.index_cast %mul3A_693 : i32 to index
      %get3A_698 = tpu.vector_load %get3A_696[%get3A_697] {strides = array<i32>} : memref<32768xf32, #tpu.memory_space<vmem>>, vector<16xf32>,
      %get3A_699 = vector.shape_cast %get3A_698 : vector<16xf32> to vector<16xf32>
      %get3A_700 = arith.index_cast %mul3A_693 : i32 to index
      %get3A_701 = tpu.vector_load %arg6[%get3A_700] {strides = array<i32>} : memref<32768xf32, #tpu.memory_space<vmem>>, vector<16xf32>,
      %get3A_702 = vector.shape_cast %get3A_701 : vector<16xf32> to vector<16xf32>
      %add3A_703 = arith.addf %get3A_699, %get3A_702 : vector<16xf32>
      %swap3A_704 = arith.constant 0 : i32
      %swap3A_705 = tpu.memref_slice %arg5[%scan3A_512, %swap3A_704] : memref<2x32768xf32, #tpu.memory_space<vmem>> -> memref<1x32768xf32, #tpu.memory_space<vmem>>
      %swap3A_706 = tpu.memref_squeeze %swap3A_705 : memref<1x32768xf32, #tpu.memory_space<vmem>> -> memref<32768xf32, #tpu.memory_space<vmem>>
      %swap3A_707 = arith.index_cast %mul3A_693 : i32 to index
      %swap3A_708 = tpu.vector_load %swap3A_706[%swap3A_707] {strides = array<i32>} : memref<32768xf32, #tpu.memory_space<vmem>>, vector<16xf32>,
      %swap3A_709 = vector.shape_cast %swap3A_708 : vector<16xf32> to vector<16xf32>
      %swap3A_710 = vector.shape_cast %add3A_703 : vector<16xf32> to vector<16xf32>
      tpu.vector_store %swap3A_706[%swap3A_707], %swap3A_710 {strides = array<i32>} : memref<32768xf32, #tpu.memory_space<vmem>>, vector<16xf32>,
      %scan3A_711 = arith.constant 0 : i32
      %scan3A_712 = arith.constant 7 : i32
      %scan3A_713 = arith.addi %scan3A_560, %scan3A_712 : i32
      %mul3A_714 = arith.constant 16 : i32
      %mul3A_715 = arith.muli %scan3A_713, %mul3A_714 : i32
      %get3A_716 = arith.constant 0 : i32
      %get3A_717 = tpu.memref_slice %arg5[%scan3A_512, %get3A_716] : memref<2x32768xf32, #tpu.memory_space<vmem>> -> memref<1x32768xf32, #tpu.memory_space<vmem>>
      %get3A_718 = tpu.memref_squeeze %get3A_717 : memref<1x32768xf32, #tpu.memory_space<vmem>> -> memref<32768xf32, #tpu.memory_space<vmem>>
      %get3A_719 = arith.index_cast %mul3A_715 : i32 to index
      %get3A_720 = tpu.vector_load %get3A_718[%get3A_719] {strides = array<i32>} : memref<32768xf32, #tpu.memory_space<vmem>>, vector<16xf32>,
      %get3A_721 = vector.shape_cast %get3A_720 : vector<16xf32> to vector<16xf32>
      %get3A_722 = arith.index_cast %mul3A_715 : i32 to index
      %get3A_723 = tpu.vector_load %arg6[%get3A_722] {strides = array<i32>} : memref<32768xf32, #tpu.memory_space<vmem>>, vector<16xf32>,
      %get3A_724 = vector.shape_cast %get3A_723 : vector<16xf32> to vector<16xf32>
      %add3A_725 = arith.addf %get3A_721, %get3A_724 : vector<16xf32>
      %swap3A_726 = arith.constant 0 : i32
      %swap3A_727 = tpu.memref_slice %arg5[%scan3A_512, %swap3A_726] : memref<2x32768xf32, #tpu.memory_space<vmem>> -> memref<1x32768xf32, #tpu.memory_space<vmem>>
      %swap3A_728 = tpu.memref_squeeze %swap3A_727 : memref<1x32768xf32, #tpu.memory_space<vmem>> -> memref<32768xf32, #tpu.memory_space<vmem>>
      %swap3A_729 = arith.index_cast %mul3A_715 : i32 to index
      %swap3A_730 = tpu.vector_load %swap3A_728[%swap3A_729] {strides = array<i32>} : memref<32768xf32, #tpu.memory_space<vmem>>, vector<16xf32>,
      %swap3A_731 = vector.shape_cast %swap3A_730 : vector<16xf32> to vector<16xf32>
      %swap3A_732 = vector.shape_cast %add3A_725 : vector<16xf32> to vector<16xf32>
      tpu.vector_store %swap3A_728[%swap3A_729], %swap3A_732 {strides = array<i32>} : memref<32768xf32, #tpu.memory_space<vmem>>, vector<16xf32>,
      %scan3A_733 = arith.constant 0 : i32
      scf.yield %scan3A_733 : i32
    }
    %scan3A_519 = arith.constant 2048 : i32
    %dma_start3A_520 = arith.constant 1 : i32
    %dma_start3A_521 = arith.constant 1 : i32
    %dma_start3A_522 = arith.constant 0 : i32
    %dma_start3A_523 = tpu.memref_slice %arg5[%dma_start3A_520, %dma_start3A_522] : memref<2x32768xf32, #tpu.memory_space<vmem>> -> memref<1x32768xf32, #tpu.memory_space<vmem>>
    %dma_start3A_524 = tpu.memref_squeeze %dma_start3A_523 : memref<1x32768xf32, #tpu.memory_space<vmem>> -> memref<32768xf32, #tpu.memory_space<vmem>>
    %dma_start3A_525 = tpu.memref_slice %arg4[%add3A_497] : memref<8388608xf32, #tpu.memory_space<hbm>> -> memref<32768xf32, #tpu.memory_space<hbm>>
    %dma_start3A_526 = tpu.memref_slice %arg9[%dma_start3A_521] : memref<2x!tpu.dma_semaphore, #tpu.memory_space<semaphore_mem>> -> memref<1x!tpu.dma_semaphore, #tpu.memory_space<semaphore_mem>>
    %dma_start3A_527 = tpu.memref_squeeze %dma_start3A_526 : memref<1x!tpu.dma_semaphore, #tpu.memory_space<semaphore_mem>> -> memref<!tpu.dma_semaphore, #tpu.memory_space<semaphore_mem>>
    %dma_start3A_528 = tpu.memref_slice %arg4[%add3A_497] : memref<8388608xf32, #tpu.memory_space<hbm>> -> memref<32768xf32, #tpu.memory_space<hbm>>
    %dma_start3A_529 = arith.constant 0 : i32
    %dma_start3A_530 = tpu.memref_slice %arg5[%dma_start3A_520, %dma_start3A_529] : memref<2x32768xf32, #tpu.memory_space<vmem>> -> memref<1x32768xf32, #tpu.memory_space<vmem>>
    %dma_start3A_531 = tpu.memref_squeeze %dma_start3A_530 : memref<1x32768xf32, #tpu.memory_space<vmem>> -> memref<32768xf32, #tpu.memory_space<vmem>>
    tpu.enqueue_dma source(%dma_start3A_531 : memref<32768xf32, #tpu.memory_space<vmem>>) target(%dma_start3A_528 : memref<32768xf32, #tpu.memory_space<hbm>>) target_semaphore(%dma_start3A_527 : memref<!tpu.dma_semaphore, #tpu.memory_space<semaphore_mem>>)
    %dma_wait3A_532 = arith.constant 0 : i32
    %dma_wait3A_533 = arith.constant 0 : i32
    %dma_wait3A_534 = arith.constant 0 : i32
    %dma_wait3A_535 = tpu.memref_slice %arg5[%dma_wait3A_532, %dma_wait3A_534] : memref<2x32768xf32, #tpu.memory_space<vmem>> -> memref<1x32768xf32, #tpu.memory_space<vmem>>
    %dma_wait3A_536 = tpu.memref_squeeze %dma_wait3A_535 : memref<1x32768xf32, #tpu.memory_space<vmem>> -> memref<32768xf32, #tpu.memory_space<vmem>>
    %dma_wait3A_537 = arith.constant 0 : i32
    %dma_wait3A_538 = tpu.memref_slice %arg4[%dma_wait3A_537] : memref<8388608xf32, #tpu.memory_space<hbm>> -> memref<32768xf32, #tpu.memory_space<hbm>>
    %dma_wait3A_539 = tpu.memref_slice %arg9[%dma_wait3A_533] : memref<2x!tpu.dma_semaphore, #tpu.memory_space<semaphore_mem>> -> memref<1x!tpu.dma_semaphore, #tpu.memory_space<semaphore_mem>>
    %dma_wait3A_540 = tpu.memref_squeeze %dma_wait3A_539 : memref<1x!tpu.dma_semaphore, #tpu.memory_space<semaphore_mem>> -> memref<!tpu.dma_semaphore, #tpu.memory_space<semaphore_mem>>
    %dma_wait3A_541 = arith.constant 0 : i32
    %dma_wait3A_542 = tpu.memref_slice %arg4[%dma_wait3A_541] : memref<8388608xf32, #tpu.memory_space<hbm>> -> memref<32768xf32, #tpu.memory_space<hbm>>
    %dma_wait3A_543 = arith.constant 0 : i32
    %dma_wait3A_544 = tpu.memref_slice %arg5[%dma_wait3A_532, %dma_wait3A_543] : memref<2x32768xf32, #tpu.memory_space<vmem>> -> memref<1x32768xf32, #tpu.memory_space<vmem>>
    %dma_wait3A_545 = tpu.memref_squeeze %dma_wait3A_544 : memref<1x32768xf32, #tpu.memory_space<vmem>> -> memref<32768xf32, #tpu.memory_space<vmem>>
    tpu.wait_dma2 semaphore(%dma_wait3A_540 : memref<!tpu.dma_semaphore, #tpu.memory_space<semaphore_mem>>) src(%dma_wait3A_545 : memref<32768xf32, #tpu.memory_space<vmem>>) dst(%dma_wait3A_542 : memref<32768xf32, #tpu.memory_space<hbm>>)
    %dma_wait3A_546 = arith.constant 1 : i32
    %dma_wait3A_547 = arith.constant 1 : i32
    %dma_wait3A_548 = arith.constant 0 : i32
    %dma_wait3A_549 = tpu.memref_slice %arg5[%dma_wait3A_546, %dma_wait3A_548] : memref<2x32768xf32, #tpu.memory_space<vmem>> -> memref<1x32768xf32, #tpu.memory_space<vmem>>
    %dma_wait3A_550 = tpu.memref_squeeze %dma_wait3A_549 : memref<1x32768xf32, #tpu.memory_space<vmem>> -> memref<32768xf32, #tpu.memory_space<vmem>>
    %dma_wait3A_551 = arith.constant 0 : i32
    %dma_wait3A_552 = tpu.memref_slice %arg4[%dma_wait3A_551] : memref<8388608xf32, #tpu.memory_space<hbm>> -> memref<32768xf32, #tpu.memory_space<hbm>>
    %dma_wait3A_553 = tpu.memref_slice %arg9[%dma_wait3A_547] : memref<2x!tpu.dma_semaphore, #tpu.memory_space<semaphore_mem>> -> memref<1x!tpu.dma_semaphore, #tpu.memory_space<semaphore_mem>>
    %dma_wait3A_554 = tpu.memref_squeeze %dma_wait3A_553 : memref<1x!tpu.dma_semaphore, #tpu.memory_space<semaphore_mem>> -> memref<!tpu.dma_semaphore, #tpu.memory_space<semaphore_mem>>
    %dma_wait3A_555 = arith.constant 0 : i32
    %dma_wait3A_556 = tpu.memref_slice %arg4[%dma_wait3A_555] : memref<8388608xf32, #tpu.memory_space<hbm>> -> memref<32768xf32, #tpu.memory_space<hbm>>
    %dma_wait3A_557 = arith.constant 0 : i32
    %dma_wait3A_558 = tpu.memref_slice %arg5[%dma_wait3A_546, %dma_wait3A_557] : memref<2x32768xf32, #tpu.memory_space<vmem>> -> memref<1x32768xf32, #tpu.memory_space<vmem>>
    %dma_wait3A_559 = tpu.memref_squeeze %dma_wait3A_558 : memref<1x32768xf32, #tpu.memory_space<vmem>> -> memref<32768xf32, #tpu.memory_space<vmem>>
    tpu.wait_dma2 semaphore(%dma_wait3A_554 : memref<!tpu.dma_semaphore, #tpu.memory_space<semaphore_mem>>) src(%dma_wait3A_559 : memref<32768xf32, #tpu.memory_space<vmem>>) dst(%dma_wait3A_556 : memref<32768xf32, #tpu.memory_space<hbm>>)
    return
  }
}

</mosaic_0001>

<sc_bundles>
// kernel: kernel.3.cloned.1.call-start
scs
__scs_entry_jumppad:
0x0: {  	(pc) =	sbr.rel $0x88, $3  }
0x1: {  	(tag) =	ssettag $0x0;
	lr =	simm.s32 $0x1  }
0x2: {  	[smem:$0x3F9F] =	sst lr;
	_ =	strace $0xD0000000  }
0x3: {  	_ = 	snop  }
0x4: {  	_ = 	snop  }
0x5: {  	_ = 	snop  }
0x6: {  	_ = 	snop  }
0x7: {  	_ = 	snop  }
__scs_overlays_trampoline_lowered:
0x8: {  	[smem:$0x3FAE] =	sst s0  }
0x9: {  	[smem:$0x3FAF] =	sst s1  }
0xa: {  	[smem:$0x3FB0] =	sst s2  }
0xb: {  	[smem:$0x3FB1] =	sst s3  }
0xc: {  	[smem:$0x3FB2] =	sst s4  }
0xd: {  	[smem:$0x3FB3] =	sst s5  }
0xe: {  	[smem:$0x3FB4] =	sst s6  }
0xf: {  	[smem:$0x3FB5] =	sst s7  }
0x10: {  	[smem:$0x3FB6] =	sst s8  }
0x11: {  	[smem:$0x3FB7] =	sst s9;
	s0 =	simm.s32 @!p0 $0x0  }
0x12: {  	s1 =	sld [smem:$0x3F9D];
	s0 =	simm.s32 @p0 $0x1  }
0x13: {  	[smem:$0x3FB8] =	sst s0;
	s0 =	simm.s32 @!p1 $0x0  }
0x14: {  	s2 =	sld [smem:$0x3F9C];
	s0 =	simm.s32 @p1 $0x1  }
0x15: {  	[smem:$0x3FB9] =	sst s0;
	s0 =	simm.s32 @!p2 $0x0  }
0x16: {  	s3 =	sld [smem:$0x3FDB];
	s0 =	simm.s32 @p2 $0x1  }
0x17: {  	s4 =	simm.s32 $0x1BF5;
	[smem:$0x3FBB] =	sst s0  }
0x18: {  	s0 =	sld [smem:$0x3F9E];
	_ =	swait.ge [sflag:s4], $0x0  }
0x19: {  	s7 =	sld [smem:$0x3F9F]  }
0x1a: {  	s8 =	sadd.s32 $0xFFFFE003, lr  }
0x1b: {  	s9 =	sadd.s32 $0xFFFFFEF7, lr;
	s5 =	simm.s32 $0xFFFFFFFF;
	p2 =	slt.u32 s8, $0xFFFFF086  }
0x1c: {  	p1 =	slt.u32 s9, $0xF7A;
	s5 =	simm.s32 @!p2 $0x0  }
0x1d: {  	s5 =	simm.s32 @p1 $0x1;
	p0 =	seq.s32 s7, s2  }
0x1e: {  	s7 =	smul.u32 @!p0 $0xF7A, s2;
	p2 =	seq.s32 @!p0 s5, $0x0  }
0x1f: {  	s9 =	smul.u32 $0xF7A, s1;
	s8 =	simm.s32 @!p0 $0x1BF5;
	p2 =	por !p2, p0  }
0x20: {  	[sflag:s8] =	ssyncset.s32 @!p0 $0xFFFFF086;
	s6 =	sadd.s32 @!p0 s3, s7;
	s7 =	simm.s32 @!p0 $0x108  }
0x21: {  	s3 =	sadd.s32 s3, s9;
	s6 =	sadd.s32 @!p0 $0x88, s6;
	s7 =	simm.s32 @p2 $0x1082  }
0x22: {  	[simem:s7], [sflag:s8] =	dma.local @!p0 [hbm:s6], $0xF7A  }
0x23: {  	s9 =	sor.u32 $0xD0000000, s2;
	s6 =	simm.s32 $0x108;
	_ =	swait.ge @!p0 [sflag:s8], $0x0  }
0x24: {  	s3 =	sadd.s32 $0x88, s3;
	s6 =	simm.s32 @!p1 $0x1082;
	[sflag:s4] =	ssyncset.s32 $0xFFFFF086  }
0x25: {  	[simem:s6], [sflag:s4] =	dma.local [hbm:s3], $0xF7A  }
0x26: {  	[smem:$0x3F9F] =	sst s1;
	(tag) =	ssettag s2;
	_ =	strace s9  }
0x27: {  	s1 =	sld [smem:$0x3FAF]  }
0x28: {  	s2 =	sld [smem:$0x3FB0]  }
0x29: {  	s4 =	sld [smem:$0x3FB2]  }
0x2a: {  	p0 =	seq.s32 s5, $0x0;
	s5 =	sld [smem:$0x3FB3]  }
0x2b: {  	s6 =	sld [smem:$0x3FB4]  }
0x2c: {  	s7 =	sld [smem:$0x3FB5]  }
0x2d: {  	s3 =	simm.s32 $0x108;
	s8 =	sld [smem:$0x3FB6]  }
0x2e: {  	s3 =	simm.s32 @!p0 $0x1082;
	s9 =	sld [smem:$0x3FB7]  }
0x2f: {  	lr =	sadd.s32 s0, s3;
	s0 =	sld [smem:$0x3FAE]  }
0x30: {  	s3 =	sld [smem:$0x3FB1]  }
0x31: {  	[smem:$0x3FBA] =	sst s10  }
0x32: {  	s10 =	sld [smem:$0x3FB8];
	_ =	sdelay $0x3  }
0x33: {  	p0 =	seq.s32 s10, $0x1;
	s10 =	sld [smem:$0x3FBA];
	_ =	sdelay $0x3  }
0x34: {  	[smem:$0x3FBA] =	sst s10  }
0x35: {  	s10 =	sld [smem:$0x3FB9];
	_ =	sdelay $0x3  }
0x36: {  	p1 =	seq.s32 s10, $0x1;
	s10 =	sld [smem:$0x3FBA];
	_ =	sdelay $0x3  }
0x37: {  	[smem:$0x3FBA] =	sst s10  }
0x38: {  	s10 =	sld [smem:$0x3FBB]  }
0x39: {  	_ = 	snop;
	(pc) =	sbr.ind lr, $3  }
0x3a: {  	_ = 	snop  }
0x3b: {  	_ = 	snop  }
0x3c: {  	p2 =	seq.s32 s10, $0x1;
	s10 =	sld [smem:$0x3FBA]  }
0x3d: {  	_ =	shalt  }
0x3e: {  	_ =	shalt  }
0x3f: {  	_ =	shalt  }
0x40: {  	_ =	shalt  }
0x41: {  	_ =	shalt  }
0x42: {  	_ =	shalt  }
0x43: {  	_ =	shalt  }
0x44: {  	_ =	shalt  }
0x45: {  	_ =	shalt  }
0x46: {  	_ =	shalt  }
0x47: {  	_ =	shalt  }
0x48: {  	_ =	shalt  }
0x49: {  	_ =	shalt  }
0x4a: {  	_ =	shalt  }
0x4b: {  	_ =	shalt  }
0x4c: {  	_ =	shalt  }
0x4d: {  	_ =	shalt  }
0x4e: {  	_ =	shalt  }
0x4f: {  	_ =	shalt  }
0x50: {  	_ =	shalt  }
0x51: {  	_ =	shalt  }
0x52: {  	_ =	shalt  }
0x53: {  	_ =	shalt  }
0x54: {  	_ =	shalt  }
0x55: {  	_ =	shalt  }
0x56: {  	_ =	shalt  }
0x57: {  	_ =	shalt  }
0x58: {  	_ =	shalt  }
0x59: {  	_ =	shalt  }
0x5a: {  	_ =	shalt  }
0x5b: {  	_ =	shalt  }
0x5c: {  	_ =	shalt  }
0x5d: {  	_ =	shalt  }
0x5e: {  	_ =	shalt  }
0x5f: {  	_ =	shalt  }
0x60: {  	_ =	shalt  }
0x61: {  	_ =	shalt  }
0x62: {  	_ =	shalt  }
0x63: {  	_ =	shalt  }
0x64: {  	_ =	shalt  }
0x65: {  	_ =	shalt  }
0x66: {  	_ =	shalt  }
0x67: {  	_ =	shalt  }
0x68: {  	_ =	shalt  }
0x69: {  	_ =	shalt  }
0x6a: {  	_ =	shalt  }
0x6b: {  	_ =	shalt  }
0x6c: {  	_ =	shalt  }
0x6d: {  	_ =	shalt  }
0x6e: {  	_ =	shalt  }
0x6f: {  	_ =	shalt  }
0x70: {  	_ =	shalt  }
0x71: {  	_ =	shalt  }
0x72: {  	_ =	shalt  }
0x73: {  	_ =	shalt  }
0x74: {  	_ =	shalt  }
0x75: {  	_ =	shalt  }
0x76: {  	_ =	shalt  }
0x77: {  	_ =	shalt  }
0x78: {  	_ =	shalt  }
0x79: {  	_ =	shalt  }
0x7a: {  	_ =	shalt  }
0x7b: {  	_ =	shalt  }
0x7c: {  	_ =	shalt  }
0x7d: {  	_ =	shalt  }
0x7e: {  	_ =	shalt  }
0x7f: {  	_ =	shalt  }
0x80: {  	_ =	shalt  }
0x81: {  	_ =	shalt  }
0x82: {  	_ =	shalt  }
0x83: {  	_ =	shalt  }
0x84: {  	_ =	shalt  }
0x85: {  	_ =	shalt  }
0x86: {  	_ =	shalt  }
0x87: {  	_ =	shalt  }
.Lfunc_end0:
.L_simem_size_0:
called_computation.1_lowered:
.L_overlay_start_0:
0x88: {  	s2 =	sld [smem:$0x3FD9]  }
0x89: {  	s3 =	sld [smem:$0x3FFE];
	_ =	sdelay $0x1  }
0x8a: {  	s1 =	srdreg.scid  }
0x8b: {  	s0 =	sand.u32 $0x1, s1  }
0x8c: {  	s17 =	sshll.u32 s0, $0xA;
	s2 =	sadd.s32 s3, s2  }
0x8d: {  	s2 =	sadd.s32 s2, s17  }
0x8e: {  	[smem:$0x3FC6] =	sst s2  }
0x8f: {  	_ = 	snop  }
0x90: {  	s2 =	sld [smem:$0x3FD0];
	(tm) =	ssettm $0x1  }
0x91: {  	s18 =	sld [smem:$0x3FFB];
	_ =	sdelay $0x3  }
0x92: {  	_ =	strace s18  }
0x93: {  	s3 =	sld [smem:$0x3FFC];
	_ =	sdelay $0x3  }
0x94: {  	_ =	strace s3  }
0x95: {  	s3 =	sld [smem:$0x3FFD];
	_ =	sdelay $0x3  }
0x96: {  	_ =	strace s3  }
0x97: {  	_ =	strace $0x8FFFFFFF  }
0x98: {  	s19 =	sld [smem:$0x3FDB];
	_ =	sdelay $0x1  }
0x99: {  	s4 =	simm.s32 $_scs_section_size  }
0x9a: {  	s5 =	simm.s32 $_size__tile_overlayer_lowered;
	s6 =	simm.s32 $_tile_overlayer_lowered  }
0x9b: {  	s22 =	simm.s32 $0x1BFF;
	s21 =	sshll.u32 s6, $0x1;
	s3 =	sadd.s32 s4, s19  }
0x9c: {  	s7 =	simm.s32 $0x0;
	s20 =	sshll.u32 s5, $0x1;
	s5 =	sadd.s32 s21, s3  }
0x9d: {  	[timem:s7], [sflag:s22] =	dma.local [hbm:s5], s20  }
0x9e: {  	_ =	swait.ge [sflag:s22], s20  }
0x9f: {  	s4 =	ssub.s32 $0x0, s20;
	[sflag:s22] =	ssyncset.done $0x0  }
0xa0: {  	[sflag:s22] =	ssyncadd.s32 s4;
	_ =	sdelay $0x1  }
0xa1: {  	s23 =	simm.s32 $0x1B8B  }
0xa2: {  	_ =	swait.ge [sflag:s23], $0x1  }
0xa3: {  	[sflag:s23] =	ssyncset.done $0x0  }
0xa4: {  	s25 =	simm.s32 $0x1B8E;
	s24 =	sld [smem:$0x3FFE];
	[sflag:s23] =	ssyncadd.s32 $0xFFFFFFFF  }
0xa5: {  	s26 =	simm.s32 $execute0_lowered;
	[smem:$0x3FD2] =	sst s25  }
0xa6: {  	s5 =	sshll.u32 s26, $0x1;
	_ =	strace $0x80000049;
	[dreg:$0x1] =	wrdreg $0xFFFFFFFF  }
0xa7: {  	s28 =	simm.s32 $_size_execute0_lowered;
	s3 =	sadd.s32 s3, s5;
	[dreg:$0x0] =	wrdreg $0x0  }
0xa8: {  	s5 =	sshll.u32 s28, $0x1;
	[dreg:$0x2] =	wrdreg s3  }
0xa9: {  	[dreg:$0x3] =	wrdreg s5  }
0xaa: {  	[dreg:$0x4] =	wrdreg $0xC0  }
0xab: {  	_ =	task [dreg:s7], $0x5FFFF  }
0xac: {  	[dreg:$0x1] =	wrdreg $0xFFFFFFFF  }
0xad: {  	[dreg:$0x0] =	wrdreg $0x60  }
0xae: {  	[dreg:$0x2] =	wrdreg s2  }
0xaf: {  	[dreg:$0x3] =	wrdreg s24  }
0xb0: {  	[dreg:$0x4] =	wrdreg $0x9  }
0xb1: {  	_ =	task.clear_ibuf [dreg:s7], $0x5FFFF;
	_ =	strace $0x90000049  }
0xb2: {  	s29 =	simm.s32 $0x9;
	_ =	strace $0x8000004B  }
0xb3: {  	_ =	swait.ge [sflag:s29], $0x1  }
0xb4: {  	[sflag:s29] =	ssyncadd.s32 $0xFFFFFFFF  }
0xb5: {  	_ =	strace $0x9000004B  }
0xb6: {  	_ =	sfence  }
0xb7: {  	s30 =	sld [smem:$0x0];
	_ =	sdelay $0x2  }
0xb8: {  	s31 =	sshll.u32 s1, $0xD;
	s1 =	sshrl.u32 s1, $0x2  }
0xb9: {  	s3 =	sand.u32 $0x4000, s31;
	s1 =	sadd.s32 s1, s30  }
0xba: {  	s0 =	sor.u32 s3, s0;
	s1 =	sshll.u32 s1, $0x11  }
0xbb: {  	s0 =	sor.u32 s1, s0  }
0xbc: {  	s0 =	sadd.s32 $0x8F2B, s0  }
0xbd: {  	[sflag:s0] =	ssyncadd.remote.s32 $0x1  }
0xbe: {  	_ =	sfence.sel $0xFFFF  }
0xbf: {  	[dreg:$0x0] =	wrdreg $0xFFFFFFFF;
	(pc) =	sbr.abs _section_cstart, $3  }
0xc0: {  	[dreg:$0x1] =	wrdreg $0xFFFFFFFF  }
0xc1: {  	_ =	task.clear_ibuf [dreg:s7], $0x2FFFF;
	_ =	strace $0x9FFFFFFF  }
0xc2: {  	(tm) =	ssettm $0x7FFFFFFF  }
0xc3: {  	_ =	shalt  }
tec
execute0_lowered:
.L_overlay_start_1:
0x0: {  	(tag) =	ssettag $0x1  }
0x1: {  	s0 =	rddreg [dreg:$0x0]  }
0x2: {  	s2 =	rddreg [dreg:$0x1];
	s1 =	simm.s32 $0x0;
	s3 =	srdreg.scid  }
0x3: {  	s6 =	stileid.u32;
	s22 =	simm.s32 $0x10000;
	s23 =	simm.s32 $0x1  }
0x4: {  	s24 =	simm.s32 $0x3;
	s25 =	simm.s32 $0x4;
	s26 =	simm.s32 $0x2  }
0x5: {  	s28 =	simm.s32 $0x5;
	s29 =	simm.s32 $0x0;
	[smem:$0x7FF] =	sst s1  }
0x6: {  	s3 =	sand.u32 $0x1, s3;
	s12 =	sadd.s32 $0xA00, s2;
	s6 =	sshll.u32 s6, $0xE  }
0x7: {  	s2 =	sadd.s32 $0x40A00, s2;
	s4 =	ssub.s32 $0x2, s3;
	s3 =	sshll.u32 s3, $0xD  }
0x8: {  	_ =	strace $0x8000004A;
	s5 =	sshrl.u32 s4, $0x1;
	s17 =	sor.u32 s3, s6  }
0x9: {  	s21 =	ssub.s32 s4, s5;
	s3 =	sadd.s32 s12, s17;
	s4 =	sadd.s32 s0, s17  }
0xa: {  	s8 =	sor.u32 $0x40000, s17;
	s6 =	sadd.s32 s2, s17;
	s10 =	sor.u32 $0x80000, s17  }
0xb: {  	s13 =	sor.u32 $0xC0000, s17;
	s15 =	sor.u32 $0x1000, s17;
	s18 =	sor.u32 $0x41000, s17  }
0xc: {  	s19 =	sor.u32 $0x81000, s17;
	s20 =	sor.u32 $0xC1000, s17;
	s5 =	sadd.s32 s0, s8  }
0xd: {  	s7 =	sadd.s32 s0, s10;
	s8 =	sadd.s32 s2, s8;
	s9 =	sadd.s32 s0, s13  }
0xe: {  	s10 =	sadd.s32 s2, s10;
	s11 =	sadd.s32 s0, s15;
	s12 =	sadd.s32 s12, s15  }
0xf: {  	s13 =	sadd.s32 s2, s13;
	s14 =	sadd.s32 s0, s18;
	s15 =	sadd.s32 s2, s15  }
0x10: {  	s16 =	sadd.s32 s0, s19;
	s17 =	sadd.s32 s2, s18;
	s18 =	sadd.s32 s0, s20  }
0x11: {  	s19 =	sadd.s32 s2, s19;
	s20 =	sadd.s32 s2, s20;
	s21 =	smax.u32 s21, $0x1  }
.LBB2_1:
0x12: {  	[tilespmem:s22], [sflag:$0x3] =	stream.linear.gather [hbm4b:s3+s1], $0x8000, $0x38;
	[tilespmem:$0x18000] =	vst v63  }
0x13: {  	s0 =	simm.s32 $0x10  }
0x14: {  	s31 =	sadd.s32 $0x0, s4;
	s2 =	simm.s32 $0x100;
	s30 =	simm.s32 $0x0  }
.LBB2_2:
0x15: {  	[tilespmem:s30], [sflag:$0x1] =	stream.linear.gather [hbm4b:s31+s1], $0x80, $0x38;
	[tilespmem:$0x18000] =	vst v63  }
0x16: {  	s31 =	smov.u32 s0;
	s30 =	smov.u32 s2;
	p0 =	sne.s32 s0, $0xFF0  }
.Ltmp0:
0x17: {  	s0 =	sadd.s32 $0x10, s0;
	(pc) =	sbr.rel @p0 .LBB2_2-.Ltmp0, $2  }
0x18: {  	_ =	sdelay $0x2  }
0x19: {  	s2 =	sadd.s32 $0x100, s2;
	s31 =	sadd.s32 s31, s4  }
0x1a: {  	[tilespmem:s30], [sflag:$0x1] =	stream.linear.gather [hbm4b:s31+s1], $0x80, $0x38;
	[tilespmem:$0x18000] =	vst v63  }
0x1b: {  	s0 =	simm.s32 $0x80  }
0x1c: {  	s2 =	simm.s32 $0x10;
	s31 =	sadd.s32 $0x0, s5;
	s30 =	simm.s32 $0x180  }
.LBB2_4:
0x1d: {  	[tilespmem:s0], [sflag:$0x2] =	stream.linear.gather [hbm4b:s31+s1], $0x80, $0x38;
	[tilespmem:$0x18000] =	vst v63  }
0x1e: {  	s31 =	smov.u32 s2;
	s0 =	smov.u32 s30;
	p0 =	sne.s32 s2, $0xFF0  }
.Ltmp1:
0x1f: {  	s2 =	sadd.s32 $0x10, s2;
	(pc) =	sbr.rel @p0 .LBB2_4-.Ltmp1, $2  }
0x20: {  	_ =	sdelay $0x2  }
0x21: {  	s30 =	sadd.s32 $0x100, s30;
	s31 =	sadd.s32 s31, s5  }
0x22: {  	[tilespmem:s0], [sflag:$0x2] =	stream.linear.gather [hbm4b:s31+s1], $0x80, $0x38;
	[tilespmem:$0x18000] =	vst v63  }
0x23: {  	_ =	swait.ge [sflag:s23], $0x8000  }
0x24: {  	[sflag:s23] =	ssyncset.done $0x0  }
0x25: {  	[sflag:s23] =	ssyncadd.s32 $0xFFFF8000  }
0x26: {  	_ =	swait.ge [sflag:s24], $0x8000  }
0x27: {  	[sflag:s24] =	ssyncset.done $0x0  }
0x28: {  	s30 =	simm.s32 $0x40;
	[sflag:s24] =	ssyncadd.s32 $0xFFFF8000  }
0x29: {  	s31 =	simm.s32 $0x10040;
	v0 =	vld [tilespmem:s30+$0xFFFFFFC0]  }
0x2a: {  	v1 =	vld [tilespmem:s31+$0xFFFFFFC0];
	_ =	sdelay $0x4  }
0x2b: {  	v0 =	vadd.f32 v1, v0;
	_ =	sdelay $0x1  }
0x2c: {  	[tilespmem:s30+$0xFFFFFFC0] =	vst v0;
	v0 =	vld [tilespmem:s30+$0xFFFFFFD0]  }
0x2d: {  	v1 =	vld [tilespmem:s31+$0xFFFFFFD0];
	_ =	sdelay $0x4  }
0x2e: {  	v0 =	vadd.f32 v1, v0;
	_ =	sdelay $0x1  }
0x2f: {  	[tilespmem:s30+$0xFFFFFFD0] =	vst v0;
	v0 =	vld [tilespmem:s30+$0xFFFFFFE0]  }
0x30: {  	v1 =	vld [tilespmem:s31+$0xFFFFFFE0];
	_ =	sdelay $0x4  }
0x31: {  	v0 =	vadd.f32 v1, v0;
	_ =	sdelay $0x1  }
0x32: {  	[tilespmem:s30+$0xFFFFFFE0] =	vst v0;
	v0 =	vld [tilespmem:s30+$0xFFFFFFF0]  }
0x33: {  	v1 =	vld [tilespmem:s31+$0xFFFFFFF0];
	_ =	sdelay $0x4  }
0x34: {  	v0 =	vadd.f32 v1, v0;
	_ =	sdelay $0x1  }
0x35: {  	[tilespmem:s30+$0xFFFFFFF0] =	vst v0;
	v0 =	vld [tilespmem:s30+$0x0]  }
0x36: {  	v1 =	vld [tilespmem:s31+$0x0];
	_ =	sdelay $0x4  }
0x37: {  	v0 =	vadd.f32 v1, v0;
	_ =	sdelay $0x1  }
0x38: {  	[tilespmem:s30+$0x0] =	vst v0;
	v0 =	vld [tilespmem:s30+$0x10]  }
0x39: {  	v1 =	vld [tilespmem:s31+$0x10];
	_ =	sdelay $0x4  }
0x3a: {  	v0 =	vadd.f32 v1, v0;
	_ =	sdelay $0x1  }
0x3b: {  	[tilespmem:s30+$0x10] =	vst v0;
	v0 =	vld [tilespmem:s30+$0x20]  }
0x3c: {  	v1 =	vld [tilespmem:s31+$0x20];
	_ =	sdelay $0x4  }
0x3d: {  	v0 =	vadd.f32 v1, v0;
	_ =	sdelay $0x1  }
0x3e: {  	[tilespmem:s30+$0x20] =	vst v0;
	v0 =	vld [tilespmem:s30+$0x30]  }
0x3f: {  	v1 =	vld [tilespmem:s31+$0x30];
	_ =	sdelay $0x4  }
0x40: {  	v0 =	vadd.f32 v1, v0  }
0x41: {  	s0 =	simm.s32 $0x0;
	s2 =	simm.s32 $0x140  }
.LBB2_6:
0x42: {  	v1 =	vld [tilespmem:s2+$0xFFFFFFC0];
	[tilespmem:s30+$0x30] =	vst v0;
	s31 =	sadd.s32 $0x80, s31;
	s30 =	smov.u32 s2  }
0x43: {  	s0 =	sadd.s32 $0x8, s0;
	v0 =	vld [tilespmem:s31+$0xFFFFFFC0]  }
0x44: {  	p0 =	slt.u32 s0, $0x7F8;
	_ =	sdelay $0x3  }
0x45: {  	v0 =	vadd.f32 v0, v1;
	_ =	sdelay $0x1  }
0x46: {  	[tilespmem:s2+$0xFFFFFFC0] =	vst v0;
	v0 =	vld [tilespmem:s2+$0xFFFFFFD0]  }
0x47: {  	v1 =	vld [tilespmem:s31+$0xFFFFFFD0];
	_ =	sdelay $0x4  }
0x48: {  	v0 =	vadd.f32 v1, v0;
	_ =	sdelay $0x1  }
0x49: {  	[tilespmem:s2+$0xFFFFFFD0] =	vst v0;
	v0 =	vld [tilespmem:s2+$0xFFFFFFE0]  }
0x4a: {  	v1 =	vld [tilespmem:s31+$0xFFFFFFE0];
	_ =	sdelay $0x4  }
0x4b: {  	v0 =	vadd.f32 v1, v0;
	_ =	sdelay $0x1  }
0x4c: {  	[tilespmem:s2+$0xFFFFFFE0] =	vst v0;
	v0 =	vld [tilespmem:s2+$0xFFFFFFF0]  }
0x4d: {  	v1 =	vld [tilespmem:s31+$0xFFFFFFF0];
	_ =	sdelay $0x4  }
0x4e: {  	v0 =	vadd.f32 v1, v0;
	_ =	sdelay $0x1  }
0x4f: {  	[tilespmem:s2+$0xFFFFFFF0] =	vst v0;
	v0 =	vld [tilespmem:s2+$0x0]  }
0x50: {  	v1 =	vld [tilespmem:s31+$0x0];
	_ =	sdelay $0x4  }
0x51: {  	v0 =	vadd.f32 v1, v0;
	_ =	sdelay $0x1  }
0x52: {  	[tilespmem:s2+$0x0] =	vst v0;
	v0 =	vld [tilespmem:s2+$0x10]  }
0x53: {  	v1 =	vld [tilespmem:s31+$0x10];
	_ =	sdelay $0x4  }
0x54: {  	v0 =	vadd.f32 v1, v0;
	_ =	sdelay $0x1  }
0x55: {  	[tilespmem:s2+$0x10] =	vst v0;
	v0 =	vld [tilespmem:s2+$0x20]  }
0x56: {  	v1 =	vld [tilespmem:s31+$0x20];
	_ =	sdelay $0x4  }
0x57: {  	v0 =	vadd.f32 v1, v0;
	_ =	sdelay $0x1  }
0x58: {  	[tilespmem:s2+$0x20] =	vst v0;
	v0 =	vld [tilespmem:s2+$0x30]  }
0x59: {  	v1 =	vld [tilespmem:s31+$0x30];
	_ =	sdelay $0x1  }
.Ltmp2:
0x5a: {  	(pc) =	sbr.rel @p0 .LBB2_6-.Ltmp2, $3  }
0x5b: {  	_ =	sdelay $0x1  }
0x5c: {  	v0 =	vadd.f32 v1, v0  }
0x5d: {  	s2 =	sadd.s32 $0x100, s2  }
0x5e: {  	s0 =	simm.s32 $0x0  }
0x5f: {  	[tilespmem:s30+$0x30] =	vst v0;
	s2 =	simm.s32 $0x10;
	s31 =	sadd.s32 $0x0, s6;
	s30 =	simm.s32 $0x100  }
.LBB2_8:
0x60: {  	[hbm4b:s31+s1] =	stream.linear.scatter [tilespmem:s0], [sflag:$0x4], $0x80, $0x38;
	[tilespmem:$0x18000] =	vst v63  }
0x61: {  	s31 =	smov.u32 s2;
	s0 =	smov.u32 s30;
	p0 =	sne.s32 s2, $0xFF0  }
.Ltmp3:
0x62: {  	s2 =	sadd.s32 $0x10, s2;
	(pc) =	sbr.rel @p0 .LBB2_8-.Ltmp3, $2  }
0x63: {  	_ =	sdelay $0x2  }
0x64: {  	s30 =	sadd.s32 $0x100, s30;
	s31 =	sadd.s32 s31, s6  }
0x65: {  	[hbm4b:s31+s1] =	stream.linear.scatter [tilespmem:s0], [sflag:$0x4], $0x80, $0x38;
	[tilespmem:$0x18000] =	vst v63  }
0x66: {  	_ =	swait.ge [sflag:s25], $0x8000  }
0x67: {  	s0 =	simm.s32 $0x0;
	s2 =	simm.s32 $0x10;
	[sflag:s25] =	ssyncset.done $0x0  }
0x68: {  	s31 =	sadd.s32 $0x0, s7;
	s30 =	simm.s32 $0x100;
	[sflag:s25] =	ssyncadd.s32 $0xFFFF8000  }
.LBB2_10:
0x69: {  	[tilespmem:s0], [sflag:$0x1] =	stream.linear.gather [hbm4b:s31+s1], $0x80, $0x38;
	[tilespmem:$0x18000] =	vst v63  }
0x6a: {  	s31 =	smov.u32 s2;
	s0 =	smov.u32 s30;
	p0 =	sne.s32 s2, $0xFF0  }
.Ltmp4:
0x6b: {  	s2 =	sadd.s32 $0x10, s2;
	(pc) =	sbr.rel @p0 .LBB2_10-.Ltmp4, $2  }
0x6c: {  	_ =	sdelay $0x2  }
0x6d: {  	s30 =	sadd.s32 $0x100, s30;
	s31 =	sadd.s32 s31, s7  }
0x6e: {  	[tilespmem:s0], [sflag:$0x1] =	stream.linear.gather [hbm4b:s31+s1], $0x80, $0x38;
	[tilespmem:$0x18000] =	vst v63  }
0x6f: {  	_ =	swait.ge [sflag:s26], $0x8000  }
0x70: {  	[sflag:s26] =	ssyncset.done $0x0  }
0x71: {  	s30 =	simm.s32 $0xF0;
	[sflag:s26] =	ssyncadd.s32 $0xFFFF8000  }
0x72: {  	s31 =	simm.s32 $0x10040;
	v0 =	vld [tilespmem:s30+$0xFFFFFF90]  }
0x73: {  	v1 =	vld [tilespmem:s31+$0xFFFFFFC0];
	_ =	sdelay $0x4  }
0x74: {  	v0 =	vadd.f32 v1, v0;
	_ =	sdelay $0x1  }
0x75: {  	[tilespmem:s30+$0xFFFFFF90] =	vst v0;
	v0 =	vld [tilespmem:s30+$0xFFFFFFA0]  }
0x76: {  	v1 =	vld [tilespmem:s31+$0xFFFFFFD0];
	_ =	sdelay $0x4  }
0x77: {  	v0 =	vadd.f32 v1, v0;
	_ =	sdelay $0x1  }
0x78: {  	[tilespmem:s30+$0xFFFFFFA0] =	vst v0;
	v0 =	vld [tilespmem:s30+$0xFFFFFFB0]  }
0x79: {  	v1 =	vld [tilespmem:s31+$0xFFFFFFE0];
	_ =	sdelay $0x4  }
0x7a: {  	v0 =	vadd.f32 v1, v0;
	_ =	sdelay $0x1  }
0x7b: {  	[tilespmem:s30+$0xFFFFFFB0] =	vst v0;
	v0 =	vld [tilespmem:s30+$0xFFFFFFC0]  }
0x7c: {  	v1 =	vld [tilespmem:s31+$0xFFFFFFF0];
	_ =	sdelay $0x4  }
0x7d: {  	v0 =	vadd.f32 v1, v0;
	_ =	sdelay $0x1  }
0x7e: {  	[tilespmem:s30+$0xFFFFFFC0] =	vst v0;
	v0 =	vld [tilespmem:s30+$0xFFFFFFD0]  }
0x7f: {  	v1 =	vld [tilespmem:s31+$0x0];
	_ =	sdelay $0x4  }
0x80: {  	v0 =	vadd.f32 v1, v0;
	_ =	sdelay $0x1  }
0x81: {  	[tilespmem:s30+$0xFFFFFFD0] =	vst v0;
	v0 =	vld [tilespmem:s30+$0xFFFFFFE0]  }
0x82: {  	v1 =	vld [tilespmem:s31+$0x10];
	_ =	sdelay $0x4  }
0x83: {  	v0 =	vadd.f32 v1, v0;
	_ =	sdelay $0x1  }
0x84: {  	[tilespmem:s30+$0xFFFFFFE0] =	vst v0;
	v0 =	vld [tilespmem:s30+$0xFFFFFFF0]  }
0x85: {  	v1 =	vld [tilespmem:s31+$0x20];
	_ =	sdelay $0x4  }
0x86: {  	v0 =	vadd.f32 v1, v0;
	_ =	sdelay $0x1  }
0x87: {  	[tilespmem:s30+$0xFFFFFFF0] =	vst v0;
	v0 =	vld [tilespmem:s30+$0x0]  }
0x88: {  	v1 =	vld [tilespmem:s31+$0x30];
	_ =	sdelay $0x4  }
0x89: {  	v0 =	vadd.f32 v1, v0  }
0x8a: {  	s0 =	simm.s32 $0x0;
	s2 =	simm.s32 $0x1F0  }
.LBB2_12:
0x8b: {  	v1 =	vld [tilespmem:s2+$0xFFFFFF90];
	[tilespmem:s30+$0x0] =	vst v0;
	s31 =	sadd.s32 $0x80, s31;
	s30 =	smov.u32 s2  }
0x8c: {  	s0 =	sadd.s32 $0x8, s0;
	v0 =	vld [tilespmem:s31+$0xFFFFFFC0]  }
0x8d: {  	p0 =	slt.u32 s0, $0x7F8;
	_ =	sdelay $0x3  }
0x8e: {  	v0 =	vadd.f32 v0, v1;
	_ =	sdelay $0x1  }
0x8f: {  	[tilespmem:s2+$0xFFFFFF90] =	vst v0;
	v0 =	vld [tilespmem:s2+$0xFFFFFFA0]  }
0x90: {  	v1 =	vld [tilespmem:s31+$0xFFFFFFD0];
	_ =	sdelay $0x4  }
0x91: {  	v0 =	vadd.f32 v1, v0;
	_ =	sdelay $0x1  }
0x92: {  	[tilespmem:s2+$0xFFFFFFA0] =	vst v0;
	v0 =	vld [tilespmem:s2+$0xFFFFFFB0]  }
0x93: {  	v1 =	vld [tilespmem:s31+$0xFFFFFFE0];
	_ =	sdelay $0x4  }
0x94: {  	v0 =	vadd.f32 v1, v0;
	_ =	sdelay $0x1  }
0x95: {  	[tilespmem:s2+$0xFFFFFFB0] =	vst v0;
	v0 =	vld [tilespmem:s2+$0xFFFFFFC0]  }
0x96: {  	v1 =	vld [tilespmem:s31+$0xFFFFFFF0];
	_ =	sdelay $0x4  }
0x97: {  	v0 =	vadd.f32 v1, v0;
	_ =	sdelay $0x1  }
0x98: {  	[tilespmem:s2+$0xFFFFFFC0] =	vst v0;
	v0 =	vld [tilespmem:s2+$0xFFFFFFD0]  }
0x99: {  	v1 =	vld [tilespmem:s31+$0x0];
	_ =	sdelay $0x4  }
0x9a: {  	v0 =	vadd.f32 v1, v0;
	_ =	sdelay $0x1  }
0x9b: {  	[tilespmem:s2+$0xFFFFFFD0] =	vst v0;
	v0 =	vld [tilespmem:s2+$0xFFFFFFE0]  }
0x9c: {  	v1 =	vld [tilespmem:s31+$0x10];
	_ =	sdelay $0x4  }
0x9d: {  	v0 =	vadd.f32 v1, v0;
	_ =	sdelay $0x1  }
0x9e: {  	[tilespmem:s2+$0xFFFFFFE0] =	vst v0;
	v0 =	vld [tilespmem:s2+$0xFFFFFFF0]  }
0x9f: {  	v1 =	vld [tilespmem:s31+$0x20];
	_ =	sdelay $0x4  }
0xa0: {  	v0 =	vadd.f32 v1, v0;
	_ =	sdelay $0x1  }
0xa1: {  	[tilespmem:s2+$0xFFFFFFF0] =	vst v0;
	v0 =	vld [tilespmem:s2+$0x0]  }
0xa2: {  	v1 =	vld [tilespmem:s31+$0x30];
	_ =	sdelay $0x1  }
.Ltmp5:
0xa3: {  	(pc) =	sbr.rel @p0 .LBB2_12-.Ltmp5, $3  }
0xa4: {  	_ =	sdelay $0x1  }
0xa5: {  	v0 =	vadd.f32 v1, v0  }
0xa6: {  	s2 =	sadd.s32 $0x100, s2  }
0xa7: {  	s0 =	simm.s32 $0x80  }
0xa8: {  	[tilespmem:s30+$0x0] =	vst v0;
	s2 =	simm.s32 $0x10;
	s31 =	sadd.s32 $0x0, s8;
	s30 =	simm.s32 $0x180  }
.LBB2_14:
0xa9: {  	[hbm4b:s31+s1] =	stream.linear.scatter [tilespmem:s0], [sflag:$0x5], $0x80, $0x38;
	[tilespmem:$0x18000] =	vst v63  }
0xaa: {  	s31 =	smov.u32 s2;
	s0 =	smov.u32 s30;
	p0 =	sne.s32 s2, $0xFF0  }
.Ltmp6:
0xab: {  	s2 =	sadd.s32 $0x10, s2;
	(pc) =	sbr.rel @p0 .LBB2_14-.Ltmp6, $2  }
0xac: {  	_ =	sdelay $0x2  }
0xad: {  	s30 =	sadd.s32 $0x100, s30;
	s31 =	sadd.s32 s31, s8  }
0xae: {  	[hbm4b:s31+s1] =	stream.linear.scatter [tilespmem:s0], [sflag:$0x5], $0x80, $0x38;
	[tilespmem:$0x18000] =	vst v63  }
0xaf: {  	_ =	swait.ge [sflag:s28], $0x8000  }
0xb0: {  	s0 =	simm.s32 $0x80;
	s2 =	simm.s32 $0x10;
	[sflag:s28] =	ssyncset.done $0x0  }
0xb1: {  	s31 =	sadd.s32 $0x0, s9;
	s30 =	simm.s32 $0x180;
	[sflag:s28] =	ssyncadd.s32 $0xFFFF8000  }
.LBB2_16:
0xb2: {  	[tilespmem:s0], [sflag:$0x2] =	stream.linear.gather [hbm4b:s31+s1], $0x80, $0x38;
	[tilespmem:$0x18000] =	vst v63  }
0xb3: {  	s31 =	smov.u32 s2;
	s0 =	smov.u32 s30;
	p0 =	sne.s32 s2, $0xFF0  }
.Ltmp7:
0xb4: {  	s2 =	sadd.s32 $0x10, s2;
	(pc) =	sbr.rel @p0 .LBB2_16-.Ltmp7, $2  }
0xb5: {  	_ =	sdelay $0x2  }
0xb6: {  	s30 =	sadd.s32 $0x100, s30;
	s31 =	sadd.s32 s31, s9  }
0xb7: {  	[tilespmem:s0], [sflag:$0x2] =	stream.linear.gather [hbm4b:s31+s1], $0x80, $0x38;
	[tilespmem:$0x18000] =	vst v63  }
0xb8: {  	_ =	swait.ge [sflag:s23], $0x8000  }
0xb9: {  	[sflag:s23] =	ssyncset.done $0x0  }
0xba: {  	s30 =	simm.s32 $0x40;
	[sflag:s23] =	ssyncadd.s32 $0xFFFF8000  }
0xbb: {  	s31 =	simm.s32 $0x10040;
	v0 =	vld [tilespmem:s30+$0xFFFFFFC0]  }
0xbc: {  	v1 =	vld [tilespmem:s31+$0xFFFFFFC0];
	_ =	sdelay $0x4  }
0xbd: {  	v0 =	vadd.f32 v1, v0;
	_ =	sdelay $0x1  }
0xbe: {  	[tilespmem:s30+$0xFFFFFFC0] =	vst v0;
	v0 =	vld [tilespmem:s30+$0xFFFFFFD0]  }
0xbf: {  	v1 =	vld [tilespmem:s31+$0xFFFFFFD0];
	_ =	sdelay $0x4  }
0xc0: {  	v0 =	vadd.f32 v1, v0;
	_ =	sdelay $0x1  }
0xc1: {  	[tilespmem:s30+$0xFFFFFFD0] =	vst v0;
	v0 =	vld [tilespmem:s30+$0xFFFFFFE0]  }
0xc2: {  	v1 =	vld [tilespmem:s31+$0xFFFFFFE0];
	_ =	sdelay $0x4  }
0xc3: {  	v0 =	vadd.f32 v1, v0;
	_ =	sdelay $0x1  }
0xc4: {  	[tilespmem:s30+$0xFFFFFFE0] =	vst v0;
	v0 =	vld [tilespmem:s30+$0xFFFFFFF0]  }
0xc5: {  	v1 =	vld [tilespmem:s31+$0xFFFFFFF0];
	_ =	sdelay $0x4  }
0xc6: {  	v0 =	vadd.f32 v1, v0;
	_ =	sdelay $0x1  }
0xc7: {  	[tilespmem:s30+$0xFFFFFFF0] =	vst v0;
	v0 =	vld [tilespmem:s30+$0x0]  }
0xc8: {  	v1 =	vld [tilespmem:s31+$0x0];
	_ =	sdelay $0x4  }
0xc9: {  	v0 =	vadd.f32 v1, v0;
	_ =	sdelay $0x1  }
0xca: {  	[tilespmem:s30+$0x0] =	vst v0;
	v0 =	vld [tilespmem:s30+$0x10]  }
0xcb: {  	v1 =	vld [tilespmem:s31+$0x10];
	_ =	sdelay $0x4  }
0xcc: {  	v0 =	vadd.f32 v1, v0;
	_ =	sdelay $0x1  }
0xcd: {  	[tilespmem:s30+$0x10] =	vst v0;
	v0 =	vld [tilespmem:s30+$0x20]  }
0xce: {  	v1 =	vld [tilespmem:s31+$0x20];
	_ =	sdelay $0x4  }
0xcf: {  	v0 =	vadd.f32 v1, v0;
	_ =	sdelay $0x1  }
0xd0: {  	[tilespmem:s30+$0x20] =	vst v0;
	v0 =	vld [tilespmem:s30+$0x30]  }
0xd1: {  	v1 =	vld [tilespmem:s31+$0x30];
	_ =	sdelay $0x4  }
0xd2: {  	v0 =	vadd.f32 v1, v0  }
0xd3: {  	s0 =	simm.s32 $0x0;
	s2 =	simm.s32 $0x140  }
.LBB2_18:
0xd4: {  	v1 =	vld [tilespmem:s2+$0xFFFFFFC0];
	[tilespmem:s30+$0x30] =	vst v0;
	s31 =	sadd.s32 $0x80, s31;
	s30 =	smov.u32 s2  }
0xd5: {  	s0 =	sadd.s32 $0x8, s0;
	v0 =	vld [tilespmem:s31+$0xFFFFFFC0]  }
0xd6: {  	p0 =	slt.u32 s0, $0x7F8;
	_ =	sdelay $0x3  }
0xd7: {  	v0 =	vadd.f32 v0, v1;
	_ =	sdelay $0x1  }
0xd8: {  	[tilespmem:s2+$0xFFFFFFC0] =	vst v0;
	v0 =	vld [tilespmem:s2+$0xFFFFFFD0]  }
0xd9: {  	v1 =	vld [tilespmem:s31+$0xFFFFFFD0];
	_ =	sdelay $0x4  }
0xda: {  	v0 =	vadd.f32 v1, v0;
	_ =	sdelay $0x1  }
0xdb: {  	[tilespmem:s2+$0xFFFFFFD0] =	vst v0;
	v0 =	vld [tilespmem:s2+$0xFFFFFFE0]  }
0xdc: {  	v1 =	vld [tilespmem:s31+$0xFFFFFFE0];
	_ =	sdelay $0x4  }
0xdd: {  	v0 =	vadd.f32 v1, v0;
	_ =	sdelay $0x1  }
0xde: {  	[tilespmem:s2+$0xFFFFFFE0] =	vst v0;
	v0 =	vld [tilespmem:s2+$0xFFFFFFF0]  }
0xdf: {  	v1 =	vld [tilespmem:s31+$0xFFFFFFF0];
	_ =	sdelay $0x4  }
0xe0: {  	v0 =	vadd.f32 v1, v0;
	_ =	sdelay $0x1  }
0xe1: {  	[tilespmem:s2+$0xFFFFFFF0] =	vst v0;
	v0 =	vld [tilespmem:s2+$0x0]  }
0xe2: {  	v1 =	vld [tilespmem:s31+$0x0];
	_ =	sdelay $0x4  }
0xe3: {  	v0 =	vadd.f32 v1, v0;
	_ =	sdelay $0x1  }
0xe4: {  	[tilespmem:s2+$0x0] =	vst v0;
	v0 =	vld [tilespmem:s2+$0x10]  }
0xe5: {  	v1 =	vld [tilespmem:s31+$0x10];
	_ =	sdelay $0x4  }
0xe6: {  	v0 =	vadd.f32 v1, v0;
	_ =	sdelay $0x1  }
0xe7: {  	[tilespmem:s2+$0x10] =	vst v0;
	v0 =	vld [tilespmem:s2+$0x20]  }
0xe8: {  	v1 =	vld [tilespmem:s31+$0x20];
	_ =	sdelay $0x4  }
0xe9: {  	v0 =	vadd.f32 v1, v0;
	_ =	sdelay $0x1  }
0xea: {  	[tilespmem:s2+$0x20] =	vst v0;
	v0 =	vld [tilespmem:s2+$0x30]  }
0xeb: {  	v1 =	vld [tilespmem:s31+$0x30];
	_ =	sdelay $0x1  }
.Ltmp8:
0xec: {  	(pc) =	sbr.rel @p0 .LBB2_18-.Ltmp8, $3  }
0xed: {  	_ =	sdelay $0x1  }
0xee: {  	v0 =	vadd.f32 v1, v0  }
0xef: {  	s2 =	sadd.s32 $0x100, s2  }
0xf0: {  	s0 =	simm.s32 $0x0  }
0xf1: {  	[tilespmem:s30+$0x30] =	vst v0;
	s2 =	simm.s32 $0x10;
	s31 =	sadd.s32 $0x0, s10;
	s30 =	simm.s32 $0x100  }
.LBB2_20:
0xf2: {  	[hbm4b:s31+s1] =	stream.linear.scatter [tilespmem:s0], [sflag:$0x4], $0x80, $0x38;
	[tilespmem:$0x18000] =	vst v63  }
0xf3: {  	s31 =	smov.u32 s2;
	s0 =	smov.u32 s30;
	p0 =	sne.s32 s2, $0xFF0  }
.Ltmp9:
0xf4: {  	s2 =	sadd.s32 $0x10, s2;
	(pc) =	sbr.rel @p0 .LBB2_20-.Ltmp9, $2  }
0xf5: {  	_ =	sdelay $0x2  }
0xf6: {  	s30 =	sadd.s32 $0x100, s30;
	s31 =	sadd.s32 s31, s10  }
0xf7: {  	[hbm4b:s31+s1] =	stream.linear.scatter [tilespmem:s0], [sflag:$0x4], $0x80, $0x38;
	[tilespmem:$0x18000] =	vst v63  }
0xf8: {  	_ =	swait.ge [sflag:s25], $0x8000  }
0xf9: {  	s0 =	simm.s32 $0x0;
	s2 =	simm.s32 $0x10;
	[sflag:s25] =	ssyncset.done $0x0  }
0xfa: {  	s31 =	sadd.s32 $0x0, s11;
	s30 =	simm.s32 $0x100;
	[sflag:s25] =	ssyncadd.s32 $0xFFFF8000  }
.LBB2_22:
0xfb: {  	[tilespmem:s0], [sflag:$0x1] =	stream.linear.gather [hbm4b:s31+s1], $0x80, $0x38;
	[tilespmem:$0x18000] =	vst v63  }
0xfc: {  	s31 =	smov.u32 s2;
	s0 =	smov.u32 s30;
	p0 =	sne.s32 s2, $0xFF0  }
.Ltmp10:
0xfd: {  	s2 =	sadd.s32 $0x10, s2;
	(pc) =	sbr.rel @p0 .LBB2_22-.Ltmp10, $2  }
0xfe: {  	_ =	sdelay $0x2  }
0xff: {  	s30 =	sadd.s32 $0x100, s30;
	s31 =	sadd.s32 s31, s11  }
0x100: {  	[tilespmem:s0], [sflag:$0x1] =	stream.linear.gather [hbm4b:s31+s1], $0x80, $0x38;
	[tilespmem:$0x18000] =	vst v63  }
0x101: {  	_ =	swait.ge [sflag:s26], $0x8000  }
0x102: {  	[sflag:s26] =	ssyncset.done $0x0  }
0x103: {  	s30 =	simm.s32 $0xF0;
	[sflag:s26] =	ssyncadd.s32 $0xFFFF8000  }
0x104: {  	s31 =	simm.s32 $0x10040;
	v0 =	vld [tilespmem:s30+$0xFFFFFF90]  }
0x105: {  	v1 =	vld [tilespmem:s31+$0xFFFFFFC0];
	_ =	sdelay $0x4  }
0x106: {  	v0 =	vadd.f32 v1, v0;
	_ =	sdelay $0x1  }
0x107: {  	[tilespmem:s30+$0xFFFFFF90] =	vst v0;
	v0 =	vld [tilespmem:s30+$0xFFFFFFA0]  }
0x108: {  	v1 =	vld [tilespmem:s31+$0xFFFFFFD0];
	_ =	sdelay $0x4  }
0x109: {  	v0 =	vadd.f32 v1, v0;
	_ =	sdelay $0x1  }
0x10a: {  	[tilespmem:s30+$0xFFFFFFA0] =	vst v0;
	v0 =	vld [tilespmem:s30+$0xFFFFFFB0]  }
0x10b: {  	v1 =	vld [tilespmem:s31+$0xFFFFFFE0];
	_ =	sdelay $0x4  }
0x10c: {  	v0 =	vadd.f32 v1, v0;
	_ =	sdelay $0x1  }
0x10d: {  	[tilespmem:s30+$0xFFFFFFB0] =	vst v0;
	v0 =	vld [tilespmem:s30+$0xFFFFFFC0]  }
0x10e: {  	v1 =	vld [tilespmem:s31+$0xFFFFFFF0];
	_ =	sdelay $0x4  }
0x10f: {  	v0 =	vadd.f32 v1, v0;
	_ =	sdelay $0x1  }
0x110: {  	[tilespmem:s30+$0xFFFFFFC0] =	vst v0;
	v0 =	vld [tilespmem:s30+$0xFFFFFFD0]  }
0x111: {  	v1 =	vld [tilespmem:s31+$0x0];
	_ =	sdelay $0x4  }
0x112: {  	v0 =	vadd.f32 v1, v0;
	_ =	sdelay $0x1  }
0x113: {  	[tilespmem:s30+$0xFFFFFFD0] =	vst v0;
	v0 =	vld [tilespmem:s30+$0xFFFFFFE0]  }
0x114: {  	v1 =	vld [tilespmem:s31+$0x10];
	_ =	sdelay $0x4  }
0x115: {  	v0 =	vadd.f32 v1, v0;
	_ =	sdelay $0x1  }
0x116: {  	[tilespmem:s30+$0xFFFFFFE0] =	vst v0;
	v0 =	vld [tilespmem:s30+$0xFFFFFFF0]  }
0x117: {  	v1 =	vld [tilespmem:s31+$0x20];
	_ =	sdelay $0x4  }
0x118: {  	v0 =	vadd.f32 v1, v0;
	_ =	sdelay $0x1  }
0x119: {  	[tilespmem:s30+$0xFFFFFFF0] =	vst v0;
	v0 =	vld [tilespmem:s30+$0x0]  }
0x11a: {  	v1 =	vld [tilespmem:s31+$0x30];
	_ =	sdelay $0x4  }
0x11b: {  	v0 =	vadd.f32 v1, v0  }
0x11c: {  	s0 =	simm.s32 $0x0;
	s2 =	simm.s32 $0x1F0  }
.LBB2_24:
0x11d: {  	v1 =	vld [tilespmem:s2+$0xFFFFFF90];
	[tilespmem:s30+$0x0] =	vst v0;
	s31 =	sadd.s32 $0x80, s31;
	s30 =	smov.u32 s2  }
0x11e: {  	s0 =	sadd.s32 $0x8, s0;
	v0 =	vld [tilespmem:s31+$0xFFFFFFC0]  }
0x11f: {  	p0 =	slt.u32 s0, $0x7F8;
	_ =	sdelay $0x3  }
0x120: {  	v0 =	vadd.f32 v0, v1;
	_ =	sdelay $0x1  }
0x121: {  	[tilespmem:s2+$0xFFFFFF90] =	vst v0;
	v0 =	vld [tilespmem:s2+$0xFFFFFFA0]  }
0x122: {  	v1 =	vld [tilespmem:s31+$0xFFFFFFD0];
	_ =	sdelay $0x4  }
0x123: {  	v0 =	vadd.f32 v1, v0;
	_ =	sdelay $0x1  }
0x124: {  	[tilespmem:s2+$0xFFFFFFA0] =	vst v0;
	v0 =	vld [tilespmem:s2+$0xFFFFFFB0]  }
0x125: {  	v1 =	vld [tilespmem:s31+$0xFFFFFFE0];
	_ =	sdelay $0x4  }
0x126: {  	v0 =	vadd.f32 v1, v0;
	_ =	sdelay $0x1  }
0x127: {  	[tilespmem:s2+$0xFFFFFFB0] =	vst v0;
	v0 =	vld [tilespmem:s2+$0xFFFFFFC0]  }
0x128: {  	v1 =	vld [tilespmem:s31+$0xFFFFFFF0];
	_ =	sdelay $0x4  }
0x129: {  	v0 =	vadd.f32 v1, v0;
	_ =	sdelay $0x1  }
0x12a: {  	[tilespmem:s2+$0xFFFFFFC0] =	vst v0;
	v0 =	vld [tilespmem:s2+$0xFFFFFFD0]  }
0x12b: {  	v1 =	vld [tilespmem:s31+$0x0];
	_ =	sdelay $0x4  }
0x12c: {  	v0 =	vadd.f32 v1, v0;
	_ =	sdelay $0x1  }
0x12d: {  	[tilespmem:s2+$0xFFFFFFD0] =	vst v0;
	v0 =	vld [tilespmem:s2+$0xFFFFFFE0]  }
0x12e: {  	v1 =	vld [tilespmem:s31+$0x10];
	_ =	sdelay $0x4  }
0x12f: {  	v0 =	vadd.f32 v1, v0;
	_ =	sdelay $0x1  }
0x130: {  	[tilespmem:s2+$0xFFFFFFE0] =	vst v0;
	v0 =	vld [tilespmem:s2+$0xFFFFFFF0]  }
0x131: {  	v1 =	vld [tilespmem:s31+$0x20];
	_ =	sdelay $0x4  }
0x132: {  	v0 =	vadd.f32 v1, v0;
	_ =	sdelay $0x1  }
0x133: {  	[tilespmem:s2+$0xFFFFFFF0] =	vst v0;
	v0 =	vld [tilespmem:s2+$0x0]  }
0x134: {  	v1 =	vld [tilespmem:s31+$0x30];
	_ =	sdelay $0x1  }
.Ltmp11:
0x135: {  	(pc) =	sbr.rel @p0 .LBB2_24-.Ltmp11, $3  }
0x136: {  	_ =	sdelay $0x1  }
0x137: {  	v0 =	vadd.f32 v1, v0  }
0x138: {  	s2 =	sadd.s32 $0x100, s2  }
0x139: {  	[tilespmem:s30+$0x0] =	vst v0;
	s0 =	simm.s32 $0x0;
	s2 =	simm.s32 $0x10  }
0x13a: {  	[tilespmem:s22], [sflag:$0x3] =	stream.linear.gather [hbm4b:s12+s0], $0x8000, $0x38;
	[tilespmem:$0x18000] =	vst v63  }
0x13b: {  	s31 =	sadd.s32 $0x0, s13;
	s30 =	simm.s32 $0x180;
	s0 =	simm.s32 $0x80  }
.LBB2_26:
0x13c: {  	[hbm4b:s31+s1] =	stream.linear.scatter [tilespmem:s0], [sflag:$0x5], $0x80, $0x38;
	[tilespmem:$0x18000] =	vst v63  }
0x13d: {  	s31 =	smov.u32 s2;
	s0 =	smov.u32 s30;
	p0 =	sne.s32 s2, $0xFF0  }
.Ltmp12:
0x13e: {  	s2 =	sadd.s32 $0x10, s2;
	(pc) =	sbr.rel @p0 .LBB2_26-.Ltmp12, $2  }
0x13f: {  	_ =	sdelay $0x2  }
0x140: {  	s30 =	sadd.s32 $0x100, s30;
	s31 =	sadd.s32 s31, s13  }
0x141: {  	[hbm4b:s31+s1] =	stream.linear.scatter [tilespmem:s0], [sflag:$0x5], $0x80, $0x38;
	[tilespmem:$0x18000] =	vst v63  }
0x142: {  	_ =	swait.ge [sflag:s28], $0x8000  }
0x143: {  	s0 =	simm.s32 $0x80;
	s2 =	simm.s32 $0x10;
	[sflag:s28] =	ssyncset.done $0x0  }
0x144: {  	s31 =	sadd.s32 $0x0, s14;
	s30 =	simm.s32 $0x180;
	[sflag:s28] =	ssyncadd.s32 $0xFFFF8000  }
.LBB2_28:
0x145: {  	[tilespmem:s0], [sflag:$0x2] =	stream.linear.gather [hbm4b:s31+s1], $0x80, $0x38;
	[tilespmem:$0x18000] =	vst v63  }
0x146: {  	s31 =	smov.u32 s2;
	s0 =	smov.u32 s30;
	p0 =	sne.s32 s2, $0xFF0  }
.Ltmp13:
0x147: {  	s2 =	sadd.s32 $0x10, s2;
	(pc) =	sbr.rel @p0 .LBB2_28-.Ltmp13, $2  }
0x148: {  	_ =	sdelay $0x2  }
0x149: {  	s30 =	sadd.s32 $0x100, s30;
	s31 =	sadd.s32 s31, s14  }
0x14a: {  	[tilespmem:s0], [sflag:$0x2] =	stream.linear.gather [hbm4b:s31+s1], $0x80, $0x38;
	[tilespmem:$0x18000] =	vst v63  }
0x14b: {  	_ =	swait.ge [sflag:s23], $0x8000  }
0x14c: {  	[sflag:s23] =	ssyncset.done $0x0  }
0x14d: {  	[sflag:s23] =	ssyncadd.s32 $0xFFFF8000  }
0x14e: {  	_ =	swait.ge [sflag:s24], $0x8000  }
0x14f: {  	[sflag:s24] =	ssyncset.done $0x0  }
0x150: {  	s30 =	simm.s32 $0x40;
	[sflag:s24] =	ssyncadd.s32 $0xFFFF8000  }
0x151: {  	s31 =	simm.s32 $0x10040;
	v0 =	vld [tilespmem:s30+$0xFFFFFFC0]  }
0x152: {  	v1 =	vld [tilespmem:s31+$0xFFFFFFC0];
	_ =	sdelay $0x4  }
0x153: {  	v0 =	vadd.f32 v1, v0;
	_ =	sdelay $0x1  }
0x154: {  	[tilespmem:s30+$0xFFFFFFC0] =	vst v0;
	v0 =	vld [tilespmem:s30+$0xFFFFFFD0]  }
0x155: {  	v1 =	vld [tilespmem:s31+$0xFFFFFFD0];
	_ =	sdelay $0x4  }
0x156: {  	v0 =	vadd.f32 v1, v0;
	_ =	sdelay $0x1  }
0x157: {  	[tilespmem:s30+$0xFFFFFFD0] =	vst v0;
	v0 =	vld [tilespmem:s30+$0xFFFFFFE0]  }
0x158: {  	v1 =	vld [tilespmem:s31+$0xFFFFFFE0];
	_ =	sdelay $0x4  }
0x159: {  	v0 =	vadd.f32 v1, v0;
	_ =	sdelay $0x1  }
0x15a: {  	[tilespmem:s30+$0xFFFFFFE0] =	vst v0;
	v0 =	vld [tilespmem:s30+$0xFFFFFFF0]  }
0x15b: {  	v1 =	vld [tilespmem:s31+$0xFFFFFFF0];
	_ =	sdelay $0x4  }
0x15c: {  	v0 =	vadd.f32 v1, v0;
	_ =	sdelay $0x1  }
0x15d: {  	[tilespmem:s30+$0xFFFFFFF0] =	vst v0;
	v0 =	vld [tilespmem:s30+$0x0]  }
0x15e: {  	v1 =	vld [tilespmem:s31+$0x0];
	_ =	sdelay $0x4  }
0x15f: {  	v0 =	vadd.f32 v1, v0;
	_ =	sdelay $0x1  }
0x160: {  	[tilespmem:s30+$0x0] =	vst v0;
	v0 =	vld [tilespmem:s30+$0x10]  }
0x161: {  	v1 =	vld [tilespmem:s31+$0x10];
	_ =	sdelay $0x4  }
0x162: {  	v0 =	vadd.f32 v1, v0;
	_ =	sdelay $0x1  }
0x163: {  	[tilespmem:s30+$0x10] =	vst v0;
	v0 =	vld [tilespmem:s30+$0x20]  }
0x164: {  	v1 =	vld [tilespmem:s31+$0x20];
	_ =	sdelay $0x4  }
0x165: {  	v0 =	vadd.f32 v1, v0;
	_ =	sdelay $0x1  }
0x166: {  	[tilespmem:s30+$0x20] =	vst v0;
	v0 =	vld [tilespmem:s30+$0x30]  }
0x167: {  	v1 =	vld [tilespmem:s31+$0x30];
	_ =	sdelay $0x4  }
0x168: {  	v0 =	vadd.f32 v1, v0  }
0x169: {  	s0 =	simm.s32 $0x0;
	s2 =	simm.s32 $0x140  }
.LBB2_30:
0x16a: {  	v1 =	vld [tilespmem:s2+$0xFFFFFFC0];
	[tilespmem:s30+$0x30] =	vst v0;
	s31 =	sadd.s32 $0x80, s31;
	s30 =	smov.u32 s2  }
0x16b: {  	s0 =	sadd.s32 $0x8, s0;
	v0 =	vld [tilespmem:s31+$0xFFFFFFC0]  }
0x16c: {  	p0 =	slt.u32 s0, $0x7F8;
	_ =	sdelay $0x3  }
0x16d: {  	v0 =	vadd.f32 v0, v1;
	_ =	sdelay $0x1  }
0x16e: {  	[tilespmem:s2+$0xFFFFFFC0] =	vst v0;
	v0 =	vld [tilespmem:s2+$0xFFFFFFD0]  }
0x16f: {  	v1 =	vld [tilespmem:s31+$0xFFFFFFD0];
	_ =	sdelay $0x4  }
0x170: {  	v0 =	vadd.f32 v1, v0;
	_ =	sdelay $0x1  }
0x171: {  	[tilespmem:s2+$0xFFFFFFD0] =	vst v0;
	v0 =	vld [tilespmem:s2+$0xFFFFFFE0]  }
0x172: {  	v1 =	vld [tilespmem:s31+$0xFFFFFFE0];
	_ =	sdelay $0x4  }
0x173: {  	v0 =	vadd.f32 v1, v0;
	_ =	sdelay $0x1  }
0x174: {  	[tilespmem:s2+$0xFFFFFFE0] =	vst v0;
	v0 =	vld [tilespmem:s2+$0xFFFFFFF0]  }
0x175: {  	v1 =	vld [tilespmem:s31+$0xFFFFFFF0];
	_ =	sdelay $0x4  }
0x176: {  	v0 =	vadd.f32 v1, v0;
	_ =	sdelay $0x1  }
0x177: {  	[tilespmem:s2+$0xFFFFFFF0] =	vst v0;
	v0 =	vld [tilespmem:s2+$0x0]  }
0x178: {  	v1 =	vld [tilespmem:s31+$0x0];
	_ =	sdelay $0x4  }
0x179: {  	v0 =	vadd.f32 v1, v0;
	_ =	sdelay $0x1  }
0x17a: {  	[tilespmem:s2+$0x0] =	vst v0;
	v0 =	vld [tilespmem:s2+$0x10]  }
0x17b: {  	v1 =	vld [tilespmem:s31+$0x10];
	_ =	sdelay $0x4  }
0x17c: {  	v0 =	vadd.f32 v1, v0;
	_ =	sdelay $0x1  }
0x17d: {  	[tilespmem:s2+$0x10] =	vst v0;
	v0 =	vld [tilespmem:s2+$0x20]  }
0x17e: {  	v1 =	vld [tilespmem:s31+$0x20];
	_ =	sdelay $0x4  }
0x17f: {  	v0 =	vadd.f32 v1, v0;
	_ =	sdelay $0x1  }
0x180: {  	[tilespmem:s2+$0x20] =	vst v0;
	v0 =	vld [tilespmem:s2+$0x30]  }
0x181: {  	v1 =	vld [tilespmem:s31+$0x30];
	_ =	sdelay $0x1  }
.Ltmp14:
0x182: {  	(pc) =	sbr.rel @p0 .LBB2_30-.Ltmp14, $3  }
0x183: {  	_ =	sdelay $0x1  }
0x184: {  	v0 =	vadd.f32 v1, v0  }
0x185: {  	s2 =	sadd.s32 $0x100, s2  }
0x186: {  	s0 =	simm.s32 $0x0  }
0x187: {  	[tilespmem:s30+$0x30] =	vst v0;
	s2 =	simm.s32 $0x10;
	s31 =	sadd.s32 $0x0, s15;
	s30 =	simm.s32 $0x100  }
.LBB2_32:
0x188: {  	[hbm4b:s31+s1] =	stream.linear.scatter [tilespmem:s0], [sflag:$0x4], $0x80, $0x38;
	[tilespmem:$0x18000] =	vst v63  }
0x189: {  	s31 =	smov.u32 s2;
	s0 =	smov.u32 s30;
	p0 =	sne.s32 s2, $0xFF0  }
.Ltmp15:
0x18a: {  	s2 =	sadd.s32 $0x10, s2;
	(pc) =	sbr.rel @p0 .LBB2_32-.Ltmp15, $2  }
0x18b: {  	_ =	sdelay $0x2  }
0x18c: {  	s30 =	sadd.s32 $0x100, s30;
	s31 =	sadd.s32 s31, s15  }
0x18d: {  	[hbm4b:s31+s1] =	stream.linear.scatter [tilespmem:s0], [sflag:$0x4], $0x80, $0x38;
	[tilespmem:$0x18000] =	vst v63  }
0x18e: {  	_ =	swait.ge [sflag:s25], $0x8000  }
0x18f: {  	s0 =	simm.s32 $0x0;
	s2 =	simm.s32 $0x10;
	[sflag:s25] =	ssyncset.done $0x0  }
0x190: {  	s31 =	sadd.s32 $0x0, s16;
	s30 =	simm.s32 $0x100;
	[sflag:s25] =	ssyncadd.s32 $0xFFFF8000  }
.LBB2_34:
0x191: {  	[tilespmem:s0], [sflag:$0x1] =	stream.linear.gather [hbm4b:s31+s1], $0x80, $0x38;
	[tilespmem:$0x18000] =	vst v63  }
0x192: {  	s31 =	smov.u32 s2;
	s0 =	smov.u32 s30;
	p0 =	sne.s32 s2, $0xFF0  }
.Ltmp16:
0x193: {  	s2 =	sadd.s32 $0x10, s2;
	(pc) =	sbr.rel @p0 .LBB2_34-.Ltmp16, $2  }
0x194: {  	_ =	sdelay $0x2  }
0x195: {  	s30 =	sadd.s32 $0x100, s30;
	s31 =	sadd.s32 s31, s16  }
0x196: {  	[tilespmem:s0], [sflag:$0x1] =	stream.linear.gather [hbm4b:s31+s1], $0x80, $0x38;
	[tilespmem:$0x18000] =	vst v63  }
0x197: {  	_ =	swait.ge [sflag:s26], $0x8000  }
0x198: {  	[sflag:s26] =	ssyncset.done $0x0  }
0x199: {  	s30 =	simm.s32 $0xF0;
	[sflag:s26] =	ssyncadd.s32 $0xFFFF8000  }
0x19a: {  	s31 =	simm.s32 $0x10040;
	v0 =	vld [tilespmem:s30+$0xFFFFFF90]  }
0x19b: {  	v1 =	vld [tilespmem:s31+$0xFFFFFFC0];
	_ =	sdelay $0x4  }
0x19c: {  	v0 =	vadd.f32 v1, v0;
	_ =	sdelay $0x1  }
0x19d: {  	[tilespmem:s30+$0xFFFFFF90] =	vst v0;
	v0 =	vld [tilespmem:s30+$0xFFFFFFA0]  }
0x19e: {  	v1 =	vld [tilespmem:s31+$0xFFFFFFD0];
	_ =	sdelay $0x4  }
0x19f: {  	v0 =	vadd.f32 v1, v0;
	_ =	sdelay $0x1  }
0x1a0: {  	[tilespmem:s30+$0xFFFFFFA0] =	vst v0;
	v0 =	vld [tilespmem:s30+$0xFFFFFFB0]  }
0x1a1: {  	v1 =	vld [tilespmem:s31+$0xFFFFFFE0];
	_ =	sdelay $0x4  }
0x1a2: {  	v0 =	vadd.f32 v1, v0;
	_ =	sdelay $0x1  }
0x1a3: {  	[tilespmem:s30+$0xFFFFFFB0] =	vst v0;
	v0 =	vld [tilespmem:s30+$0xFFFFFFC0]  }
0x1a4: {  	v1 =	vld [tilespmem:s31+$0xFFFFFFF0];
	_ =	sdelay $0x4  }
0x1a5: {  	v0 =	vadd.f32 v1, v0;
	_ =	sdelay $0x1  }
0x1a6: {  	[tilespmem:s30+$0xFFFFFFC0] =	vst v0;
	v0 =	vld [tilespmem:s30+$0xFFFFFFD0]  }
0x1a7: {  	v1 =	vld [tilespmem:s31+$0x0];
	_ =	sdelay $0x4  }
0x1a8: {  	v0 =	vadd.f32 v1, v0;
	_ =	sdelay $0x1  }
0x1a9: {  	[tilespmem:s30+$0xFFFFFFD0] =	vst v0;
	v0 =	vld [tilespmem:s30+$0xFFFFFFE0]  }
0x1aa: {  	v1 =	vld [tilespmem:s31+$0x10];
	_ =	sdelay $0x4  }
0x1ab: {  	v0 =	vadd.f32 v1, v0;
	_ =	sdelay $0x1  }
0x1ac: {  	[tilespmem:s30+$0xFFFFFFE0] =	vst v0;
	v0 =	vld [tilespmem:s30+$0xFFFFFFF0]  }
0x1ad: {  	v1 =	vld [tilespmem:s31+$0x20];
	_ =	sdelay $0x4  }
0x1ae: {  	v0 =	vadd.f32 v1, v0;
	_ =	sdelay $0x1  }
0x1af: {  	[tilespmem:s30+$0xFFFFFFF0] =	vst v0;
	v0 =	vld [tilespmem:s30+$0x0]  }
0x1b0: {  	v1 =	vld [tilespmem:s31+$0x30];
	_ =	sdelay $0x4  }
0x1b1: {  	v0 =	vadd.f32 v1, v0  }
0x1b2: {  	s0 =	simm.s32 $0x0;
	s2 =	simm.s32 $0x1F0  }
.LBB2_36:
0x1b3: {  	v1 =	vld [tilespmem:s2+$0xFFFFFF90];
	[tilespmem:s30+$0x0] =	vst v0;
	s31 =	sadd.s32 $0x80, s31;
	s30 =	smov.u32 s2  }
0x1b4: {  	s0 =	sadd.s32 $0x8, s0;
	v0 =	vld [tilespmem:s31+$0xFFFFFFC0]  }
0x1b5: {  	p0 =	slt.u32 s0, $0x7F8;
	_ =	sdelay $0x3  }
0x1b6: {  	v0 =	vadd.f32 v0, v1;
	_ =	sdelay $0x1  }
0x1b7: {  	[tilespmem:s2+$0xFFFFFF90] =	vst v0;
	v0 =	vld [tilespmem:s2+$0xFFFFFFA0]  }
0x1b8: {  	v1 =	vld [tilespmem:s31+$0xFFFFFFD0];
	_ =	sdelay $0x4  }
0x1b9: {  	v0 =	vadd.f32 v1, v0;
	_ =	sdelay $0x1  }
0x1ba: {  	[tilespmem:s2+$0xFFFFFFA0] =	vst v0;
	v0 =	vld [tilespmem:s2+$0xFFFFFFB0]  }
0x1bb: {  	v1 =	vld [tilespmem:s31+$0xFFFFFFE0];
	_ =	sdelay $0x4  }
0x1bc: {  	v0 =	vadd.f32 v1, v0;
	_ =	sdelay $0x1  }
0x1bd: {  	[tilespmem:s2+$0xFFFFFFB0] =	vst v0;
	v0 =	vld [tilespmem:s2+$0xFFFFFFC0]  }
0x1be: {  	v1 =	vld [tilespmem:s31+$0xFFFFFFF0];
	_ =	sdelay $0x4  }
0x1bf: {  	v0 =	vadd.f32 v1, v0;
	_ =	sdelay $0x1  }
0x1c0: {  	[tilespmem:s2+$0xFFFFFFC0] =	vst v0;
	v0 =	vld [tilespmem:s2+$0xFFFFFFD0]  }
0x1c1: {  	v1 =	vld [tilespmem:s31+$0x0];
	_ =	sdelay $0x4  }
0x1c2: {  	v0 =	vadd.f32 v1, v0;
	_ =	sdelay $0x1  }
0x1c3: {  	[tilespmem:s2+$0xFFFFFFD0] =	vst v0;
	v0 =	vld [tilespmem:s2+$0xFFFFFFE0]  }
0x1c4: {  	v1 =	vld [tilespmem:s31+$0x10];
	_ =	sdelay $0x4  }
0x1c5: {  	v0 =	vadd.f32 v1, v0;
	_ =	sdelay $0x1  }
0x1c6: {  	[tilespmem:s2+$0xFFFFFFE0] =	vst v0;
	v0 =	vld [tilespmem:s2+$0xFFFFFFF0]  }
0x1c7: {  	v1 =	vld [tilespmem:s31+$0x20];
	_ =	sdelay $0x4  }
0x1c8: {  	v0 =	vadd.f32 v1, v0;
	_ =	sdelay $0x1  }
0x1c9: {  	[tilespmem:s2+$0xFFFFFFF0] =	vst v0;
	v0 =	vld [tilespmem:s2+$0x0]  }
0x1ca: {  	v1 =	vld [tilespmem:s31+$0x30];
	_ =	sdelay $0x1  }
.Ltmp17:
0x1cb: {  	(pc) =	sbr.rel @p0 .LBB2_36-.Ltmp17, $3  }
0x1cc: {  	_ =	sdelay $0x1  }
0x1cd: {  	v0 =	vadd.f32 v1, v0  }
0x1ce: {  	s2 =	sadd.s32 $0x100, s2  }
0x1cf: {  	s0 =	simm.s32 $0x80  }
0x1d0: {  	[tilespmem:s30+$0x0] =	vst v0;
	s2 =	simm.s32 $0x10;
	s31 =	sadd.s32 $0x0, s17;
	s30 =	simm.s32 $0x180  }
.LBB2_38:
0x1d1: {  	[hbm4b:s31+s1] =	stream.linear.scatter [tilespmem:s0], [sflag:$0x5], $0x80, $0x38;
	[tilespmem:$0x18000] =	vst v63  }
0x1d2: {  	s31 =	smov.u32 s2;
	s0 =	smov.u32 s30;
	p0 =	sne.s32 s2, $0xFF0  }
.Ltmp18:
0x1d3: {  	s2 =	sadd.s32 $0x10, s2;
	(pc) =	sbr.rel @p0 .LBB2_38-.Ltmp18, $2  }
0x1d4: {  	_ =	sdelay $0x2  }
0x1d5: {  	s30 =	sadd.s32 $0x100, s30;
	s31 =	sadd.s32 s31, s17  }
0x1d6: {  	[hbm4b:s31+s1] =	stream.linear.scatter [tilespmem:s0], [sflag:$0x5], $0x80, $0x38;
	[tilespmem:$0x18000] =	vst v63  }
0x1d7: {  	_ =	swait.ge [sflag:s28], $0x8000  }
0x1d8: {  	s0 =	simm.s32 $0x80;
	s2 =	simm.s32 $0x10;
	[sflag:s28] =	ssyncset.done $0x0  }
0x1d9: {  	s31 =	sadd.s32 $0x0, s18;
	s30 =	simm.s32 $0x180;
	[sflag:s28] =	ssyncadd.s32 $0xFFFF8000  }
.LBB2_40:
0x1da: {  	[tilespmem:s0], [sflag:$0x2] =	stream.linear.gather [hbm4b:s31+s1], $0x80, $0x38;
	[tilespmem:$0x18000] =	vst v63  }
0x1db: {  	s31 =	smov.u32 s2;
	s0 =	smov.u32 s30;
	p0 =	sne.s32 s2, $0xFF0  }
.Ltmp19:
0x1dc: {  	s2 =	sadd.s32 $0x10, s2;
	(pc) =	sbr.rel @p0 .LBB2_40-.Ltmp19, $2  }
0x1dd: {  	_ =	sdelay $0x2  }
0x1de: {  	s30 =	sadd.s32 $0x100, s30;
	s31 =	sadd.s32 s31, s18  }
0x1df: {  	[tilespmem:s0], [sflag:$0x2] =	stream.linear.gather [hbm4b:s31+s1], $0x80, $0x38;
	[tilespmem:$0x18000] =	vst v63  }
0x1e0: {  	_ =	swait.ge [sflag:s23], $0x8000  }
0x1e1: {  	[sflag:s23] =	ssyncset.done $0x0  }
0x1e2: {  	s30 =	simm.s32 $0x40;
	[sflag:s23] =	ssyncadd.s32 $0xFFFF8000  }
0x1e3: {  	s31 =	simm.s32 $0x10040;
	v0 =	vld [tilespmem:s30+$0xFFFFFFC0]  }
0x1e4: {  	v1 =	vld [tilespmem:s31+$0xFFFFFFC0];
	_ =	sdelay $0x4  }
0x1e5: {  	v0 =	vadd.f32 v1, v0;
	_ =	sdelay $0x1  }
0x1e6: {  	[tilespmem:s30+$0xFFFFFFC0] =	vst v0;
	v0 =	vld [tilespmem:s30+$0xFFFFFFD0]  }
0x1e7: {  	v1 =	vld [tilespmem:s31+$0xFFFFFFD0];
	_ =	sdelay $0x4  }
0x1e8: {  	v0 =	vadd.f32 v1, v0;
	_ =	sdelay $0x1  }
0x1e9: {  	[tilespmem:s30+$0xFFFFFFD0] =	vst v0;
	v0 =	vld [tilespmem:s30+$0xFFFFFFE0]  }
0x1ea: {  	v1 =	vld [tilespmem:s31+$0xFFFFFFE0];
	_ =	sdelay $0x4  }
0x1eb: {  	v0 =	vadd.f32 v1, v0;
	_ =	sdelay $0x1  }
0x1ec: {  	[tilespmem:s30+$0xFFFFFFE0] =	vst v0;
	v0 =	vld [tilespmem:s30+$0xFFFFFFF0]  }
0x1ed: {  	v1 =	vld [tilespmem:s31+$0xFFFFFFF0];
	_ =	sdelay $0x4  }
0x1ee: {  	v0 =	vadd.f32 v1, v0;
	_ =	sdelay $0x1  }
0x1ef: {  	[tilespmem:s30+$0xFFFFFFF0] =	vst v0;
	v0 =	vld [tilespmem:s30+$0x0]  }
0x1f0: {  	v1 =	vld [tilespmem:s31+$0x0];
	_ =	sdelay $0x4  }
0x1f1: {  	v0 =	vadd.f32 v1, v0;
	_ =	sdelay $0x1  }
0x1f2: {  	[tilespmem:s30+$0x0] =	vst v0;
	v0 =	vld [tilespmem:s30+$0x10]  }
0x1f3: {  	v1 =	vld [tilespmem:s31+$0x10];
	_ =	sdelay $0x4  }
0x1f4: {  	v0 =	vadd.f32 v1, v0;
	_ =	sdelay $0x1  }
0x1f5: {  	[tilespmem:s30+$0x10] =	vst v0;
	v0 =	vld [tilespmem:s30+$0x20]  }
0x1f6: {  	v1 =	vld [tilespmem:s31+$0x20];
	_ =	sdelay $0x4  }
0x1f7: {  	v0 =	vadd.f32 v1, v0;
	_ =	sdelay $0x1  }
0x1f8: {  	[tilespmem:s30+$0x20] =	vst v0;
	v0 =	vld [tilespmem:s30+$0x30]  }
0x1f9: {  	v1 =	vld [tilespmem:s31+$0x30];
	_ =	sdelay $0x4  }
0x1fa: {  	v0 =	vadd.f32 v1, v0  }
0x1fb: {  	s0 =	simm.s32 $0x0;
	s2 =	simm.s32 $0x140  }
.LBB2_42:
0x1fc: {  	v1 =	vld [tilespmem:s2+$0xFFFFFFC0];
	[tilespmem:s30+$0x30] =	vst v0;
	s31 =	sadd.s32 $0x80, s31;
	s30 =	smov.u32 s2  }
0x1fd: {  	s0 =	sadd.s32 $0x8, s0;
	v0 =	vld [tilespmem:s31+$0xFFFFFFC0]  }
0x1fe: {  	p0 =	slt.u32 s0, $0x7F8;
	_ =	sdelay $0x3  }
0x1ff: {  	v0 =	vadd.f32 v0, v1;
	_ =	sdelay $0x1  }
0x200: {  	[tilespmem:s2+$0xFFFFFFC0] =	vst v0;
	v0 =	vld [tilespmem:s2+$0xFFFFFFD0]  }
0x201: {  	v1 =	vld [tilespmem:s31+$0xFFFFFFD0];
	_ =	sdelay $0x4  }
0x202: {  	v0 =	vadd.f32 v1, v0;
	_ =	sdelay $0x1  }
0x203: {  	[tilespmem:s2+$0xFFFFFFD0] =	vst v0;
	v0 =	vld [tilespmem:s2+$0xFFFFFFE0]  }
0x204: {  	v1 =	vld [tilespmem:s31+$0xFFFFFFE0];
	_ =	sdelay $0x4  }
0x205: {  	v0 =	vadd.f32 v1, v0;
	_ =	sdelay $0x1  }
0x206: {  	[tilespmem:s2+$0xFFFFFFE0] =	vst v0;
	v0 =	vld [tilespmem:s2+$0xFFFFFFF0]  }
0x207: {  	v1 =	vld [tilespmem:s31+$0xFFFFFFF0];
	_ =	sdelay $0x4  }
0x208: {  	v0 =	vadd.f32 v1, v0;
	_ =	sdelay $0x1  }
0x209: {  	[tilespmem:s2+$0xFFFFFFF0] =	vst v0;
	v0 =	vld [tilespmem:s2+$0x0]  }
0x20a: {  	v1 =	vld [tilespmem:s31+$0x0];
	_ =	sdelay $0x4  }
0x20b: {  	v0 =	vadd.f32 v1, v0;
	_ =	sdelay $0x1  }
0x20c: {  	[tilespmem:s2+$0x0] =	vst v0;
	v0 =	vld [tilespmem:s2+$0x10]  }
0x20d: {  	v1 =	vld [tilespmem:s31+$0x10];
	_ =	sdelay $0x4  }
0x20e: {  	v0 =	vadd.f32 v1, v0;
	_ =	sdelay $0x1  }
0x20f: {  	[tilespmem:s2+$0x10] =	vst v0;
	v0 =	vld [tilespmem:s2+$0x20]  }
0x210: {  	v1 =	vld [tilespmem:s31+$0x20];
	_ =	sdelay $0x4  }
0x211: {  	v0 =	vadd.f32 v1, v0;
	_ =	sdelay $0x1  }
0x212: {  	[tilespmem:s2+$0x20] =	vst v0;
	v0 =	vld [tilespmem:s2+$0x30]  }
0x213: {  	v1 =	vld [tilespmem:s31+$0x30];
	_ =	sdelay $0x1  }
.Ltmp20:
0x214: {  	(pc) =	sbr.rel @p0 .LBB2_42-.Ltmp20, $3  }
0x215: {  	_ =	sdelay $0x1  }
0x216: {  	v0 =	vadd.f32 v1, v0  }
0x217: {  	s2 =	sadd.s32 $0x100, s2  }
0x218: {  	s0 =	simm.s32 $0x0  }
0x219: {  	[tilespmem:s30+$0x30] =	vst v0;
	s2 =	simm.s32 $0x10;
	s31 =	sadd.s32 $0x0, s19;
	s30 =	simm.s32 $0x100  }
.LBB2_44:
0x21a: {  	[hbm4b:s31+s1] =	stream.linear.scatter [tilespmem:s0], [sflag:$0x4], $0x80, $0x38;
	[tilespmem:$0x18000] =	vst v63  }
0x21b: {  	s31 =	smov.u32 s2;
	s0 =	smov.u32 s30;
	p0 =	sne.s32 s2, $0xFF0  }
.Ltmp21:
0x21c: {  	s2 =	sadd.s32 $0x10, s2;
	(pc) =	sbr.rel @p0 .LBB2_44-.Ltmp21, $2  }
0x21d: {  	_ =	sdelay $0x2  }
0x21e: {  	s30 =	sadd.s32 $0x100, s30;
	s31 =	sadd.s32 s31, s19  }
0x21f: {  	[hbm4b:s31+s1] =	stream.linear.scatter [tilespmem:s0], [sflag:$0x4], $0x80, $0x38;
	[tilespmem:$0x18000] =	vst v63  }
0x220: {  	_ =	swait.ge [sflag:s26], $0x8000  }
0x221: {  	[sflag:s26] =	ssyncset.done $0x0  }
0x222: {  	s30 =	simm.s32 $0xF0;
	[sflag:s26] =	ssyncadd.s32 $0xFFFF8000  }
0x223: {  	s31 =	simm.s32 $0x10040;
	v0 =	vld [tilespmem:s30+$0xFFFFFF90]  }
0x224: {  	v1 =	vld [tilespmem:s31+$0xFFFFFFC0];
	_ =	sdelay $0x4  }
0x225: {  	v0 =	vadd.f32 v1, v0;
	_ =	sdelay $0x1  }
0x226: {  	[tilespmem:s30+$0xFFFFFF90] =	vst v0;
	v0 =	vld [tilespmem:s30+$0xFFFFFFA0]  }
0x227: {  	v1 =	vld [tilespmem:s31+$0xFFFFFFD0];
	_ =	sdelay $0x4  }
0x228: {  	v0 =	vadd.f32 v1, v0;
	_ =	sdelay $0x1  }
0x229: {  	[tilespmem:s30+$0xFFFFFFA0] =	vst v0;
	v0 =	vld [tilespmem:s30+$0xFFFFFFB0]  }
0x22a: {  	v1 =	vld [tilespmem:s31+$0xFFFFFFE0];
	_ =	sdelay $0x4  }
0x22b: {  	v0 =	vadd.f32 v1, v0;
	_ =	sdelay $0x1  }
0x22c: {  	[tilespmem:s30+$0xFFFFFFB0] =	vst v0;
	v0 =	vld [tilespmem:s30+$0xFFFFFFC0]  }
0x22d: {  	v1 =	vld [tilespmem:s31+$0xFFFFFFF0];
	_ =	sdelay $0x4  }
0x22e: {  	v0 =	vadd.f32 v1, v0;
	_ =	sdelay $0x1  }
0x22f: {  	[tilespmem:s30+$0xFFFFFFC0] =	vst v0;
	v0 =	vld [tilespmem:s30+$0xFFFFFFD0]  }
0x230: {  	v1 =	vld [tilespmem:s31+$0x0];
	_ =	sdelay $0x4  }
0x231: {  	v0 =	vadd.f32 v1, v0;
	_ =	sdelay $0x1  }
0x232: {  	[tilespmem:s30+$0xFFFFFFD0] =	vst v0;
	v0 =	vld [tilespmem:s30+$0xFFFFFFE0]  }
0x233: {  	v1 =	vld [tilespmem:s31+$0x10];
	_ =	sdelay $0x4  }
0x234: {  	v0 =	vadd.f32 v1, v0;
	_ =	sdelay $0x1  }
0x235: {  	[tilespmem:s30+$0xFFFFFFE0] =	vst v0;
	v0 =	vld [tilespmem:s30+$0xFFFFFFF0]  }
0x236: {  	v1 =	vld [tilespmem:s31+$0x20];
	_ =	sdelay $0x4  }
0x237: {  	v0 =	vadd.f32 v1, v0;
	_ =	sdelay $0x1  }
0x238: {  	[tilespmem:s30+$0xFFFFFFF0] =	vst v0;
	v0 =	vld [tilespmem:s30+$0x0]  }
0x239: {  	v1 =	vld [tilespmem:s31+$0x30];
	_ =	sdelay $0x4  }
0x23a: {  	v0 =	vadd.f32 v1, v0  }
0x23b: {  	s0 =	simm.s32 $0x0;
	s2 =	simm.s32 $0x1F0  }
.LBB2_46:
0x23c: {  	v1 =	vld [tilespmem:s2+$0xFFFFFF90];
	[tilespmem:s30+$0x0] =	vst v0;
	s31 =	sadd.s32 $0x80, s31;
	s30 =	smov.u32 s2  }
0x23d: {  	s0 =	sadd.s32 $0x8, s0;
	v0 =	vld [tilespmem:s31+$0xFFFFFFC0]  }
0x23e: {  	p0 =	slt.u32 s0, $0x7F8;
	_ =	sdelay $0x3  }
0x23f: {  	v0 =	vadd.f32 v0, v1;
	_ =	sdelay $0x1  }
0x240: {  	[tilespmem:s2+$0xFFFFFF90] =	vst v0;
	v0 =	vld [tilespmem:s2+$0xFFFFFFA0]  }
0x241: {  	v1 =	vld [tilespmem:s31+$0xFFFFFFD0];
	_ =	sdelay $0x4  }
0x242: {  	v0 =	vadd.f32 v1, v0;
	_ =	sdelay $0x1  }
0x243: {  	[tilespmem:s2+$0xFFFFFFA0] =	vst v0;
	v0 =	vld [tilespmem:s2+$0xFFFFFFB0]  }
0x244: {  	v1 =	vld [tilespmem:s31+$0xFFFFFFE0];
	_ =	sdelay $0x4  }
0x245: {  	v0 =	vadd.f32 v1, v0;
	_ =	sdelay $0x1  }
0x246: {  	[tilespmem:s2+$0xFFFFFFB0] =	vst v0;
	v0 =	vld [tilespmem:s2+$0xFFFFFFC0]  }
0x247: {  	v1 =	vld [tilespmem:s31+$0xFFFFFFF0];
	_ =	sdelay $0x4  }
0x248: {  	v0 =	vadd.f32 v1, v0;
	_ =	sdelay $0x1  }
0x249: {  	[tilespmem:s2+$0xFFFFFFC0] =	vst v0;
	v0 =	vld [tilespmem:s2+$0xFFFFFFD0]  }
0x24a: {  	v1 =	vld [tilespmem:s31+$0x0];
	_ =	sdelay $0x4  }
0x24b: {  	v0 =	vadd.f32 v1, v0;
	_ =	sdelay $0x1  }
0x24c: {  	[tilespmem:s2+$0xFFFFFFD0] =	vst v0;
	v0 =	vld [tilespmem:s2+$0xFFFFFFE0]  }
0x24d: {  	v1 =	vld [tilespmem:s31+$0x10];
	_ =	sdelay $0x4  }
0x24e: {  	v0 =	vadd.f32 v1, v0;
	_ =	sdelay $0x1  }
0x24f: {  	[tilespmem:s2+$0xFFFFFFE0] =	vst v0;
	v0 =	vld [tilespmem:s2+$0xFFFFFFF0]  }
0x250: {  	v1 =	vld [tilespmem:s31+$0x20];
	_ =	sdelay $0x4  }
0x251: {  	v0 =	vadd.f32 v1, v0;
	_ =	sdelay $0x1  }
0x252: {  	[tilespmem:s2+$0xFFFFFFF0] =	vst v0;
	v0 =	vld [tilespmem:s2+$0x0]  }
0x253: {  	v1 =	vld [tilespmem:s31+$0x30];
	_ =	sdelay $0x1  }
.Ltmp22:
0x254: {  	(pc) =	sbr.rel @p0 .LBB2_46-.Ltmp22, $3  }
0x255: {  	_ =	sdelay $0x1  }
0x256: {  	v0 =	vadd.f32 v1, v0  }
0x257: {  	s2 =	sadd.s32 $0x100, s2  }
0x258: {  	s0 =	simm.s32 $0x80  }
0x259: {  	[tilespmem:s30+$0x0] =	vst v0;
	s2 =	simm.s32 $0x10;
	s31 =	sadd.s32 $0x0, s20;
	s30 =	simm.s32 $0x180  }
.LBB2_48:
0x25a: {  	[hbm4b:s31+s1] =	stream.linear.scatter [tilespmem:s0], [sflag:$0x5], $0x80, $0x38;
	[tilespmem:$0x18000] =	vst v63  }
0x25b: {  	s31 =	smov.u32 s2;
	s0 =	smov.u32 s30;
	p0 =	sne.s32 s2, $0xFF0  }
.Ltmp23:
0x25c: {  	s2 =	sadd.s32 $0x10, s2;
	(pc) =	sbr.rel @p0 .LBB2_48-.Ltmp23, $2  }
0x25d: {  	_ =	sdelay $0x2  }
0x25e: {  	s30 =	sadd.s32 $0x100, s30;
	s31 =	sadd.s32 s31, s20  }
0x25f: {  	[hbm4b:s31+s1] =	stream.linear.scatter [tilespmem:s0], [sflag:$0x5], $0x80, $0x38;
	[tilespmem:$0x18000] =	vst v63  }
0x260: {  	s29 =	sadd.s32 $0x1, s29  }
0x261: {  	_ =	swait.ge [sflag:s25], $0x8000;
	p0 =	sne.s32 s29, s21  }
.Ltmp24:
0x262: {  	[sflag:s25] =	ssyncset.done $0x0;
	(pc) =	sbr.rel @p0 .LBB2_1-.Ltmp24, $4  }
0x263: {  	[sflag:s25] =	ssyncadd.s32 $0xFFFF8000  }
0x264: {  	_ =	swait.ge [sflag:s28], $0x8000  }
0x265: {  	[sflag:s28] =	ssyncset.done $0x0  }
0x266: {  	[sflag:s28] =	ssyncadd.s32 $0xFFFF8000  }
0x267: {  	_ =	sfence.sel $0x180000  }
0x268: {  	[bflag:$0x0] =	sbarrier.arrive $0xFFFF  }
0x269: {  	_ =	strace $0x9000004A  }
0x26a: {  	s0 =	stileid.u32;
	[bflag:$0x2] =	sbarrier.arrive $0xFFFF  }
0x26b: {  	p0 =	sne.s32 s0, $0x0;
	s0 =	rddreg [dreg:$0x2]  }
0x26c: {  	s0 =	sadd.s32 @!p0 $0x100000, s0  }
0x26d: {  	[sflag:s0] =	ssyncadd.tile.s32 @!p0 $0x1;
	_ =	shalt  }
.Lfunc_end2:
_tile_overlayer_lowered:
.L_overlay_start_2:
0x26e: {  	(tag) =	ssettag $0x2  }
0x26f: {  	s0 =	rddreg [dreg:$0x0];
	s2 =	stileid.u32  }
0x270: {  	s1 =	rddreg [dreg:$0x1];
	p0 =	sne.s32 s2, $0x0  }
0x271: {  	s3 =	rddreg [dreg:$0x2];
	[bflag:$0x3] =	sbarrier.arrive $0xFFFF;
	s2 =	simm.s32 @!p0 $0x1C06  }
0x272: {  	[timem:s3], [sflag:s2] =	dma.local @!p0 [hbm:s0], s1  }
0x273: {  	s0 =	simm.s32 @!p0 $0x6  }
0x274: {  	_ =	swait.ge @!p0 [sflag:s0], s1  }
0x275: {  	s1 =	ssub.s32 @!p0 $0x0, s1;
	[sflag:s0] =	ssyncset.done @!p0 $0x0  }
0x276: {  	[sflag:s0] =	ssyncadd.s32 @!p0 s1  }
0x277: {  	[bflag:$0x3] =	sbarrier.arrive $0xFFFF  }
0x278: {  	_ =	shalt  }

// kernel: sparse-core-data-format-call.cloned.1.call-start
scs
called_computation_lowered:
.L_overlay_start_0:
0x0: {  	s2 =	sld [smem:$0x3FD9]  }
0x1: {  	s3 =	sld [smem:$0x3FFE];
	_ =	sdelay $0x1  }
0x2: {  	s1 =	srdreg.scid  }
0x3: {  	s0 =	sand.u32 $0x1, s1  }
0x4: {  	s19 =	sshll.u32 s0, $0xA;
	s2 =	sadd.s32 s3, s2  }
0x5: {  	s2 =	sadd.s32 s2, s19  }
0x6: {  	[smem:$0x3FC6] =	sst s2  }
0x7: {  	_ = 	snop  }
0x8: {  	s2 =	sld [smem:$0x3FC9]  }
0x9: {  	s20 =	sld [smem:$0x3FD0];
	(tm) =	ssettm $0x1  }
0xa: {  	s4 =	sld [smem:$0x3FFB];
	_ =	sdelay $0x3  }
0xb: {  	_ =	strace s4  }
0xc: {  	s4 =	sld [smem:$0x3FFC];
	_ =	sdelay $0x3  }
0xd: {  	_ =	strace s4  }
0xe: {  	s4 =	sld [smem:$0x3FFD];
	_ =	sdelay $0x3  }
0xf: {  	_ =	strace s4  }
0x10: {  	_ =	strace $0x8FFFFFFF  }
0x11: {  	s21 =	sld [smem:$0x3FDB];
	_ =	sdelay $0x1  }
0x12: {  	s5 =	simm.s32 $_scs_section_size  }
0x13: {  	s6 =	simm.s32 $_size__tile_overlayer_lowered;
	s7 =	simm.s32 $_tile_overlayer_lowered  }
0x14: {  	s24 =	simm.s32 $0x1BFF;
	s23 =	sshll.u32 s7, $0x1;
	s4 =	sadd.s32 s5, s21  }
0x15: {  	s8 =	simm.s32 $0x0;
	s22 =	sshll.u32 s6, $0x1;
	s6 =	sadd.s32 s23, s4  }
0x16: {  	[timem:s8], [sflag:s24] =	dma.local [hbm:s6], s22  }
0x17: {  	_ =	swait.ge [sflag:s24], s22  }
0x18: {  	s5 =	ssub.s32 $0x0, s22;
	[sflag:s24] =	ssyncset.done $0x0  }
0x19: {  	[sflag:s24] =	ssyncadd.s32 s5;
	_ =	sdelay $0x1  }
0x1a: {  	s25 =	simm.s32 $0x1B8B  }
0x1b: {  	_ =	swait.ge [sflag:s25], $0x1  }
0x1c: {  	[sflag:s25] =	ssyncset.done $0x0  }
0x1d: {  	s26 =	simm.s32 $0x1B8E;
	[sflag:s25] =	ssyncadd.s32 $0xFFFFFFFF  }
0x1e: {  	s27 =	simm.s32 $execute0_lowered;
	[smem:$0x3FD2] =	sst s26  }
0x1f: {  	s5 =	sshll.u32 s27, $0x1;
	_ =	strace $0x80000046;
	[dreg:$0x1] =	wrdreg $0xFFFFFFFF  }
0x20: {  	s28 =	simm.s32 $_size_execute0_lowered;
	s4 =	sadd.s32 s4, s5;
	[dreg:$0x0] =	wrdreg $0x0  }
0x21: {  	s5 =	sshll.u32 s28, $0x1;
	[dreg:$0x2] =	wrdreg s4  }
0x22: {  	[dreg:$0x3] =	wrdreg s5  }
0x23: {  	[dreg:$0x4] =	wrdreg $0xC0  }
0x24: {  	_ =	task [dreg:s8], $0x5FFFF  }
0x25: {  	[dreg:$0x1] =	wrdreg $0xFFFFFFFF  }
0x26: {  	[dreg:$0x0] =	wrdreg $0x60  }
0x27: {  	[dreg:$0x2] =	wrdreg s2  }
0x28: {  	[dreg:$0x3] =	wrdreg s20  }
0x29: {  	[dreg:$0x4] =	wrdreg $0x9  }
0x2a: {  	_ =	task.clear_ibuf [dreg:s8], $0x5FFFF;
	_ =	strace $0x90000046  }
0x2b: {  	s29 =	simm.s32 $0x9;
	_ =	strace $0x80000048  }
0x2c: {  	_ =	swait.ge [sflag:s29], $0x1  }
0x2d: {  	[sflag:s29] =	ssyncadd.s32 $0xFFFFFFFF  }
0x2e: {  	_ =	strace $0x90000048  }
0x2f: {  	_ =	sfence  }
0x30: {  	s30 =	sld [smem:$0x0];
	_ =	sdelay $0x2  }
0x31: {  	s31 =	sshll.u32 s1, $0xD;
	s1 =	sshrl.u32 s1, $0x2  }
0x32: {  	s3 =	sand.u32 $0x4000, s31;
	s1 =	sadd.s32 s1, s30  }
0x33: {  	s0 =	sor.u32 s3, s0;
	s1 =	sshll.u32 s1, $0x11  }
0x34: {  	s0 =	sor.u32 s1, s0  }
0x35: {  	s0 =	sadd.s32 $0x8F2B, s0  }
0x36: {  	[sflag:s0] =	ssyncadd.remote.s32 $0x1  }
0x37: {  	_ =	sfence.sel $0xFFFF  }
0x38: {  	[dreg:$0x0] =	wrdreg $0xFFFFFFFF;
	(pc) =	sbr.abs _section_cstart, $3  }
0x39: {  	[dreg:$0x1] =	wrdreg $0xFFFFFFFF  }
0x3a: {  	_ =	task.clear_ibuf [dreg:s8], $0x2FFFF;
	_ =	strace $0x9FFFFFFF  }
0x3b: {  	(tm) =	ssettm $0x7FFFFFFF  }
tec
execute0_lowered:
.L_overlay_start_1:
0x0: {  	(tag) =	ssettag $0x1  }
0x1: {  	s0 =	srdreg.scid  }
0x2: {  	s1 =	sshll.u32 s0, $0x4  }
0x3: {  	s2 =	rddreg [dreg:$0x0];
	s0 =	stileid.u32;
	s1 =	sand.u32 $0x10, s1  }
0x4: {  	s4 =	rddreg [dreg:$0x1];
	s1 =	sor.u32 s0, s1  }
0x5: {  	s7 =	simm.s32 $0x1;
	s8 =	simm.s32 $0x2;
	s3 =	sshll.u32 s1, $0x1  }
0x6: {  	s9 =	simm.s32 $0x0;
	s12 =	simm.s32 $0x0;
	s6 =	ssub.s32 $0x400, s3  }
.Ltmp0:
0x7: {  	s11 =	simm.s32 $0x0;
	s5 =	sand.u32 $0x3E, s6;
	(pc) =	sbr.rel .LBB1_1-.Ltmp0, $4  }
0x8: {  	s1 =	rddreg [dreg:$0x2];
	_ =	strace $0x80000047;
	p0 =	sne.s32 s5, $0x0  }
0x9: {  	s6 =	sshrl.u32 s6, $0x6;
	s5 =	simm.s32 $0x1;
	s7 =	simm.s32 @!p0 $0x0  }
0xa: {  	s10 =	smov.u32 s3;
	[sflag:s5] =	ssyncpa.u1 $0x0;
	s6 =	sadd.s32 s7, s6  }
0xb: {  	[sflag:s8] =	ssyncpa.u1 $0x0;
	s8 =	simm.s32 $0x0;
	s7 =	sadd.s32 $0x1, s6  }
.LBB1_9:
0xc: {  	s14 =	sadd.s32 $0x40, s10  }
0xd: {  	p1 =	sgt.s32 s14, $0x3FF  }
0xe: {  	s14 =	smov.u32 @p1 s3;
	p1 =	sne.s32 s11, s7  }
.Ltmp1:
0xf: {  	p0 =	slt.u32 s11, $0x2;
	(pc) =	sbr.rel @!p1 .LBB1_10-.Ltmp1, $4  }
0x10: {  	s13 =	simm.s32 @!p0 $0x2  }
0x11: {  	s15 =	sadd.s32 $0x1, s11;
	_ =	swait.ge @!p0 [sflag:s13], $0x4000  }
0x12: {  	s12 =	smov.u32 s10;
	s9 =	sadd.s32 $0x4000, s9;
	[sflag:s13] =	ssyncset.done @!p0 $0x0  }
0x13: {  	s11 =	smov.u32 s15;
	s10 =	smov.u32 s14;
	[sflag:s13] =	ssyncadd.s32 @!p0 $0xFFFFC000  }
.LBB1_1:
0x14: {  	p0 =	sge.u32 s11, s6  }
0x15: {  	s13 =	sxor.u32 @!p0 $0xFFFFFFFF, s11  }
0x16: {  	s31 =	sadd.s32 $0xFFFFFFFF, s11;
	s14 =	sshll.u32 @!p0 s10, $0xA;
	s13 =	sshll.u32 @!p0 s13, $0xE  }
0x17: {  	s15 =	simm.s32 @!p0 $0x0;
	s14 =	sadd.s32 @!p0 s2, s14;
	s13 =	sand.u32 @!p0 $0x4000, s13  }
0x18: {  	[tilespmem:s13], [sflag:$0x1] =	stream.linear.gather @!p0 [hbm4b:s14+s15], $0x4000, $0x38;
	[tilespmem:$0x10000] =	vst v63  }
0x19: {  	p0 =	sge.u32 s31, s6  }
.Ltmp2:
0x1a: {  	_ = 	snop;
	(pc) =	sbr.rel @p0 .LBB1_9-.Ltmp2, $1  }
0x1b: {  	_ =	sdelay $0x3  }
0x1c: {  	s13 =	sshll.u32 s9, $0x2  }
0x1d: {  	_ =	swait.ge [sflag:s5], $0x4000;
	s14 =	sshll.u32 s11, $0xE;
	s16 =	simm.s32 $0x0  }
0x1e: {  	p1 =	por $0x1, $0x1;
	s13 =	sand.u32 $0x10000, s13;
	[sflag:s5] =	ssyncset.done $0x0  }
0x1f: {  	s14 =	sand.u32 $0x4000, s14;
	s15 =	sshrl.u32 s13, $0x2;
	[sflag:s5] =	ssyncadd.s32 $0xFFFFC000  }
0x20: {  	s13 =	sor.u32 $0x8000, s14;
	s14 =	sadd.s32 $0x8040, s15;
	s15 =	sadd.s32 $0x40, s15  }
.LBB1_3:
0x21: {  	s16 =	sshll.u32 s16, $0x2  }
0x22: {  	p0 =	por p1, p1;
	s17 =	sshra.s32 s16, $0x2  }
0x23: {  	s18 =	simm.s32 $0x0;
	s16 =	sadd.s32 s17, s14;
	s17 =	sadd.s32 s17, s15  }
.LBB1_4:
0x24: {  	v0 =	vmov s17;
	_ =	sdelay $0x3  }
0x25: {  	s20 =	simm.s32 $0x0  }
0x26: {  	v6 =	vld.idx.msk [tilespmem:v0+s20+$0x30 ss:$0x1], $0xffff  }
0x27: {  	v7 =	vld.idx.msk [tilespmem:v0+s20+$0xFFFFFFC0 ss:$0x1], $0xffff  }
0x28: {  	v5 =	vld.idx.msk [tilespmem:v0+s20+$0xFFFFFFD0 ss:$0x1], $0xffff  }
0x29: {  	v4 =	vld.idx.msk [tilespmem:v0+s20+$0xFFFFFFE0 ss:$0x1], $0xffff  }
0x2a: {  	v3 =	vld.idx.msk [tilespmem:v0+s20+$0xFFFFFFF0 ss:$0x1], $0xffff  }
0x2b: {  	v1 =	vld.idx.msk [tilespmem:v0+s20+$0x0 ss:$0x1], $0xffff  }
0x2c: {  	v2 =	vld.idx.msk [tilespmem:v0+s20+$0x10 ss:$0x1], $0xffff;
	[tilespmem:s16+$0x30] =	vst v6  }
0x2d: {  	s19 =	simm.s32 $0x80;
	s21 =	simm.s32 $0x400;
	[tilespmem:s16+$0xFFFFFFC0] =	vst v7;
	v6 =	vld.idx.msk [tilespmem:v0+s20+$0x20 ss:$0x1], $0xffff;
	s20 =	smov.u32 s16  }
.LBB1_5:
0x2e: {  	p1 =	sne.s32 s21, $0xE00;
	v7 =	vld.idx.msk [tilespmem:v0+s19+$0x30 ss:$0x1], $0xffff;
	[tilespmem:s20+$0xFFFFFFD0] =	vst v5  }
0x2f: {  	v8 =	vld.idx.msk [tilespmem:v0+s19+$0xFFFFFFC0 ss:$0x1], $0xffff;
	[tilespmem:s20+$0xFFFFFFE0] =	vst v4  }
0x30: {  	v5 =	vld.idx.msk [tilespmem:v0+s19+$0xFFFFFFD0 ss:$0x1], $0xffff;
	[tilespmem:s20+$0xFFFFFFF0] =	vst v3  }
.Ltmp3:
0x31: {  	v4 =	vld.idx.msk [tilespmem:v0+s19+$0xFFFFFFE0 ss:$0x1], $0xffff;
	[tilespmem:s20+$0x0] =	vst v1;
	(pc) =	sbr.rel @p1 .LBB1_5-.Ltmp3, $4  }
0x32: {  	v3 =	vld.idx.msk [tilespmem:v0+s19+$0xFFFFFFF0 ss:$0x1], $0xffff;
	[tilespmem:s20+$0x10] =	vst v2  }
0x33: {  	v1 =	vld.idx.msk [tilespmem:v0+s19+$0x0 ss:$0x1], $0xffff;
	[tilespmem:s20+$0x20] =	vst v6;
	s20 =	sadd.s32 $0x400, s20  }
0x34: {  	v2 =	vld.idx.msk [tilespmem:v0+s19+$0x10 ss:$0x1], $0xffff;
	[tilespmem:s20+$0x30] =	vst v7  }
0x35: {  	[tilespmem:s20+$0xFFFFFFC0] =	vst v8;
	v6 =	vld.idx.msk [tilespmem:v0+s19+$0x20 ss:$0x1], $0xffff;
	s19 =	sshra.s32 s21, $0x2;
	s21 =	sadd.s32 $0x200, s21  }
0x36: {  	_ =	sdelay $0x2  }
0x37: {  	[tilespmem:s20+$0xFFFFFFD0] =	vst v5  }
0x38: {  	v56 =	vld.idx.msk [tilespmem:v0+s19+$0x30 ss:$0x1], $0xffff;
	[tilespmem:s20+$0xFFFFFFE0] =	vst v4  }
0x39: {  	v57 =	vld.idx.msk [tilespmem:v0+s19+$0xFFFFFFC0 ss:$0x1], $0xffff;
	[tilespmem:s20+$0xFFFFFFF0] =	vst v3  }
0x3a: {  	v58 =	vld.idx.msk [tilespmem:v0+s19+$0xFFFFFFD0 ss:$0x1], $0xffff;
	[tilespmem:s20+$0x0] =	vst v1  }
0x3b: {  	v59 =	vld.idx.msk [tilespmem:v0+s19+$0xFFFFFFE0 ss:$0x1], $0xffff;
	[tilespmem:s20+$0x10] =	vst v2  }
0x3c: {  	v60 =	vld.idx.msk [tilespmem:v0+s19+$0xFFFFFFF0 ss:$0x1], $0xffff;
	s31 =	sadd.s32 $0x400, s20;
	[tilespmem:s20+$0x20] =	vst v6  }
0x3d: {  	v61 =	vld.idx.msk [tilespmem:v0+s19+$0x0 ss:$0x1], $0xffff;
	[tilespmem:s31+$0x30] =	vst v56  }
0x3e: {  	v62 =	vld.idx.msk [tilespmem:v0+s19+$0x10 ss:$0x1], $0xffff;
	s18 =	sadd.s32 $0x1, s18;
	[tilespmem:s31+$0xFFFFFFC0] =	vst v57  }
0x3f: {  	v63 =	vld.idx.msk [tilespmem:v0+s19+$0x20 ss:$0x1], $0xffff;
	p1 =	sne.s32 s18, $0x8;
	[tilespmem:s31+$0xFFFFFFD0] =	vst v58  }
.Ltmp4:
0x40: {  	[tilespmem:s31+$0xFFFFFFE0] =	vst v59;
	(pc) =	sbr.rel @p1 .LBB1_4-.Ltmp4, $4  }
0x41: {  	[tilespmem:s31+$0xFFFFFFF0] =	vst v60  }
0x42: {  	[tilespmem:s31+$0x0] =	vst v61  }
0x43: {  	[tilespmem:s31+$0x10] =	vst v62  }
0x44: {  	s16 =	sadd.s32 $0x80, s16;
	s17 =	sadd.s32 $0x400, s17;
	[tilespmem:s31+$0x20] =	vst v63  }
.Ltmp5:
0x45: {  	(pc) =	sbr.rel @p0 .LBB1_3-.Ltmp5, $2  }
0x46: {  	_ =	sdelay $0x2  }
0x47: {  	s16 =	simm.s32 $0x2000;
	p1 =	por $0x0, $0x0  }
.Ltmp6:
0x48: {  	(pc) =	sbr.rel .LBB1_9-.Ltmp6, $4  }
0x49: {  	_ = 	snop  }
0x4a: {  	s12 =	sshll.u32 s12, $0xA  }
0x4b: {  	s12 =	sadd.s32 s4, s12  }
0x4c: {  	[hbm4b:s12+s8] =	stream.linear.scatter [tilespmem:s13], [sflag:$0x2], $0x4000, $0x38;
	[tilespmem:$0x10000] =	vst v63  }
.LBB1_10:
0x4d: {  	_ =	sfence.sel $0x180000  }
0x4e: {  	s2 =	simm.s32 $0x1;
	[bflag:$0x0] =	sbarrier.arrive $0xFFFF  }
0x4f: {  	s31 =	simm.s32 $0x2;
	[sflag:s2] =	ssyncpa.u1 $0x1  }
0x50: {  	[sflag:s31] =	ssyncpa.u1 $0x1  }
0x51: {  	p0 =	sne.s32 s0, $0x0;
	_ =	strace $0x90000047  }
0x52: {  	s0 =	sadd.s32 @!p0 $0x100000, s1;
	[bflag:$0x2] =	sbarrier.arrive $0xFFFF  }
0x53: {  	[sflag:s0] =	ssyncadd.tile.s32 @!p0 $0x1;
	_ =	shalt  }
.Lfunc_end1:
_tile_overlayer_lowered:
.L_overlay_start_2:
0x54: {  	(tag) =	ssettag $0x2  }
0x55: {  	s0 =	rddreg [dreg:$0x0];
	s2 =	stileid.u32  }
0x56: {  	s1 =	rddreg [dreg:$0x1];
	p0 =	sne.s32 s2, $0x0  }
0x57: {  	s3 =	rddreg [dreg:$0x2];
	[bflag:$0x3] =	sbarrier.arrive $0xFFFF;
	s2 =	simm.s32 @!p0 $0x1C01  }
0x58: {  	[timem:s3], [sflag:s2] =	dma.local @!p0 [hbm:s0], s1  }
0x59: {  	s0 =	simm.s32 @!p0 $0x1  }
0x5a: {  	_ =	swait.ge @!p0 [sflag:s0], s1  }
0x5b: {  	s1 =	ssub.s32 @!p0 $0x0, s1;
	[sflag:s0] =	ssyncset.done @!p0 $0x0  }
0x5c: {  	[sflag:s0] =	ssyncadd.s32 @!p0 s1  }
0x5d: {  	[bflag:$0x3] =	sbarrier.arrive $0xFFFF  }
0x5e: {  	_ =	shalt  }

</sc_bundles>
